<compile_context>
chip_gen: v7x
topology: tpu7x:2x2x1
jax: 0.10.2.dev20260603
libtpu: 0.0.44.dev20260713+nightly
codegen_flags: <defaults>
</compile_context>

<pallas_src>
import functools

import jax
import jax.numpy as jnp
from jax import lax
from jax.experimental import pallas as pl
from jax.experimental.pallas import tpu as pltpu
from jax.experimental.pallas import tpu_sc as plsc

NC = 2
NS = 16
NW = NC * NS
LANES = 16


def kernel(input, table):
    B, L = input.shape
    _, D = table.shape
    BPW = B // NW
    CH = 2
    NCH = BPW // CH
    KV = D // LANES

    idx = input.reshape(NW, NCH, CH * L).astype(jnp.int32)

    mesh = plsc.VectorSubcoreMesh(core_axis_name="c", subcore_axis_name="s")

    @functools.partial(
        pl.kernel,
        out_type=jax.ShapeDtypeStruct((B, D), jnp.float32),
        mesh=mesh,
        scratch_types=[
            pltpu.VMEM((NCH, CH * L), jnp.int32),
            pltpu.VMEM((CH * L, D), jnp.float32),
            pltpu.VMEM((CH * L, D), jnp.float32),
            pltpu.VMEM((BPW, D), jnp.float32),
            pltpu.SemaphoreType.DMA,
            pltpu.SemaphoreType.DMA,
        ],
        compiler_params=pltpu.CompilerParams(use_tc_tiling_on_sc=False),
    )
    def emb_mean(table_hbm, idx_hbm, out_hbm, idx_v, rows0, rows1, out_v, sem0, sem1):
        wid = lax.axis_index("s") * NC + lax.axis_index("c")
        pltpu.sync_copy(idx_hbm.at[wid], idx_v)

        rows = (rows0, rows1)
        sems = (sem0, sem1)
        inv_l = jnp.float32(1.0 / L)

        pltpu.async_copy(table_hbm.at[idx_v.at[0]], rows0, sem0)
        pltpu.async_copy(table_hbm.at[idx_v.at[1]], rows1, sem1)

        @pl.loop(0, NCH, step=2)
        def _(j):
            for b in range(2):
                jb = j + b
                pltpu.make_async_copy(
                    table_hbm.at[idx_v.at[jb]], rows[b], sems[b]
                ).wait()

                for c in range(CH):
                    accs = [
                        rows[b][c * L, pl.ds(k * LANES, LANES)] for k in range(KV)
                    ]
                    for r in range(1, L):
                        for k in range(KV):
                            accs[k] = accs[k] + rows[b][
                                c * L + r, pl.ds(k * LANES, LANES)
                            ]
                    for k in range(KV):
                        out_v[jb * CH + c, pl.ds(k * LANES, LANES)] = accs[k] * inv_l

                @pl.when(jb + 2 < NCH)
                def _():
                    pltpu.async_copy(table_hbm.at[idx_v.at[jb + 2]], rows[b], sems[b])

        pltpu.sync_copy(out_v, out_hbm.at[pl.ds(wid * BPW, BPW)])

    return emb_mean(table, idx)

# --- scband reference (transcript-rebuilt; emitter-appended) ---
"""Pipeline reference for scband-remote-em-2671469658255 (READ-ONLY COPY).

The authoritative reference and input builder live on the scoring server;
editing this copy changes nothing except your own understanding.
"""

import jax, jax.numpy as jnp
import numpy as np

NUM_EMBEDDINGS = 1000000
EMBEDDING_DIM = 32
BATCH = 16384
HIST_LEN = 50


def setup_inputs(seed: int = 0) -> dict:
    key = jax.random.key(seed)
    k1, _ = jax.random.split(key)
    indices = jax.random.randint(k1, (BATCH, HIST_LEN), 0, NUM_EMBEDDINGS, dtype=jnp.int64 if jax.config.jax_enable_x64 else jnp.int32)
    # RemoteEM initializes the EmbeddingBag weight to all ones
    table = jnp.ones((NUM_EMBEDDINGS, EMBEDDING_DIM), dtype=jnp.float32)
    return {"input": indices, "table": table}


def reference(input, table):
    # nn.EmbeddingBag with default mode='mean' and 2D input:
    # each row of `input` is a bag; gather rows from the table and mean-pool per bag.
    gathered = jnp.take(table, input, axis=0)  # [B, L, D]
    out = jnp.mean(gathered, axis=1)           # [B, D]
    return out

if __name__ == "__main__":
    import jax
    _d = setup_inputs()
    print(jax.jit(kernel)(*tuple(_d.values())))

</pallas_src>

<mosaic_0001>
#map = affine_map<(d0, d1) -> (0, 0)>
#map1 = affine_map<(d0, d1) -> (0, 0, 0)>
module attributes {stable_mosaic.version = 14 : i64} {
  func.func @emb_mean(%arg0: i32, %arg1: i32, %arg2: memref<1000000x32xf32, #tpu.memory_space<hbm>>, %arg3: memref<32x256x100xi32, #tpu.memory_space<hbm>>, %arg4: memref<16384x32xf32, #tpu.memory_space<hbm>>, %arg5: memref<256x100xi32, #tpu.memory_space<vmem>>, %arg6: memref<100x32xf32, #tpu.memory_space<vmem>>, %arg7: memref<100x32xf32, #tpu.memory_space<vmem>>, %arg8: memref<512x32xf32, #tpu.memory_space<vmem>>, %arg9: memref<!tpu.dma_semaphore, #tpu.memory_space<semaphore_mem>>, %arg10: memref<!tpu.dma_semaphore, #tpu.memory_space<semaphore_mem>>) attributes {dimension_semantics = [#tpu.dimension_semantics<core_parallel>, #tpu.dimension_semantics<subcore_parallel>], iteration_bounds = array<i64: 2, 16>, scalar_prefetch = 0 : i64, scratch_operands = 6 : i64, tpu.core_type = #tpu.core_type<sc_vector_subcore>, window_params = [{transform_indices = #map}, {transform_indices = #map1}, {transform_indices = #map}]} {
    %mul3A = arith.constant 2 : i32
    %mul3A_0 = arith.muli %arg1, %mul3A : i32
    %add3A = arith.addi %mul3A_0, %arg0 : i32
    "tpu.region"() ({
      %run_scoped3A = tpu.sem_alloc : memref<!tpu.dma_semaphore, #tpu.memory_space<semaphore_mem>>
      %dma_start3A_21 = arith.constant 0 : i32
      %dma_start3A_22 = arith.constant 0 : i32
      %dma_start3A_23 = tpu.memref_slice %arg3[%add3A, %dma_start3A_21, %dma_start3A_22] : memref<32x256x100xi32, #tpu.memory_space<hbm>> -> memref<1x256x100xi32, #tpu.memory_space<hbm>>
      %dma_start3A_24 = tpu.memref_squeeze %dma_start3A_23 : memref<1x256x100xi32, #tpu.memory_space<hbm>> -> memref<256x100xi32, #tpu.memory_space<hbm>>
      %dma_start3A_25 = arith.constant 0 : i32
      %dma_start3A_26 = arith.constant 0 : i32
      %dma_start3A_27 = tpu.memref_slice %arg3[%add3A, %dma_start3A_25, %dma_start3A_26] : memref<32x256x100xi32, #tpu.memory_space<hbm>> -> memref<1x256x100xi32, #tpu.memory_space<hbm>>
      %dma_start3A_28 = tpu.memref_squeeze %dma_start3A_27 : memref<1x256x100xi32, #tpu.memory_space<hbm>> -> memref<256x100xi32, #tpu.memory_space<hbm>>
      tpu.enqueue_dma source(%dma_start3A_28 : memref<256x100xi32, #tpu.memory_space<hbm>>) target(%arg5 : memref<256x100xi32, #tpu.memory_space<vmem>>) target_semaphore(%run_scoped3A : memref<!tpu.dma_semaphore, #tpu.memory_space<semaphore_mem>>)
      %dma_wait3A = arith.constant 0 : i32
      %dma_wait3A_29 = arith.constant 0 : i32
      %dma_wait3A_30 = tpu.memref_slice %arg3[%add3A, %dma_wait3A, %dma_wait3A_29] : memref<32x256x100xi32, #tpu.memory_space<hbm>> -> memref<1x256x100xi32, #tpu.memory_space<hbm>>
      %dma_wait3A_31 = tpu.memref_squeeze %dma_wait3A_30 : memref<1x256x100xi32, #tpu.memory_space<hbm>> -> memref<256x100xi32, #tpu.memory_space<hbm>>
      %dma_wait3A_32 = arith.constant 0 : i32
      %dma_wait3A_33 = arith.constant 0 : i32
      %dma_wait3A_34 = tpu.memref_slice %arg3[%add3A, %dma_wait3A_32, %dma_wait3A_33] : memref<32x256x100xi32, #tpu.memory_space<hbm>> -> memref<1x256x100xi32, #tpu.memory_space<hbm>>
      %dma_wait3A_35 = tpu.memref_squeeze %dma_wait3A_34 : memref<1x256x100xi32, #tpu.memory_space<hbm>> -> memref<256x100xi32, #tpu.memory_space<hbm>>
      tpu.wait_dma2 semaphore(%run_scoped3A : memref<!tpu.dma_semaphore, #tpu.memory_space<semaphore_mem>>) src(%dma_wait3A_35 : memref<256x100xi32, #tpu.memory_space<hbm>>) dst(%arg5 : memref<256x100xi32, #tpu.memory_space<vmem>>)
      tpu.yield
    }) : () -> ()
    %dma_start3A = arith.constant 0 : i32
    %dma_start3A_1 = arith.constant 0 : i32
    %dma_start3A_2 = tpu.memref_slice %arg5[%dma_start3A, %dma_start3A_1] : memref<256x100xi32, #tpu.memory_space<vmem>> -> memref<1x100xi32, #tpu.memory_space<vmem>>
    %dma_start3A_3 = tpu.memref_squeeze %dma_start3A_2 : memref<1x100xi32, #tpu.memory_space<vmem>> -> memref<100xi32, #tpu.memory_space<vmem>>
    %dma_start3A_4 = arith.constant 0 : i32
    %dma_start3A_5 = arith.constant 0 : i32
    %dma_start3A_6 = tpu.memref_slice %arg2[%dma_start3A_4, %dma_start3A_5] : memref<1000000x32xf32, #tpu.memory_space<hbm>> -> memref<1000000x32xf32, #tpu.memory_space<hbm>>
    tpu.enqueue_indirect_dma source(%dma_start3A_6 : memref<1000000x32xf32, #tpu.memory_space<hbm>>) target(%arg6 : memref<100x32xf32, #tpu.memory_space<vmem>>) offsets(%dma_start3A_3 : memref<100xi32, #tpu.memory_space<vmem>>) semaphore(%arg9 : memref<!tpu.dma_semaphore, #tpu.memory_space<semaphore_mem>>)
    %dma_start3A_7 = arith.constant 1 : i32
    %dma_start3A_8 = arith.constant 0 : i32
    %dma_start3A_9 = tpu.memref_slice %arg5[%dma_start3A_7, %dma_start3A_8] : memref<256x100xi32, #tpu.memory_space<vmem>> -> memref<1x100xi32, #tpu.memory_space<vmem>>
    %dma_start3A_10 = tpu.memref_squeeze %dma_start3A_9 : memref<1x100xi32, #tpu.memory_space<vmem>> -> memref<100xi32, #tpu.memory_space<vmem>>
    %dma_start3A_11 = arith.constant 0 : i32
    %dma_start3A_12 = arith.constant 0 : i32
    %dma_start3A_13 = tpu.memref_slice %arg2[%dma_start3A_11, %dma_start3A_12] : memref<1000000x32xf32, #tpu.memory_space<hbm>> -> memref<1000000x32xf32, #tpu.memory_space<hbm>>
    tpu.enqueue_indirect_dma source(%dma_start3A_13 : memref<1000000x32xf32, #tpu.memory_space<hbm>>) target(%arg7 : memref<100x32xf32, #tpu.memory_space<vmem>>) offsets(%dma_start3A_10 : memref<100xi32, #tpu.memory_space<vmem>>) semaphore(%arg10 : memref<!tpu.dma_semaphore, #tpu.memory_space<semaphore_mem>>)
    %scan3A = arith.constant 2.000000e-02 : f32
    %scan3A_14 = arith.constant 0 : i32
    %scan3A_15 = arith.constant 128 : i32
    %scan3A_16 = arith.addi %scan3A_14, %scan3A_15 : i32
    %scan3A_17 = arith.constant 1 : i32
    scf.for %scan3A_21 = %scan3A_14 to %scan3A_16 step %scan3A_17  : i32 {
      %mul3A_22 = arith.constant 2 : i32
      %mul3A_23 = arith.muli %scan3A_21, %mul3A_22 : i32
      %add3A_24 = arith.constant 0 : i32
      %add3A_25 = arith.addi %add3A_24, %mul3A_23 : i32
      %add3A_26 = arith.constant 0 : i32
      %add3A_27 = arith.addi %add3A_25, %add3A_26 : i32
      %dma_wait3A = arith.constant 0 : i32
      %dma_wait3A_28 = tpu.memref_slice %arg5[%add3A_27, %dma_wait3A] : memref<256x100xi32, #tpu.memory_space<vmem>> -> memref<1x100xi32, #tpu.memory_space<vmem>>
      %dma_wait3A_29 = tpu.memref_squeeze %dma_wait3A_28 : memref<1x100xi32, #tpu.memory_space<vmem>> -> memref<100xi32, #tpu.memory_space<vmem>>
      %dma_wait3A_30 = arith.constant 0 : i32
      %dma_wait3A_31 = arith.constant 0 : i32
      %dma_wait3A_32 = tpu.memref_slice %arg2[%dma_wait3A_30, %dma_wait3A_31] : memref<1000000x32xf32, #tpu.memory_space<hbm>> -> memref<1000000x32xf32, #tpu.memory_space<hbm>>
      tpu.wait_indirect_dma semaphore(%arg9 : memref<!tpu.dma_semaphore, #tpu.memory_space<semaphore_mem>>) src(%dma_wait3A_32 : memref<1000000x32xf32, #tpu.memory_space<hbm>>) dst(%arg6 : memref<100x32xf32, #tpu.memory_space<vmem>>)
      %get3A = arith.constant 0 : i32
      %get3A_33 = arith.index_cast %get3A : i32 to index
      %get3A_34 = arith.constant 0 : index
      %get3A_35 = tpu.vector_load %arg6[%get3A_33, %get3A_34] {strides = array<i32>} : memref<100x32xf32, #tpu.memory_space<vmem>>, vector<1x16xf32>,
      %get3A_36 = vector.shape_cast %get3A_35 : vector<1x16xf32> to vector<16xf32>
      %get3A_37 = arith.constant 0 : i32
      %get3A_38 = arith.index_cast %get3A_37 : i32 to index
      %get3A_39 = arith.constant 16 : index
      %get3A_40 = tpu.vector_load %arg6[%get3A_38, %get3A_39] {strides = array<i32>} : memref<100x32xf32, #tpu.memory_space<vmem>>, vector<1x16xf32>,
      %get3A_41 = vector.shape_cast %get3A_40 : vector<1x16xf32> to vector<16xf32>
      %get3A_42 = arith.constant 1 : i32
      %get3A_43 = arith.index_cast %get3A_42 : i32 to index
      %get3A_44 = arith.constant 0 : index
      %get3A_45 = tpu.vector_load %arg6[%get3A_43, %get3A_44] {strides = array<i32>} : memref<100x32xf32, #tpu.memory_space<vmem>>, vector<1x16xf32>,
      %get3A_46 = vector.shape_cast %get3A_45 : vector<1x16xf32> to vector<16xf32>
      %add3A_47 = arith.addf %get3A_36, %get3A_46 : vector<16xf32>
      %get3A_48 = arith.constant 1 : i32
      %get3A_49 = arith.index_cast %get3A_48 : i32 to index
      %get3A_50 = arith.constant 16 : index
      %get3A_51 = tpu.vector_load %arg6[%get3A_49, %get3A_50] {strides = array<i32>} : memref<100x32xf32, #tpu.memory_space<vmem>>, vector<1x16xf32>,
      %get3A_52 = vector.shape_cast %get3A_51 : vector<1x16xf32> to vector<16xf32>
      %add3A_53 = arith.addf %get3A_41, %get3A_52 : vector<16xf32>
      %get3A_54 = arith.constant 2 : i32
      %get3A_55 = arith.index_cast %get3A_54 : i32 to index
      %get3A_56 = arith.constant 0 : index
      %get3A_57 = tpu.vector_load %arg6[%get3A_55, %get3A_56] {strides = array<i32>} : memref<100x32xf32, #tpu.memory_space<vmem>>, vector<1x16xf32>,
      %get3A_58 = vector.shape_cast %get3A_57 : vector<1x16xf32> to vector<16xf32>
      %add3A_59 = arith.addf %add3A_47, %get3A_58 : vector<16xf32>
      %get3A_60 = arith.constant 2 : i32
      %get3A_61 = arith.index_cast %get3A_60 : i32 to index
      %get3A_62 = arith.constant 16 : index
      %get3A_63 = tpu.vector_load %arg6[%get3A_61, %get3A_62] {strides = array<i32>} : memref<100x32xf32, #tpu.memory_space<vmem>>, vector<1x16xf32>,
      %get3A_64 = vector.shape_cast %get3A_63 : vector<1x16xf32> to vector<16xf32>
      %add3A_65 = arith.addf %add3A_53, %get3A_64 : vector<16xf32>
      %get3A_66 = arith.constant 3 : i32
      %get3A_67 = arith.index_cast %get3A_66 : i32 to index
      %get3A_68 = arith.constant 0 : index
      %get3A_69 = tpu.vector_load %arg6[%get3A_67, %get3A_68] {strides = array<i32>} : memref<100x32xf32, #tpu.memory_space<vmem>>, vector<1x16xf32>,
      %get3A_70 = vector.shape_cast %get3A_69 : vector<1x16xf32> to vector<16xf32>
      %add3A_71 = arith.addf %add3A_59, %get3A_70 : vector<16xf32>
      %get3A_72 = arith.constant 3 : i32
      %get3A_73 = arith.index_cast %get3A_72 : i32 to index
      %get3A_74 = arith.constant 16 : index
      %get3A_75 = tpu.vector_load %arg6[%get3A_73, %get3A_74] {strides = array<i32>} : memref<100x32xf32, #tpu.memory_space<vmem>>, vector<1x16xf32>,
      %get3A_76 = vector.shape_cast %get3A_75 : vector<1x16xf32> to vector<16xf32>
      %add3A_77 = arith.addf %add3A_65, %get3A_76 : vector<16xf32>
      %get3A_78 = arith.constant 4 : i32
      %get3A_79 = arith.index_cast %get3A_78 : i32 to index
      %get3A_80 = arith.constant 0 : index
      %get3A_81 = tpu.vector_load %arg6[%get3A_79, %get3A_80] {strides = array<i32>} : memref<100x32xf32, #tpu.memory_space<vmem>>, vector<1x16xf32>,
      %get3A_82 = vector.shape_cast %get3A_81 : vector<1x16xf32> to vector<16xf32>
      %add3A_83 = arith.addf %add3A_71, %get3A_82 : vector<16xf32>
      %get3A_84 = arith.constant 4 : i32
      %get3A_85 = arith.index_cast %get3A_84 : i32 to index
      %get3A_86 = arith.constant 16 : index
      %get3A_87 = tpu.vector_load %arg6[%get3A_85, %get3A_86] {strides = array<i32>} : memref<100x32xf32, #tpu.memory_space<vmem>>, vector<1x16xf32>,
      %get3A_88 = vector.shape_cast %get3A_87 : vector<1x16xf32> to vector<16xf32>
      %add3A_89 = arith.addf %add3A_77, %get3A_88 : vector<16xf32>
      %get3A_90 = arith.constant 5 : i32
      %get3A_91 = arith.index_cast %get3A_90 : i32 to index
      %get3A_92 = arith.constant 0 : index
      %get3A_93 = tpu.vector_load %arg6[%get3A_91, %get3A_92] {strides = array<i32>} : memref<100x32xf32, #tpu.memory_space<vmem>>, vector<1x16xf32>,
      %get3A_94 = vector.shape_cast %get3A_93 : vector<1x16xf32> to vector<16xf32>
      %add3A_95 = arith.addf %add3A_83, %get3A_94 : vector<16xf32>
      %get3A_96 = arith.constant 5 : i32
      %get3A_97 = arith.index_cast %get3A_96 : i32 to index
      %get3A_98 = arith.constant 16 : index
      %get3A_99 = tpu.vector_load %arg6[%get3A_97, %get3A_98] {strides = array<i32>} : memref<100x32xf32, #tpu.memory_space<vmem>>, vector<1x16xf32>,
      %get3A_100 = vector.shape_cast %get3A_99 : vector<1x16xf32> to vector<16xf32>
      %add3A_101 = arith.addf %add3A_89, %get3A_100 : vector<16xf32>
      %get3A_102 = arith.constant 6 : i32
      %get3A_103 = arith.index_cast %get3A_102 : i32 to index
      %get3A_104 = arith.constant 0 : index
      %get3A_105 = tpu.vector_load %arg6[%get3A_103, %get3A_104] {strides = array<i32>} : memref<100x32xf32, #tpu.memory_space<vmem>>, vector<1x16xf32>,
      %get3A_106 = vector.shape_cast %get3A_105 : vector<1x16xf32> to vector<16xf32>
      %add3A_107 = arith.addf %add3A_95, %get3A_106 : vector<16xf32>
      %get3A_108 = arith.constant 6 : i32
      %get3A_109 = arith.index_cast %get3A_108 : i32 to index
      %get3A_110 = arith.constant 16 : index
      %get3A_111 = tpu.vector_load %arg6[%get3A_109, %get3A_110] {strides = array<i32>} : memref<100x32xf32, #tpu.memory_space<vmem>>, vector<1x16xf32>,
      %get3A_112 = vector.shape_cast %get3A_111 : vector<1x16xf32> to vector<16xf32>
      %add3A_113 = arith.addf %add3A_101, %get3A_112 : vector<16xf32>
      %get3A_114 = arith.constant 7 : i32
      %get3A_115 = arith.index_cast %get3A_114 : i32 to index
      %get3A_116 = arith.constant 0 : index
      %get3A_117 = tpu.vector_load %arg6[%get3A_115, %get3A_116] {strides = array<i32>} : memref<100x32xf32, #tpu.memory_space<vmem>>, vector<1x16xf32>,
      %get3A_118 = vector.shape_cast %get3A_117 : vector<1x16xf32> to vector<16xf32>
      %add3A_119 = arith.addf %add3A_107, %get3A_118 : vector<16xf32>
      %get3A_120 = arith.constant 7 : i32
      %get3A_121 = arith.index_cast %get3A_120 : i32 to index
      %get3A_122 = arith.constant 16 : index
      %get3A_123 = tpu.vector_load %arg6[%get3A_121, %get3A_122] {strides = array<i32>} : memref<100x32xf32, #tpu.memory_space<vmem>>, vector<1x16xf32>,
      %get3A_124 = vector.shape_cast %get3A_123 : vector<1x16xf32> to vector<16xf32>
      %add3A_125 = arith.addf %add3A_113, %get3A_124 : vector<16xf32>
      %get3A_126 = arith.constant 8 : i32
      %get3A_127 = arith.index_cast %get3A_126 : i32 to index
      %get3A_128 = arith.constant 0 : index
      %get3A_129 = tpu.vector_load %arg6[%get3A_127, %get3A_128] {strides = array<i32>} : memref<100x32xf32, #tpu.memory_space<vmem>>, vector<1x16xf32>,
      %get3A_130 = vector.shape_cast %get3A_129 : vector<1x16xf32> to vector<16xf32>
      %add3A_131 = arith.addf %add3A_119, %get3A_130 : vector<16xf32>
      %get3A_132 = arith.constant 8 : i32
      %get3A_133 = arith.index_cast %get3A_132 : i32 to index
      %get3A_134 = arith.constant 16 : index
      %get3A_135 = tpu.vector_load %arg6[%get3A_133, %get3A_134] {strides = array<i32>} : memref<100x32xf32, #tpu.memory_space<vmem>>, vector<1x16xf32>,
      %get3A_136 = vector.shape_cast %get3A_135 : vector<1x16xf32> to vector<16xf32>
      %add3A_137 = arith.addf %add3A_125, %get3A_136 : vector<16xf32>
      %get3A_138 = arith.constant 9 : i32
      %get3A_139 = arith.index_cast %get3A_138 : i32 to index
      %get3A_140 = arith.constant 0 : index
      %get3A_141 = tpu.vector_load %arg6[%get3A_139, %get3A_140] {strides = array<i32>} : memref<100x32xf32, #tpu.memory_space<vmem>>, vector<1x16xf32>,
      %get3A_142 = vector.shape_cast %get3A_141 : vector<1x16xf32> to vector<16xf32>
      %add3A_143 = arith.addf %add3A_131, %get3A_142 : vector<16xf32>
      %get3A_144 = arith.constant 9 : i32
      %get3A_145 = arith.index_cast %get3A_144 : i32 to index
      %get3A_146 = arith.constant 16 : index
      %get3A_147 = tpu.vector_load %arg6[%get3A_145, %get3A_146] {strides = array<i32>} : memref<100x32xf32, #tpu.memory_space<vmem>>, vector<1x16xf32>,
      %get3A_148 = vector.shape_cast %get3A_147 : vector<1x16xf32> to vector<16xf32>
      %add3A_149 = arith.addf %add3A_137, %get3A_148 : vector<16xf32>
      %get3A_150 = arith.constant 10 : i32
      %get3A_151 = arith.index_cast %get3A_150 : i32 to index
      %get3A_152 = arith.constant 0 : index
      %get3A_153 = tpu.vector_load %arg6[%get3A_151, %get3A_152] {strides = array<i32>} : memref<100x32xf32, #tpu.memory_space<vmem>>, vector<1x16xf32>,
      %get3A_154 = vector.shape_cast %get3A_153 : vector<1x16xf32> to vector<16xf32>
      %add3A_155 = arith.addf %add3A_143, %get3A_154 : vector<16xf32>
      %get3A_156 = arith.constant 10 : i32
      %get3A_157 = arith.index_cast %get3A_156 : i32 to index
      %get3A_158 = arith.constant 16 : index
      %get3A_159 = tpu.vector_load %arg6[%get3A_157, %get3A_158] {strides = array<i32>} : memref<100x32xf32, #tpu.memory_space<vmem>>, vector<1x16xf32>,
      %get3A_160 = vector.shape_cast %get3A_159 : vector<1x16xf32> to vector<16xf32>
      %add3A_161 = arith.addf %add3A_149, %get3A_160 : vector<16xf32>
      %get3A_162 = arith.constant 11 : i32
      %get3A_163 = arith.index_cast %get3A_162 : i32 to index
      %get3A_164 = arith.constant 0 : index
      %get3A_165 = tpu.vector_load %arg6[%get3A_163, %get3A_164] {strides = array<i32>} : memref<100x32xf32, #tpu.memory_space<vmem>>, vector<1x16xf32>,
      %get3A_166 = vector.shape_cast %get3A_165 : vector<1x16xf32> to vector<16xf32>
      %add3A_167 = arith.addf %add3A_155, %get3A_166 : vector<16xf32>
      %get3A_168 = arith.constant 11 : i32
      %get3A_169 = arith.index_cast %get3A_168 : i32 to index
      %get3A_170 = arith.constant 16 : index
      %get3A_171 = tpu.vector_load %arg6[%get3A_169, %get3A_170] {strides = array<i32>} : memref<100x32xf32, #tpu.memory_space<vmem>>, vector<1x16xf32>,
      %get3A_172 = vector.shape_cast %get3A_171 : vector<1x16xf32> to vector<16xf32>
      %add3A_173 = arith.addf %add3A_161, %get3A_172 : vector<16xf32>
      %get3A_174 = arith.constant 12 : i32
      %get3A_175 = arith.index_cast %get3A_174 : i32 to index
      %get3A_176 = arith.constant 0 : index
      %get3A_177 = tpu.vector_load %arg6[%get3A_175, %get3A_176] {strides = array<i32>} : memref<100x32xf32, #tpu.memory_space<vmem>>, vector<1x16xf32>,
      %get3A_178 = vector.shape_cast %get3A_177 : vector<1x16xf32> to vector<16xf32>
      %add3A_179 = arith.addf %add3A_167, %get3A_178 : vector<16xf32>
      %get3A_180 = arith.constant 12 : i32
      %get3A_181 = arith.index_cast %get3A_180 : i32 to index
      %get3A_182 = arith.constant 16 : index
      %get3A_183 = tpu.vector_load %arg6[%get3A_181, %get3A_182] {strides = array<i32>} : memref<100x32xf32, #tpu.memory_space<vmem>>, vector<1x16xf32>,
      %get3A_184 = vector.shape_cast %get3A_183 : vector<1x16xf32> to vector<16xf32>
      %add3A_185 = arith.addf %add3A_173, %get3A_184 : vector<16xf32>
      %get3A_186 = arith.constant 13 : i32
      %get3A_187 = arith.index_cast %get3A_186 : i32 to index
      %get3A_188 = arith.constant 0 : index
      %get3A_189 = tpu.vector_load %arg6[%get3A_187, %get3A_188] {strides = array<i32>} : memref<100x32xf32, #tpu.memory_space<vmem>>, vector<1x16xf32>,
      %get3A_190 = vector.shape_cast %get3A_189 : vector<1x16xf32> to vector<16xf32>
      %add3A_191 = arith.addf %add3A_179, %get3A_190 : vector<16xf32>
      %get3A_192 = arith.constant 13 : i32
      %get3A_193 = arith.index_cast %get3A_192 : i32 to index
      %get3A_194 = arith.constant 16 : index
      %get3A_195 = tpu.vector_load %arg6[%get3A_193, %get3A_194] {strides = array<i32>} : memref<100x32xf32, #tpu.memory_space<vmem>>, vector<1x16xf32>,
      %get3A_196 = vector.shape_cast %get3A_195 : vector<1x16xf32> to vector<16xf32>
      %add3A_197 = arith.addf %add3A_185, %get3A_196 : vector<16xf32>
      %get3A_198 = arith.constant 14 : i32
      %get3A_199 = arith.index_cast %get3A_198 : i32 to index
      %get3A_200 = arith.constant 0 : index
      %get3A_201 = tpu.vector_load %arg6[%get3A_199, %get3A_200] {strides = array<i32>} : memref<100x32xf32, #tpu.memory_space<vmem>>, vector<1x16xf32>,
      %get3A_202 = vector.shape_cast %get3A_201 : vector<1x16xf32> to vector<16xf32>
      %add3A_203 = arith.addf %add3A_191, %get3A_202 : vector<16xf32>
      %get3A_204 = arith.constant 14 : i32
      %get3A_205 = arith.index_cast %get3A_204 : i32 to index
      %get3A_206 = arith.constant 16 : index
      %get3A_207 = tpu.vector_load %arg6[%get3A_205, %get3A_206] {strides = array<i32>} : memref<100x32xf32, #tpu.memory_space<vmem>>, vector<1x16xf32>,
      %get3A_208 = vector.shape_cast %get3A_207 : vector<1x16xf32> to vector<16xf32>
      %add3A_209 = arith.addf %add3A_197, %get3A_208 : vector<16xf32>
      %get3A_210 = arith.constant 15 : i32
      %get3A_211 = arith.index_cast %get3A_210 : i32 to index
      %get3A_212 = arith.constant 0 : index
      %get3A_213 = tpu.vector_load %arg6[%get3A_211, %get3A_212] {strides = array<i32>} : memref<100x32xf32, #tpu.memory_space<vmem>>, vector<1x16xf32>,
      %get3A_214 = vector.shape_cast %get3A_213 : vector<1x16xf32> to vector<16xf32>
      %add3A_215 = arith.addf %add3A_203, %get3A_214 : vector<16xf32>
      %get3A_216 = arith.constant 15 : i32
      %get3A_217 = arith.index_cast %get3A_216 : i32 to index
      %get3A_218 = arith.constant 16 : index
      %get3A_219 = tpu.vector_load %arg6[%get3A_217, %get3A_218] {strides = array<i32>} : memref<100x32xf32, #tpu.memory_space<vmem>>, vector<1x16xf32>,
      %get3A_220 = vector.shape_cast %get3A_219 : vector<1x16xf32> to vector<16xf32>
      %add3A_221 = arith.addf %add3A_209, %get3A_220 : vector<16xf32>
      %get3A_222 = arith.constant 16 : i32
      %get3A_223 = arith.index_cast %get3A_222 : i32 to index
      %get3A_224 = arith.constant 0 : index
      %get3A_225 = tpu.vector_load %arg6[%get3A_223, %get3A_224] {strides = array<i32>} : memref<100x32xf32, #tpu.memory_space<vmem>>, vector<1x16xf32>,
      %get3A_226 = vector.shape_cast %get3A_225 : vector<1x16xf32> to vector<16xf32>
      %add3A_227 = arith.addf %add3A_215, %get3A_226 : vector<16xf32>
      %get3A_228 = arith.constant 16 : i32
      %get3A_229 = arith.index_cast %get3A_228 : i32 to index
      %get3A_230 = arith.constant 16 : index
      %get3A_231 = tpu.vector_load %arg6[%get3A_229, %get3A_230] {strides = array<i32>} : memref<100x32xf32, #tpu.memory_space<vmem>>, vector<1x16xf32>,
      %get3A_232 = vector.shape_cast %get3A_231 : vector<1x16xf32> to vector<16xf32>
      %add3A_233 = arith.addf %add3A_221, %get3A_232 : vector<16xf32>
      %get3A_234 = arith.constant 17 : i32
      %get3A_235 = arith.index_cast %get3A_234 : i32 to index
      %get3A_236 = arith.constant 0 : index
      %get3A_237 = tpu.vector_load %arg6[%get3A_235, %get3A_236] {strides = array<i32>} : memref<100x32xf32, #tpu.memory_space<vmem>>, vector<1x16xf32>,
      %get3A_238 = vector.shape_cast %get3A_237 : vector<1x16xf32> to vector<16xf32>
      %add3A_239 = arith.addf %add3A_227, %get3A_238 : vector<16xf32>
      %get3A_240 = arith.constant 17 : i32
      %get3A_241 = arith.index_cast %get3A_240 : i32 to index
      %get3A_242 = arith.constant 16 : index
      %get3A_243 = tpu.vector_load %arg6[%get3A_241, %get3A_242] {strides = array<i32>} : memref<100x32xf32, #tpu.memory_space<vmem>>, vector<1x16xf32>,
      %get3A_244 = vector.shape_cast %get3A_243 : vector<1x16xf32> to vector<16xf32>
      %add3A_245 = arith.addf %add3A_233, %get3A_244 : vector<16xf32>
      %get3A_246 = arith.constant 18 : i32
      %get3A_247 = arith.index_cast %get3A_246 : i32 to index
      %get3A_248 = arith.constant 0 : index
      %get3A_249 = tpu.vector_load %arg6[%get3A_247, %get3A_248] {strides = array<i32>} : memref<100x32xf32, #tpu.memory_space<vmem>>, vector<1x16xf32>,
      %get3A_250 = vector.shape_cast %get3A_249 : vector<1x16xf32> to vector<16xf32>
      %add3A_251 = arith.addf %add3A_239, %get3A_250 : vector<16xf32>
      %get3A_252 = arith.constant 18 : i32
      %get3A_253 = arith.index_cast %get3A_252 : i32 to index
      %get3A_254 = arith.constant 16 : index
      %get3A_255 = tpu.vector_load %arg6[%get3A_253, %get3A_254] {strides = array<i32>} : memref<100x32xf32, #tpu.memory_space<vmem>>, vector<1x16xf32>,
      %get3A_256 = vector.shape_cast %get3A_255 : vector<1x16xf32> to vector<16xf32>
      %add3A_257 = arith.addf %add3A_245, %get3A_256 : vector<16xf32>
      %get3A_258 = arith.constant 19 : i32
      %get3A_259 = arith.index_cast %get3A_258 : i32 to index
      %get3A_260 = arith.constant 0 : index
      %get3A_261 = tpu.vector_load %arg6[%get3A_259, %get3A_260] {strides = array<i32>} : memref<100x32xf32, #tpu.memory_space<vmem>>, vector<1x16xf32>,
      %get3A_262 = vector.shape_cast %get3A_261 : vector<1x16xf32> to vector<16xf32>
      %add3A_263 = arith.addf %add3A_251, %get3A_262 : vector<16xf32>
      %get3A_264 = arith.constant 19 : i32
      %get3A_265 = arith.index_cast %get3A_264 : i32 to index
      %get3A_266 = arith.constant 16 : index
      %get3A_267 = tpu.vector_load %arg6[%get3A_265, %get3A_266] {strides = array<i32>} : memref<100x32xf32, #tpu.memory_space<vmem>>, vector<1x16xf32>,
      %get3A_268 = vector.shape_cast %get3A_267 : vector<1x16xf32> to vector<16xf32>
      %add3A_269 = arith.addf %add3A_257, %get3A_268 : vector<16xf32>
      %get3A_270 = arith.constant 20 : i32
      %get3A_271 = arith.index_cast %get3A_270 : i32 to index
      %get3A_272 = arith.constant 0 : index
      %get3A_273 = tpu.vector_load %arg6[%get3A_271, %get3A_272] {strides = array<i32>} : memref<100x32xf32, #tpu.memory_space<vmem>>, vector<1x16xf32>,
      %get3A_274 = vector.shape_cast %get3A_273 : vector<1x16xf32> to vector<16xf32>
      %add3A_275 = arith.addf %add3A_263, %get3A_274 : vector<16xf32>
      %get3A_276 = arith.constant 20 : i32
      %get3A_277 = arith.index_cast %get3A_276 : i32 to index
      %get3A_278 = arith.constant 16 : index
      %get3A_279 = tpu.vector_load %arg6[%get3A_277, %get3A_278] {strides = array<i32>} : memref<100x32xf32, #tpu.memory_space<vmem>>, vector<1x16xf32>,
      %get3A_280 = vector.shape_cast %get3A_279 : vector<1x16xf32> to vector<16xf32>
      %add3A_281 = arith.addf %add3A_269, %get3A_280 : vector<16xf32>
      %get3A_282 = arith.constant 21 : i32
      %get3A_283 = arith.index_cast %get3A_282 : i32 to index
      %get3A_284 = arith.constant 0 : index
      %get3A_285 = tpu.vector_load %arg6[%get3A_283, %get3A_284] {strides = array<i32>} : memref<100x32xf32, #tpu.memory_space<vmem>>, vector<1x16xf32>,
      %get3A_286 = vector.shape_cast %get3A_285 : vector<1x16xf32> to vector<16xf32>
      %add3A_287 = arith.addf %add3A_275, %get3A_286 : vector<16xf32>
      %get3A_288 = arith.constant 21 : i32
      %get3A_289 = arith.index_cast %get3A_288 : i32 to index
      %get3A_290 = arith.constant 16 : index
      %get3A_291 = tpu.vector_load %arg6[%get3A_289, %get3A_290] {strides = array<i32>} : memref<100x32xf32, #tpu.memory_space<vmem>>, vector<1x16xf32>,
      %get3A_292 = vector.shape_cast %get3A_291 : vector<1x16xf32> to vector<16xf32>
      %add3A_293 = arith.addf %add3A_281, %get3A_292 : vector<16xf32>
      %get3A_294 = arith.constant 22 : i32
      %get3A_295 = arith.index_cast %get3A_294 : i32 to index
      %get3A_296 = arith.constant 0 : index
      %get3A_297 = tpu.vector_load %arg6[%get3A_295, %get3A_296] {strides = array<i32>} : memref<100x32xf32, #tpu.memory_space<vmem>>, vector<1x16xf32>,
      %get3A_298 = vector.shape_cast %get3A_297 : vector<1x16xf32> to vector<16xf32>
      %add3A_299 = arith.addf %add3A_287, %get3A_298 : vector<16xf32>
      %get3A_300 = arith.constant 22 : i32
      %get3A_301 = arith.index_cast %get3A_300 : i32 to index
      %get3A_302 = arith.constant 16 : index
      %get3A_303 = tpu.vector_load %arg6[%get3A_301, %get3A_302] {strides = array<i32>} : memref<100x32xf32, #tpu.memory_space<vmem>>, vector<1x16xf32>,
      %get3A_304 = vector.shape_cast %get3A_303 : vector<1x16xf32> to vector<16xf32>
      %add3A_305 = arith.addf %add3A_293, %get3A_304 : vector<16xf32>
      %get3A_306 = arith.constant 23 : i32
      %get3A_307 = arith.index_cast %get3A_306 : i32 to index
      %get3A_308 = arith.constant 0 : index
      %get3A_309 = tpu.vector_load %arg6[%get3A_307, %get3A_308] {strides = array<i32>} : memref<100x32xf32, #tpu.memory_space<vmem>>, vector<1x16xf32>,
      %get3A_310 = vector.shape_cast %get3A_309 : vector<1x16xf32> to vector<16xf32>
      %add3A_311 = arith.addf %add3A_299, %get3A_310 : vector<16xf32>
      %get3A_312 = arith.constant 23 : i32
      %get3A_313 = arith.index_cast %get3A_312 : i32 to index
      %get3A_314 = arith.constant 16 : index
      %get3A_315 = tpu.vector_load %arg6[%get3A_313, %get3A_314] {strides = array<i32>} : memref<100x32xf32, #tpu.memory_space<vmem>>, vector<1x16xf32>,
      %get3A_316 = vector.shape_cast %get3A_315 : vector<1x16xf32> to vector<16xf32>
      %add3A_317 = arith.addf %add3A_305, %get3A_316 : vector<16xf32>
      %get3A_318 = arith.constant 24 : i32
      %get3A_319 = arith.index_cast %get3A_318 : i32 to index
      %get3A_320 = arith.constant 0 : index
      %get3A_321 = tpu.vector_load %arg6[%get3A_319, %get3A_320] {strides = array<i32>} : memref<100x32xf32, #tpu.memory_space<vmem>>, vector<1x16xf32>,
      %get3A_322 = vector.shape_cast %get3A_321 : vector<1x16xf32> to vector<16xf32>
      %add3A_323 = arith.addf %add3A_311, %get3A_322 : vector<16xf32>
      %get3A_324 = arith.constant 24 : i32
      %get3A_325 = arith.index_cast %get3A_324 : i32 to index
      %get3A_326 = arith.constant 16 : index
      %get3A_327 = tpu.vector_load %arg6[%get3A_325, %get3A_326] {strides = array<i32>} : memref<100x32xf32, #tpu.memory_space<vmem>>, vector<1x16xf32>,
      %get3A_328 = vector.shape_cast %get3A_327 : vector<1x16xf32> to vector<16xf32>
      %add3A_329 = arith.addf %add3A_317, %get3A_328 : vector<16xf32>
      %get3A_330 = arith.constant 25 : i32
      %get3A_331 = arith.index_cast %get3A_330 : i32 to index
      %get3A_332 = arith.constant 0 : index
      %get3A_333 = tpu.vector_load %arg6[%get3A_331, %get3A_332] {strides = array<i32>} : memref<100x32xf32, #tpu.memory_space<vmem>>, vector<1x16xf32>,
      %get3A_334 = vector.shape_cast %get3A_333 : vector<1x16xf32> to vector<16xf32>
      %add3A_335 = arith.addf %add3A_323, %get3A_334 : vector<16xf32>
      %get3A_336 = arith.constant 25 : i32
      %get3A_337 = arith.index_cast %get3A_336 : i32 to index
      %get3A_338 = arith.constant 16 : index
      %get3A_339 = tpu.vector_load %arg6[%get3A_337, %get3A_338] {strides = array<i32>} : memref<100x32xf32, #tpu.memory_space<vmem>>, vector<1x16xf32>,
      %get3A_340 = vector.shape_cast %get3A_339 : vector<1x16xf32> to vector<16xf32>
      %add3A_341 = arith.addf %add3A_329, %get3A_340 : vector<16xf32>
      %get3A_342 = arith.constant 26 : i32
      %get3A_343 = arith.index_cast %get3A_342 : i32 to index
      %get3A_344 = arith.constant 0 : index
      %get3A_345 = tpu.vector_load %arg6[%get3A_343, %get3A_344] {strides = array<i32>} : memref<100x32xf32, #tpu.memory_space<vmem>>, vector<1x16xf32>,
      %get3A_346 = vector.shape_cast %get3A_345 : vector<1x16xf32> to vector<16xf32>
      %add3A_347 = arith.addf %add3A_335, %get3A_346 : vector<16xf32>
      %get3A_348 = arith.constant 26 : i32
      %get3A_349 = arith.index_cast %get3A_348 : i32 to index
      %get3A_350 = arith.constant 16 : index
      %get3A_351 = tpu.vector_load %arg6[%get3A_349, %get3A_350] {strides = array<i32>} : memref<100x32xf32, #tpu.memory_space<vmem>>, vector<1x16xf32>,
      %get3A_352 = vector.shape_cast %get3A_351 : vector<1x16xf32> to vector<16xf32>
      %add3A_353 = arith.addf %add3A_341, %get3A_352 : vector<16xf32>
      %get3A_354 = arith.constant 27 : i32
      %get3A_355 = arith.index_cast %get3A_354 : i32 to index
      %get3A_356 = arith.constant 0 : index
      %get3A_357 = tpu.vector_load %arg6[%get3A_355, %get3A_356] {strides = array<i32>} : memref<100x32xf32, #tpu.memory_space<vmem>>, vector<1x16xf32>,
      %get3A_358 = vector.shape_cast %get3A_357 : vector<1x16xf32> to vector<16xf32>
      %add3A_359 = arith.addf %add3A_347, %get3A_358 : vector<16xf32>
      %get3A_360 = arith.constant 27 : i32
      %get3A_361 = arith.index_cast %get3A_360 : i32 to index
      %get3A_362 = arith.constant 16 : index
      %get3A_363 = tpu.vector_load %arg6[%get3A_361, %get3A_362] {strides = array<i32>} : memref<100x32xf32, #tpu.memory_space<vmem>>, vector<1x16xf32>,
      %get3A_364 = vector.shape_cast %get3A_363 : vector<1x16xf32> to vector<16xf32>
      %add3A_365 = arith.addf %add3A_353, %get3A_364 : vector<16xf32>
      %get3A_366 = arith.constant 28 : i32
      %get3A_367 = arith.index_cast %get3A_366 : i32 to index
      %get3A_368 = arith.constant 0 : index
      %get3A_369 = tpu.vector_load %arg6[%get3A_367, %get3A_368] {strides = array<i32>} : memref<100x32xf32, #tpu.memory_space<vmem>>, vector<1x16xf32>,
      %get3A_370 = vector.shape_cast %get3A_369 : vector<1x16xf32> to vector<16xf32>
      %add3A_371 = arith.addf %add3A_359, %get3A_370 : vector<16xf32>
      %get3A_372 = arith.constant 28 : i32
      %get3A_373 = arith.index_cast %get3A_372 : i32 to index
      %get3A_374 = arith.constant 16 : index
      %get3A_375 = tpu.vector_load %arg6[%get3A_373, %get3A_374] {strides = array<i32>} : memref<100x32xf32, #tpu.memory_space<vmem>>, vector<1x16xf32>,
      %get3A_376 = vector.shape_cast %get3A_375 : vector<1x16xf32> to vector<16xf32>
      %add3A_377 = arith.addf %add3A_365, %get3A_376 : vector<16xf32>
      %get3A_378 = arith.constant 29 : i32
      %get3A_379 = arith.index_cast %get3A_378 : i32 to index
      %get3A_380 = arith.constant 0 : index
      %get3A_381 = tpu.vector_load %arg6[%get3A_379, %get3A_380] {strides = array<i32>} : memref<100x32xf32, #tpu.memory_space<vmem>>, vector<1x16xf32>,
      %get3A_382 = vector.shape_cast %get3A_381 : vector<1x16xf32> to vector<16xf32>
      %add3A_383 = arith.addf %add3A_371, %get3A_382 : vector<16xf32>
      %get3A_384 = arith.constant 29 : i32
      %get3A_385 = arith.index_cast %get3A_384 : i32 to index
      %get3A_386 = arith.constant 16 : index
      %get3A_387 = tpu.vector_load %arg6[%get3A_385, %get3A_386] {strides = array<i32>} : memref<100x32xf32, #tpu.memory_space<vmem>>, vector<1x16xf32>,
      %get3A_388 = vector.shape_cast %get3A_387 : vector<1x16xf32> to vector<16xf32>
      %add3A_389 = arith.addf %add3A_377, %get3A_388 : vector<16xf32>
      %get3A_390 = arith.constant 30 : i32
      %get3A_391 = arith.index_cast %get3A_390 : i32 to index
      %get3A_392 = arith.constant 0 : index
      %get3A_393 = tpu.vector_load %arg6[%get3A_391, %get3A_392] {strides = array<i32>} : memref<100x32xf32, #tpu.memory_space<vmem>>, vector<1x16xf32>,
      %get3A_394 = vector.shape_cast %get3A_393 : vector<1x16xf32> to vector<16xf32>
      %add3A_395 = arith.addf %add3A_383, %get3A_394 : vector<16xf32>
      %get3A_396 = arith.constant 30 : i32
      %get3A_397 = arith.index_cast %get3A_396 : i32 to index
      %get3A_398 = arith.constant 16 : index
      %get3A_399 = tpu.vector_load %arg6[%get3A_397, %get3A_398] {strides = array<i32>} : memref<100x32xf32, #tpu.memory_space<vmem>>, vector<1x16xf32>,
      %get3A_400 = vector.shape_cast %get3A_399 : vector<1x16xf32> to vector<16xf32>
      %add3A_401 = arith.addf %add3A_389, %get3A_400 : vector<16xf32>
      %get3A_402 = arith.constant 31 : i32
      %get3A_403 = arith.index_cast %get3A_402 : i32 to index
      %get3A_404 = arith.constant 0 : index
      %get3A_405 = tpu.vector_load %arg6[%get3A_403, %get3A_404] {strides = array<i32>} : memref<100x32xf32, #tpu.memory_space<vmem>>, vector<1x16xf32>,
      %get3A_406 = vector.shape_cast %get3A_405 : vector<1x16xf32> to vector<16xf32>
      %add3A_407 = arith.addf %add3A_395, %get3A_406 : vector<16xf32>
      %get3A_408 = arith.constant 31 : i32
      %get3A_409 = arith.index_cast %get3A_408 : i32 to index
      %get3A_410 = arith.constant 16 : index
      %get3A_411 = tpu.vector_load %arg6[%get3A_409, %get3A_410] {strides = array<i32>} : memref<100x32xf32, #tpu.memory_space<vmem>>, vector<1x16xf32>,
      %get3A_412 = vector.shape_cast %get3A_411 : vector<1x16xf32> to vector<16xf32>
      %add3A_413 = arith.addf %add3A_401, %get3A_412 : vector<16xf32>
      %get3A_414 = arith.constant 32 : i32
      %get3A_415 = arith.index_cast %get3A_414 : i32 to index
      %get3A_416 = arith.constant 0 : index
      %get3A_417 = tpu.vector_load %arg6[%get3A_415, %get3A_416] {strides = array<i32>} : memref<100x32xf32, #tpu.memory_space<vmem>>, vector<1x16xf32>,
      %get3A_418 = vector.shape_cast %get3A_417 : vector<1x16xf32> to vector<16xf32>
      %add3A_419 = arith.addf %add3A_407, %get3A_418 : vector<16xf32>
      %get3A_420 = arith.constant 32 : i32
      %get3A_421 = arith.index_cast %get3A_420 : i32 to index
      %get3A_422 = arith.constant 16 : index
      %get3A_423 = tpu.vector_load %arg6[%get3A_421, %get3A_422] {strides = array<i32>} : memref<100x32xf32, #tpu.memory_space<vmem>>, vector<1x16xf32>,
      %get3A_424 = vector.shape_cast %get3A_423 : vector<1x16xf32> to vector<16xf32>
      %add3A_425 = arith.addf %add3A_413, %get3A_424 : vector<16xf32>
      %get3A_426 = arith.constant 33 : i32
      %get3A_427 = arith.index_cast %get3A_426 : i32 to index
      %get3A_428 = arith.constant 0 : index
      %get3A_429 = tpu.vector_load %arg6[%get3A_427, %get3A_428] {strides = array<i32>} : memref<100x32xf32, #tpu.memory_space<vmem>>, vector<1x16xf32>,
      %get3A_430 = vector.shape_cast %get3A_429 : vector<1x16xf32> to vector<16xf32>
      %add3A_431 = arith.addf %add3A_419, %get3A_430 : vector<16xf32>
      %get3A_432 = arith.constant 33 : i32
      %get3A_433 = arith.index_cast %get3A_432 : i32 to index
      %get3A_434 = arith.constant 16 : index
      %get3A_435 = tpu.vector_load %arg6[%get3A_433, %get3A_434] {strides = array<i32>} : memref<100x32xf32, #tpu.memory_space<vmem>>, vector<1x16xf32>,
      %get3A_436 = vector.shape_cast %get3A_435 : vector<1x16xf32> to vector<16xf32>
      %add3A_437 = arith.addf %add3A_425, %get3A_436 : vector<16xf32>
      %get3A_438 = arith.constant 34 : i32
      %get3A_439 = arith.index_cast %get3A_438 : i32 to index
      %get3A_440 = arith.constant 0 : index
      %get3A_441 = tpu.vector_load %arg6[%get3A_439, %get3A_440] {strides = array<i32>} : memref<100x32xf32, #tpu.memory_space<vmem>>, vector<1x16xf32>,
      %get3A_442 = vector.shape_cast %get3A_441 : vector<1x16xf32> to vector<16xf32>
      %add3A_443 = arith.addf %add3A_431, %get3A_442 : vector<16xf32>
      %get3A_444 = arith.constant 34 : i32
      %get3A_445 = arith.index_cast %get3A_444 : i32 to index
      %get3A_446 = arith.constant 16 : index
      %get3A_447 = tpu.vector_load %arg6[%get3A_445, %get3A_446] {strides = array<i32>} : memref<100x32xf32, #tpu.memory_space<vmem>>, vector<1x16xf32>,
      %get3A_448 = vector.shape_cast %get3A_447 : vector<1x16xf32> to vector<16xf32>
      %add3A_449 = arith.addf %add3A_437, %get3A_448 : vector<16xf32>
      %get3A_450 = arith.constant 35 : i32
      %get3A_451 = arith.index_cast %get3A_450 : i32 to index
      %get3A_452 = arith.constant 0 : index
      %get3A_453 = tpu.vector_load %arg6[%get3A_451, %get3A_452] {strides = array<i32>} : memref<100x32xf32, #tpu.memory_space<vmem>>, vector<1x16xf32>,
      %get3A_454 = vector.shape_cast %get3A_453 : vector<1x16xf32> to vector<16xf32>
      %add3A_455 = arith.addf %add3A_443, %get3A_454 : vector<16xf32>
      %get3A_456 = arith.constant 35 : i32
      %get3A_457 = arith.index_cast %get3A_456 : i32 to index
      %get3A_458 = arith.constant 16 : index
      %get3A_459 = tpu.vector_load %arg6[%get3A_457, %get3A_458] {strides = array<i32>} : memref<100x32xf32, #tpu.memory_space<vmem>>, vector<1x16xf32>,
      %get3A_460 = vector.shape_cast %get3A_459 : vector<1x16xf32> to vector<16xf32>
      %add3A_461 = arith.addf %add3A_449, %get3A_460 : vector<16xf32>
      %get3A_462 = arith.constant 36 : i32
      %get3A_463 = arith.index_cast %get3A_462 : i32 to index
      %get3A_464 = arith.constant 0 : index
      %get3A_465 = tpu.vector_load %arg6[%get3A_463, %get3A_464] {strides = array<i32>} : memref<100x32xf32, #tpu.memory_space<vmem>>, vector<1x16xf32>,
      %get3A_466 = vector.shape_cast %get3A_465 : vector<1x16xf32> to vector<16xf32>
      %add3A_467 = arith.addf %add3A_455, %get3A_466 : vector<16xf32>
      %get3A_468 = arith.constant 36 : i32
      %get3A_469 = arith.index_cast %get3A_468 : i32 to index
      %get3A_470 = arith.constant 16 : index
      %get3A_471 = tpu.vector_load %arg6[%get3A_469, %get3A_470] {strides = array<i32>} : memref<100x32xf32, #tpu.memory_space<vmem>>, vector<1x16xf32>,
      %get3A_472 = vector.shape_cast %get3A_471 : vector<1x16xf32> to vector<16xf32>
      %add3A_473 = arith.addf %add3A_461, %get3A_472 : vector<16xf32>
      %get3A_474 = arith.constant 37 : i32
      %get3A_475 = arith.index_cast %get3A_474 : i32 to index
      %get3A_476 = arith.constant 0 : index
      %get3A_477 = tpu.vector_load %arg6[%get3A_475, %get3A_476] {strides = array<i32>} : memref<100x32xf32, #tpu.memory_space<vmem>>, vector<1x16xf32>,
      %get3A_478 = vector.shape_cast %get3A_477 : vector<1x16xf32> to vector<16xf32>
      %add3A_479 = arith.addf %add3A_467, %get3A_478 : vector<16xf32>
      %get3A_480 = arith.constant 37 : i32
      %get3A_481 = arith.index_cast %get3A_480 : i32 to index
      %get3A_482 = arith.constant 16 : index
      %get3A_483 = tpu.vector_load %arg6[%get3A_481, %get3A_482] {strides = array<i32>} : memref<100x32xf32, #tpu.memory_space<vmem>>, vector<1x16xf32>,
      %get3A_484 = vector.shape_cast %get3A_483 : vector<1x16xf32> to vector<16xf32>
      %add3A_485 = arith.addf %add3A_473, %get3A_484 : vector<16xf32>
      %get3A_486 = arith.constant 38 : i32
      %get3A_487 = arith.index_cast %get3A_486 : i32 to index
      %get3A_488 = arith.constant 0 : index
      %get3A_489 = tpu.vector_load %arg6[%get3A_487, %get3A_488] {strides = array<i32>} : memref<100x32xf32, #tpu.memory_space<vmem>>, vector<1x16xf32>,
      %get3A_490 = vector.shape_cast %get3A_489 : vector<1x16xf32> to vector<16xf32>
      %add3A_491 = arith.addf %add3A_479, %get3A_490 : vector<16xf32>
      %get3A_492 = arith.constant 38 : i32
      %get3A_493 = arith.index_cast %get3A_492 : i32 to index
      %get3A_494 = arith.constant 16 : index
      %get3A_495 = tpu.vector_load %arg6[%get3A_493, %get3A_494] {strides = array<i32>} : memref<100x32xf32, #tpu.memory_space<vmem>>, vector<1x16xf32>,
      %get3A_496 = vector.shape_cast %get3A_495 : vector<1x16xf32> to vector<16xf32>
      %add3A_497 = arith.addf %add3A_485, %get3A_496 : vector<16xf32>
      %get3A_498 = arith.constant 39 : i32
      %get3A_499 = arith.index_cast %get3A_498 : i32 to index
      %get3A_500 = arith.constant 0 : index
      %get3A_501 = tpu.vector_load %arg6[%get3A_499, %get3A_500] {strides = array<i32>} : memref<100x32xf32, #tpu.memory_space<vmem>>, vector<1x16xf32>,
      %get3A_502 = vector.shape_cast %get3A_501 : vector<1x16xf32> to vector<16xf32>
      %add3A_503 = arith.addf %add3A_491, %get3A_502 : vector<16xf32>
      %get3A_504 = arith.constant 39 : i32
      %get3A_505 = arith.index_cast %get3A_504 : i32 to index
      %get3A_506 = arith.constant 16 : index
      %get3A_507 = tpu.vector_load %arg6[%get3A_505, %get3A_506] {strides = array<i32>} : memref<100x32xf32, #tpu.memory_space<vmem>>, vector<1x16xf32>,
      %get3A_508 = vector.shape_cast %get3A_507 : vector<1x16xf32> to vector<16xf32>
      %add3A_509 = arith.addf %add3A_497, %get3A_508 : vector<16xf32>
      %get3A_510 = arith.constant 40 : i32
      %get3A_511 = arith.index_cast %get3A_510 : i32 to index
      %get3A_512 = arith.constant 0 : index
      %get3A_513 = tpu.vector_load %arg6[%get3A_511, %get3A_512] {strides = array<i32>} : memref<100x32xf32, #tpu.memory_space<vmem>>, vector<1x16xf32>,
      %get3A_514 = vector.shape_cast %get3A_513 : vector<1x16xf32> to vector<16xf32>
      %add3A_515 = arith.addf %add3A_503, %get3A_514 : vector<16xf32>
      %get3A_516 = arith.constant 40 : i32
      %get3A_517 = arith.index_cast %get3A_516 : i32 to index
      %get3A_518 = arith.constant 16 : index
      %get3A_519 = tpu.vector_load %arg6[%get3A_517, %get3A_518] {strides = array<i32>} : memref<100x32xf32, #tpu.memory_space<vmem>>, vector<1x16xf32>,
      %get3A_520 = vector.shape_cast %get3A_519 : vector<1x16xf32> to vector<16xf32>
      %add3A_521 = arith.addf %add3A_509, %get3A_520 : vector<16xf32>
      %get3A_522 = arith.constant 41 : i32
      %get3A_523 = arith.index_cast %get3A_522 : i32 to index
      %get3A_524 = arith.constant 0 : index
      %get3A_525 = tpu.vector_load %arg6[%get3A_523, %get3A_524] {strides = array<i32>} : memref<100x32xf32, #tpu.memory_space<vmem>>, vector<1x16xf32>,
      %get3A_526 = vector.shape_cast %get3A_525 : vector<1x16xf32> to vector<16xf32>
      %add3A_527 = arith.addf %add3A_515, %get3A_526 : vector<16xf32>
      %get3A_528 = arith.constant 41 : i32
      %get3A_529 = arith.index_cast %get3A_528 : i32 to index
      %get3A_530 = arith.constant 16 : index
      %get3A_531 = tpu.vector_load %arg6[%get3A_529, %get3A_530] {strides = array<i32>} : memref<100x32xf32, #tpu.memory_space<vmem>>, vector<1x16xf32>,
      %get3A_532 = vector.shape_cast %get3A_531 : vector<1x16xf32> to vector<16xf32>
      %add3A_533 = arith.addf %add3A_521, %get3A_532 : vector<16xf32>
      %get3A_534 = arith.constant 42 : i32
      %get3A_535 = arith.index_cast %get3A_534 : i32 to index
      %get3A_536 = arith.constant 0 : index
      %get3A_537 = tpu.vector_load %arg6[%get3A_535, %get3A_536] {strides = array<i32>} : memref<100x32xf32, #tpu.memory_space<vmem>>, vector<1x16xf32>,
      %get3A_538 = vector.shape_cast %get3A_537 : vector<1x16xf32> to vector<16xf32>
      %add3A_539 = arith.addf %add3A_527, %get3A_538 : vector<16xf32>
      %get3A_540 = arith.constant 42 : i32
      %get3A_541 = arith.index_cast %get3A_540 : i32 to index
      %get3A_542 = arith.constant 16 : index
      %get3A_543 = tpu.vector_load %arg6[%get3A_541, %get3A_542] {strides = array<i32>} : memref<100x32xf32, #tpu.memory_space<vmem>>, vector<1x16xf32>,
      %get3A_544 = vector.shape_cast %get3A_543 : vector<1x16xf32> to vector<16xf32>
      %add3A_545 = arith.addf %add3A_533, %get3A_544 : vector<16xf32>
      %get3A_546 = arith.constant 43 : i32
      %get3A_547 = arith.index_cast %get3A_546 : i32 to index
      %get3A_548 = arith.constant 0 : index
      %get3A_549 = tpu.vector_load %arg6[%get3A_547, %get3A_548] {strides = array<i32>} : memref<100x32xf32, #tpu.memory_space<vmem>>, vector<1x16xf32>,
      %get3A_550 = vector.shape_cast %get3A_549 : vector<1x16xf32> to vector<16xf32>
      %add3A_551 = arith.addf %add3A_539, %get3A_550 : vector<16xf32>
      %get3A_552 = arith.constant 43 : i32
      %get3A_553 = arith.index_cast %get3A_552 : i32 to index
      %get3A_554 = arith.constant 16 : index
      %get3A_555 = tpu.vector_load %arg6[%get3A_553, %get3A_554] {strides = array<i32>} : memref<100x32xf32, #tpu.memory_space<vmem>>, vector<1x16xf32>,
      %get3A_556 = vector.shape_cast %get3A_555 : vector<1x16xf32> to vector<16xf32>
      %add3A_557 = arith.addf %add3A_545, %get3A_556 : vector<16xf32>
      %get3A_558 = arith.constant 44 : i32
      %get3A_559 = arith.index_cast %get3A_558 : i32 to index
      %get3A_560 = arith.constant 0 : index
      %get3A_561 = tpu.vector_load %arg6[%get3A_559, %get3A_560] {strides = array<i32>} : memref<100x32xf32, #tpu.memory_space<vmem>>, vector<1x16xf32>,
      %get3A_562 = vector.shape_cast %get3A_561 : vector<1x16xf32> to vector<16xf32>
      %add3A_563 = arith.addf %add3A_551, %get3A_562 : vector<16xf32>
      %get3A_564 = arith.constant 44 : i32
      %get3A_565 = arith.index_cast %get3A_564 : i32 to index
      %get3A_566 = arith.constant 16 : index
      %get3A_567 = tpu.vector_load %arg6[%get3A_565, %get3A_566] {strides = array<i32>} : memref<100x32xf32, #tpu.memory_space<vmem>>, vector<1x16xf32>,
      %get3A_568 = vector.shape_cast %get3A_567 : vector<1x16xf32> to vector<16xf32>
      %add3A_569 = arith.addf %add3A_557, %get3A_568 : vector<16xf32>
      %get3A_570 = arith.constant 45 : i32
      %get3A_571 = arith.index_cast %get3A_570 : i32 to index
      %get3A_572 = arith.constant 0 : index
      %get3A_573 = tpu.vector_load %arg6[%get3A_571, %get3A_572] {strides = array<i32>} : memref<100x32xf32, #tpu.memory_space<vmem>>, vector<1x16xf32>,
      %get3A_574 = vector.shape_cast %get3A_573 : vector<1x16xf32> to vector<16xf32>
      %add3A_575 = arith.addf %add3A_563, %get3A_574 : vector<16xf32>
      %get3A_576 = arith.constant 45 : i32
      %get3A_577 = arith.index_cast %get3A_576 : i32 to index
      %get3A_578 = arith.constant 16 : index
      %get3A_579 = tpu.vector_load %arg6[%get3A_577, %get3A_578] {strides = array<i32>} : memref<100x32xf32, #tpu.memory_space<vmem>>, vector<1x16xf32>,
      %get3A_580 = vector.shape_cast %get3A_579 : vector<1x16xf32> to vector<16xf32>
      %add3A_581 = arith.addf %add3A_569, %get3A_580 : vector<16xf32>
      %get3A_582 = arith.constant 46 : i32
      %get3A_583 = arith.index_cast %get3A_582 : i32 to index
      %get3A_584 = arith.constant 0 : index
      %get3A_585 = tpu.vector_load %arg6[%get3A_583, %get3A_584] {strides = array<i32>} : memref<100x32xf32, #tpu.memory_space<vmem>>, vector<1x16xf32>,
      %get3A_586 = vector.shape_cast %get3A_585 : vector<1x16xf32> to vector<16xf32>
      %add3A_587 = arith.addf %add3A_575, %get3A_586 : vector<16xf32>
      %get3A_588 = arith.constant 46 : i32
      %get3A_589 = arith.index_cast %get3A_588 : i32 to index
      %get3A_590 = arith.constant 16 : index
      %get3A_591 = tpu.vector_load %arg6[%get3A_589, %get3A_590] {strides = array<i32>} : memref<100x32xf32, #tpu.memory_space<vmem>>, vector<1x16xf32>,
      %get3A_592 = vector.shape_cast %get3A_591 : vector<1x16xf32> to vector<16xf32>
      %add3A_593 = arith.addf %add3A_581, %get3A_592 : vector<16xf32>
      %get3A_594 = arith.constant 47 : i32
      %get3A_595 = arith.index_cast %get3A_594 : i32 to index
      %get3A_596 = arith.constant 0 : index
      %get3A_597 = tpu.vector_load %arg6[%get3A_595, %get3A_596] {strides = array<i32>} : memref<100x32xf32, #tpu.memory_space<vmem>>, vector<1x16xf32>,
      %get3A_598 = vector.shape_cast %get3A_597 : vector<1x16xf32> to vector<16xf32>
      %add3A_599 = arith.addf %add3A_587, %get3A_598 : vector<16xf32>
      %get3A_600 = arith.constant 47 : i32
      %get3A_601 = arith.index_cast %get3A_600 : i32 to index
      %get3A_602 = arith.constant 16 : index
      %get3A_603 = tpu.vector_load %arg6[%get3A_601, %get3A_602] {strides = array<i32>} : memref<100x32xf32, #tpu.memory_space<vmem>>, vector<1x16xf32>,
      %get3A_604 = vector.shape_cast %get3A_603 : vector<1x16xf32> to vector<16xf32>
      %add3A_605 = arith.addf %add3A_593, %get3A_604 : vector<16xf32>
      %get3A_606 = arith.constant 48 : i32
      %get3A_607 = arith.index_cast %get3A_606 : i32 to index
      %get3A_608 = arith.constant 0 : index
      %get3A_609 = tpu.vector_load %arg6[%get3A_607, %get3A_608] {strides = array<i32>} : memref<100x32xf32, #tpu.memory_space<vmem>>, vector<1x16xf32>,
      %get3A_610 = vector.shape_cast %get3A_609 : vector<1x16xf32> to vector<16xf32>
      %add3A_611 = arith.addf %add3A_599, %get3A_610 : vector<16xf32>
      %get3A_612 = arith.constant 48 : i32
      %get3A_613 = arith.index_cast %get3A_612 : i32 to index
      %get3A_614 = arith.constant 16 : index
      %get3A_615 = tpu.vector_load %arg6[%get3A_613, %get3A_614] {strides = array<i32>} : memref<100x32xf32, #tpu.memory_space<vmem>>, vector<1x16xf32>,
      %get3A_616 = vector.shape_cast %get3A_615 : vector<1x16xf32> to vector<16xf32>
      %add3A_617 = arith.addf %add3A_605, %get3A_616 : vector<16xf32>
      %get3A_618 = arith.constant 49 : i32
      %get3A_619 = arith.index_cast %get3A_618 : i32 to index
      %get3A_620 = arith.constant 0 : index
      %get3A_621 = tpu.vector_load %arg6[%get3A_619, %get3A_620] {strides = array<i32>} : memref<100x32xf32, #tpu.memory_space<vmem>>, vector<1x16xf32>,
      %get3A_622 = vector.shape_cast %get3A_621 : vector<1x16xf32> to vector<16xf32>
      %add3A_623 = arith.addf %add3A_611, %get3A_622 : vector<16xf32>
      %get3A_624 = arith.constant 49 : i32
      %get3A_625 = arith.index_cast %get3A_624 : i32 to index
      %get3A_626 = arith.constant 16 : index
      %get3A_627 = tpu.vector_load %arg6[%get3A_625, %get3A_626] {strides = array<i32>} : memref<100x32xf32, #tpu.memory_space<vmem>>, vector<1x16xf32>,
      %get3A_628 = vector.shape_cast %get3A_627 : vector<1x16xf32> to vector<16xf32>
      %add3A_629 = arith.addf %add3A_617, %get3A_628 : vector<16xf32>
      %mul3A_630 = vector.broadcast %scan3A : f32 to vector<16xf32>
      %mul3A_631 = arith.mulf %add3A_623, %mul3A_630 : vector<16xf32>
      %mul3A_632 = arith.constant 2 : i32
      %mul3A_633 = arith.muli %add3A_27, %mul3A_632 : i32
      %add3A_634 = arith.constant 0 : i32
      %add3A_635 = arith.addi %mul3A_633, %add3A_634 : i32
      %swap3A = arith.index_cast %add3A_635 : i32 to index
      %swap3A_636 = arith.constant 0 : index
      %swap3A_637 = tpu.vector_load %arg8[%swap3A, %swap3A_636] {strides = array<i32>} : memref<512x32xf32, #tpu.memory_space<vmem>>, vector<1x16xf32>,
      %swap3A_638 = vector.shape_cast %swap3A_637 : vector<1x16xf32> to vector<16xf32>
      %swap3A_639 = vector.shape_cast %mul3A_631 : vector<16xf32> to vector<1x16xf32>
      tpu.vector_store %arg8[%swap3A, %swap3A_636], %swap3A_639 {strides = array<i32>} : memref<512x32xf32, #tpu.memory_space<vmem>>, vector<1x16xf32>,
      %mul3A_640 = vector.broadcast %scan3A : f32 to vector<16xf32>
      %mul3A_641 = arith.mulf %add3A_629, %mul3A_640 : vector<16xf32>
      %mul3A_642 = arith.constant 2 : i32
      %mul3A_643 = arith.muli %add3A_27, %mul3A_642 : i32
      %add3A_644 = arith.constant 0 : i32
      %add3A_645 = arith.addi %mul3A_643, %add3A_644 : i32
      %swap3A_646 = arith.index_cast %add3A_645 : i32 to index
      %swap3A_647 = arith.constant 16 : index
      %swap3A_648 = tpu.vector_load %arg8[%swap3A_646, %swap3A_647] {strides = array<i32>} : memref<512x32xf32, #tpu.memory_space<vmem>>, vector<1x16xf32>,
      %swap3A_649 = vector.shape_cast %swap3A_648 : vector<1x16xf32> to vector<16xf32>
      %swap3A_650 = vector.shape_cast %mul3A_641 : vector<16xf32> to vector<1x16xf32>
      tpu.vector_store %arg8[%swap3A_646, %swap3A_647], %swap3A_650 {strides = array<i32>} : memref<512x32xf32, #tpu.memory_space<vmem>>, vector<1x16xf32>,
      %get3A_651 = arith.constant 50 : i32
      %get3A_652 = arith.index_cast %get3A_651 : i32 to index
      %get3A_653 = arith.constant 0 : index
      %get3A_654 = tpu.vector_load %arg6[%get3A_652, %get3A_653] {strides = array<i32>} : memref<100x32xf32, #tpu.memory_space<vmem>>, vector<1x16xf32>,
      %get3A_655 = vector.shape_cast %get3A_654 : vector<1x16xf32> to vector<16xf32>
      %get3A_656 = arith.constant 50 : i32
      %get3A_657 = arith.index_cast %get3A_656 : i32 to index
      %get3A_658 = arith.constant 16 : index
      %get3A_659 = tpu.vector_load %arg6[%get3A_657, %get3A_658] {strides = array<i32>} : memref<100x32xf32, #tpu.memory_space<vmem>>, vector<1x16xf32>,
      %get3A_660 = vector.shape_cast %get3A_659 : vector<1x16xf32> to vector<16xf32>
      %get3A_661 = arith.constant 51 : i32
      %get3A_662 = arith.index_cast %get3A_661 : i32 to index
      %get3A_663 = arith.constant 0 : index
      %get3A_664 = tpu.vector_load %arg6[%get3A_662, %get3A_663] {strides = array<i32>} : memref<100x32xf32, #tpu.memory_space<vmem>>, vector<1x16xf32>,
      %get3A_665 = vector.shape_cast %get3A_664 : vector<1x16xf32> to vector<16xf32>
      %add3A_666 = arith.addf %get3A_655, %get3A_665 : vector<16xf32>
      %get3A_667 = arith.constant 51 : i32
      %get3A_668 = arith.index_cast %get3A_667 : i32 to index
      %get3A_669 = arith.constant 16 : index
      %get3A_670 = tpu.vector_load %arg6[%get3A_668, %get3A_669] {strides = array<i32>} : memref<100x32xf32, #tpu.memory_space<vmem>>, vector<1x16xf32>,
      %get3A_671 = vector.shape_cast %get3A_670 : vector<1x16xf32> to vector<16xf32>
      %add3A_672 = arith.addf %get3A_660, %get3A_671 : vector<16xf32>
      %get3A_673 = arith.constant 52 : i32
      %get3A_674 = arith.index_cast %get3A_673 : i32 to index
      %get3A_675 = arith.constant 0 : index
      %get3A_676 = tpu.vector_load %arg6[%get3A_674, %get3A_675] {strides = array<i32>} : memref<100x32xf32, #tpu.memory_space<vmem>>, vector<1x16xf32>,
      %get3A_677 = vector.shape_cast %get3A_676 : vector<1x16xf32> to vector<16xf32>
      %add3A_678 = arith.addf %add3A_666, %get3A_677 : vector<16xf32>
      %get3A_679 = arith.constant 52 : i32
      %get3A_680 = arith.index_cast %get3A_679 : i32 to index
      %get3A_681 = arith.constant 16 : index
      %get3A_682 = tpu.vector_load %arg6[%get3A_680, %get3A_681] {strides = array<i32>} : memref<100x32xf32, #tpu.memory_space<vmem>>, vector<1x16xf32>,
      %get3A_683 = vector.shape_cast %get3A_682 : vector<1x16xf32> to vector<16xf32>
      %add3A_684 = arith.addf %add3A_672, %get3A_683 : vector<16xf32>
      %get3A_685 = arith.constant 53 : i32
      %get3A_686 = arith.index_cast %get3A_685 : i32 to index
      %get3A_687 = arith.constant 0 : index
      %get3A_688 = tpu.vector_load %arg6[%get3A_686, %get3A_687] {strides = array<i32>} : memref<100x32xf32, #tpu.memory_space<vmem>>, vector<1x16xf32>,
      %get3A_689 = vector.shape_cast %get3A_688 : vector<1x16xf32> to vector<16xf32>
      %add3A_690 = arith.addf %add3A_678, %get3A_689 : vector<16xf32>
      %get3A_691 = arith.constant 53 : i32
      %get3A_692 = arith.index_cast %get3A_691 : i32 to index
      %get3A_693 = arith.constant 16 : index
      %get3A_694 = tpu.vector_load %arg6[%get3A_692, %get3A_693] {strides = array<i32>} : memref<100x32xf32, #tpu.memory_space<vmem>>, vector<1x16xf32>,
      %get3A_695 = vector.shape_cast %get3A_694 : vector<1x16xf32> to vector<16xf32>
      %add3A_696 = arith.addf %add3A_684, %get3A_695 : vector<16xf32>
      %get3A_697 = arith.constant 54 : i32
      %get3A_698 = arith.index_cast %get3A_697 : i32 to index
      %get3A_699 = arith.constant 0 : index
      %get3A_700 = tpu.vector_load %arg6[%get3A_698, %get3A_699] {strides = array<i32>} : memref<100x32xf32, #tpu.memory_space<vmem>>, vector<1x16xf32>,
      %get3A_701 = vector.shape_cast %get3A_700 : vector<1x16xf32> to vector<16xf32>
      %add3A_702 = arith.addf %add3A_690, %get3A_701 : vector<16xf32>
      %get3A_703 = arith.constant 54 : i32
      %get3A_704 = arith.index_cast %get3A_703 : i32 to index
      %get3A_705 = arith.constant 16 : index
      %get3A_706 = tpu.vector_load %arg6[%get3A_704, %get3A_705] {strides = array<i32>} : memref<100x32xf32, #tpu.memory_space<vmem>>, vector<1x16xf32>,
      %get3A_707 = vector.shape_cast %get3A_706 : vector<1x16xf32> to vector<16xf32>
      %add3A_708 = arith.addf %add3A_696, %get3A_707 : vector<16xf32>
      %get3A_709 = arith.constant 55 : i32
      %get3A_710 = arith.index_cast %get3A_709 : i32 to index
      %get3A_711 = arith.constant 0 : index
      %get3A_712 = tpu.vector_load %arg6[%get3A_710, %get3A_711] {strides = array<i32>} : memref<100x32xf32, #tpu.memory_space<vmem>>, vector<1x16xf32>,
      %get3A_713 = vector.shape_cast %get3A_712 : vector<1x16xf32> to vector<16xf32>
      %add3A_714 = arith.addf %add3A_702, %get3A_713 : vector<16xf32>
      %get3A_715 = arith.constant 55 : i32
      %get3A_716 = arith.index_cast %get3A_715 : i32 to index
      %get3A_717 = arith.constant 16 : index
      %get3A_718 = tpu.vector_load %arg6[%get3A_716, %get3A_717] {strides = array<i32>} : memref<100x32xf32, #tpu.memory_space<vmem>>, vector<1x16xf32>,
      %get3A_719 = vector.shape_cast %get3A_718 : vector<1x16xf32> to vector<16xf32>
      %add3A_720 = arith.addf %add3A_708, %get3A_719 : vector<16xf32>
      %get3A_721 = arith.constant 56 : i32
      %get3A_722 = arith.index_cast %get3A_721 : i32 to index
      %get3A_723 = arith.constant 0 : index
      %get3A_724 = tpu.vector_load %arg6[%get3A_722, %get3A_723] {strides = array<i32>} : memref<100x32xf32, #tpu.memory_space<vmem>>, vector<1x16xf32>,
      %get3A_725 = vector.shape_cast %get3A_724 : vector<1x16xf32> to vector<16xf32>
      %add3A_726 = arith.addf %add3A_714, %get3A_725 : vector<16xf32>
      %get3A_727 = arith.constant 56 : i32
      %get3A_728 = arith.index_cast %get3A_727 : i32 to index
      %get3A_729 = arith.constant 16 : index
      %get3A_730 = tpu.vector_load %arg6[%get3A_728, %get3A_729] {strides = array<i32>} : memref<100x32xf32, #tpu.memory_space<vmem>>, vector<1x16xf32>,
      %get3A_731 = vector.shape_cast %get3A_730 : vector<1x16xf32> to vector<16xf32>
      %add3A_732 = arith.addf %add3A_720, %get3A_731 : vector<16xf32>
      %get3A_733 = arith.constant 57 : i32
      %get3A_734 = arith.index_cast %get3A_733 : i32 to index
      %get3A_735 = arith.constant 0 : index
      %get3A_736 = tpu.vector_load %arg6[%get3A_734, %get3A_735] {strides = array<i32>} : memref<100x32xf32, #tpu.memory_space<vmem>>, vector<1x16xf32>,
      %get3A_737 = vector.shape_cast %get3A_736 : vector<1x16xf32> to vector<16xf32>
      %add3A_738 = arith.addf %add3A_726, %get3A_737 : vector<16xf32>
      %get3A_739 = arith.constant 57 : i32
      %get3A_740 = arith.index_cast %get3A_739 : i32 to index
      %get3A_741 = arith.constant 16 : index
      %get3A_742 = tpu.vector_load %arg6[%get3A_740, %get3A_741] {strides = array<i32>} : memref<100x32xf32, #tpu.memory_space<vmem>>, vector<1x16xf32>,
      %get3A_743 = vector.shape_cast %get3A_742 : vector<1x16xf32> to vector<16xf32>
      %add3A_744 = arith.addf %add3A_732, %get3A_743 : vector<16xf32>
      %get3A_745 = arith.constant 58 : i32
      %get3A_746 = arith.index_cast %get3A_745 : i32 to index
      %get3A_747 = arith.constant 0 : index
      %get3A_748 = tpu.vector_load %arg6[%get3A_746, %get3A_747] {strides = array<i32>} : memref<100x32xf32, #tpu.memory_space<vmem>>, vector<1x16xf32>,
      %get3A_749 = vector.shape_cast %get3A_748 : vector<1x16xf32> to vector<16xf32>
      %add3A_750 = arith.addf %add3A_738, %get3A_749 : vector<16xf32>
      %get3A_751 = arith.constant 58 : i32
      %get3A_752 = arith.index_cast %get3A_751 : i32 to index
      %get3A_753 = arith.constant 16 : index
      %get3A_754 = tpu.vector_load %arg6[%get3A_752, %get3A_753] {strides = array<i32>} : memref<100x32xf32, #tpu.memory_space<vmem>>, vector<1x16xf32>,
      %get3A_755 = vector.shape_cast %get3A_754 : vector<1x16xf32> to vector<16xf32>
      %add3A_756 = arith.addf %add3A_744, %get3A_755 : vector<16xf32>
      %get3A_757 = arith.constant 59 : i32
      %get3A_758 = arith.index_cast %get3A_757 : i32 to index
      %get3A_759 = arith.constant 0 : index
      %get3A_760 = tpu.vector_load %arg6[%get3A_758, %get3A_759] {strides = array<i32>} : memref<100x32xf32, #tpu.memory_space<vmem>>, vector<1x16xf32>,
      %get3A_761 = vector.shape_cast %get3A_760 : vector<1x16xf32> to vector<16xf32>
      %add3A_762 = arith.addf %add3A_750, %get3A_761 : vector<16xf32>
      %get3A_763 = arith.constant 59 : i32
      %get3A_764 = arith.index_cast %get3A_763 : i32 to index
      %get3A_765 = arith.constant 16 : index
      %get3A_766 = tpu.vector_load %arg6[%get3A_764, %get3A_765] {strides = array<i32>} : memref<100x32xf32, #tpu.memory_space<vmem>>, vector<1x16xf32>,
      %get3A_767 = vector.shape_cast %get3A_766 : vector<1x16xf32> to vector<16xf32>
      %add3A_768 = arith.addf %add3A_756, %get3A_767 : vector<16xf32>
      %get3A_769 = arith.constant 60 : i32
      %get3A_770 = arith.index_cast %get3A_769 : i32 to index
      %get3A_771 = arith.constant 0 : index
      %get3A_772 = tpu.vector_load %arg6[%get3A_770, %get3A_771] {strides = array<i32>} : memref<100x32xf32, #tpu.memory_space<vmem>>, vector<1x16xf32>,
      %get3A_773 = vector.shape_cast %get3A_772 : vector<1x16xf32> to vector<16xf32>
      %add3A_774 = arith.addf %add3A_762, %get3A_773 : vector<16xf32>
      %get3A_775 = arith.constant 60 : i32
      %get3A_776 = arith.index_cast %get3A_775 : i32 to index
      %get3A_777 = arith.constant 16 : index
      %get3A_778 = tpu.vector_load %arg6[%get3A_776, %get3A_777] {strides = array<i32>} : memref<100x32xf32, #tpu.memory_space<vmem>>, vector<1x16xf32>,
      %get3A_779 = vector.shape_cast %get3A_778 : vector<1x16xf32> to vector<16xf32>
      %add3A_780 = arith.addf %add3A_768, %get3A_779 : vector<16xf32>
      %get3A_781 = arith.constant 61 : i32
      %get3A_782 = arith.index_cast %get3A_781 : i32 to index
      %get3A_783 = arith.constant 0 : index
      %get3A_784 = tpu.vector_load %arg6[%get3A_782, %get3A_783] {strides = array<i32>} : memref<100x32xf32, #tpu.memory_space<vmem>>, vector<1x16xf32>,
      %get3A_785 = vector.shape_cast %get3A_784 : vector<1x16xf32> to vector<16xf32>
      %add3A_786 = arith.addf %add3A_774, %get3A_785 : vector<16xf32>
      %get3A_787 = arith.constant 61 : i32
      %get3A_788 = arith.index_cast %get3A_787 : i32 to index
      %get3A_789 = arith.constant 16 : index
      %get3A_790 = tpu.vector_load %arg6[%get3A_788, %get3A_789] {strides = array<i32>} : memref<100x32xf32, #tpu.memory_space<vmem>>, vector<1x16xf32>,
      %get3A_791 = vector.shape_cast %get3A_790 : vector<1x16xf32> to vector<16xf32>
      %add3A_792 = arith.addf %add3A_780, %get3A_791 : vector<16xf32>
      %get3A_793 = arith.constant 62 : i32
      %get3A_794 = arith.index_cast %get3A_793 : i32 to index
      %get3A_795 = arith.constant 0 : index
      %get3A_796 = tpu.vector_load %arg6[%get3A_794, %get3A_795] {strides = array<i32>} : memref<100x32xf32, #tpu.memory_space<vmem>>, vector<1x16xf32>,
      %get3A_797 = vector.shape_cast %get3A_796 : vector<1x16xf32> to vector<16xf32>
      %add3A_798 = arith.addf %add3A_786, %get3A_797 : vector<16xf32>
      %get3A_799 = arith.constant 62 : i32
      %get3A_800 = arith.index_cast %get3A_799 : i32 to index
      %get3A_801 = arith.constant 16 : index
      %get3A_802 = tpu.vector_load %arg6[%get3A_800, %get3A_801] {strides = array<i32>} : memref<100x32xf32, #tpu.memory_space<vmem>>, vector<1x16xf32>,
      %get3A_803 = vector.shape_cast %get3A_802 : vector<1x16xf32> to vector<16xf32>
      %add3A_804 = arith.addf %add3A_792, %get3A_803 : vector<16xf32>
      %get3A_805 = arith.constant 63 : i32
      %get3A_806 = arith.index_cast %get3A_805 : i32 to index
      %get3A_807 = arith.constant 0 : index
      %get3A_808 = tpu.vector_load %arg6[%get3A_806, %get3A_807] {strides = array<i32>} : memref<100x32xf32, #tpu.memory_space<vmem>>, vector<1x16xf32>,
      %get3A_809 = vector.shape_cast %get3A_808 : vector<1x16xf32> to vector<16xf32>
      %add3A_810 = arith.addf %add3A_798, %get3A_809 : vector<16xf32>
      %get3A_811 = arith.constant 63 : i32
      %get3A_812 = arith.index_cast %get3A_811 : i32 to index
      %get3A_813 = arith.constant 16 : index
      %get3A_814 = tpu.vector_load %arg6[%get3A_812, %get3A_813] {strides = array<i32>} : memref<100x32xf32, #tpu.memory_space<vmem>>, vector<1x16xf32>,
      %get3A_815 = vector.shape_cast %get3A_814 : vector<1x16xf32> to vector<16xf32>
      %add3A_816 = arith.addf %add3A_804, %get3A_815 : vector<16xf32>
      %get3A_817 = arith.constant 64 : i32
      %get3A_818 = arith.index_cast %get3A_817 : i32 to index
      %get3A_819 = arith.constant 0 : index
      %get3A_820 = tpu.vector_load %arg6[%get3A_818, %get3A_819] {strides = array<i32>} : memref<100x32xf32, #tpu.memory_space<vmem>>, vector<1x16xf32>,
      %get3A_821 = vector.shape_cast %get3A_820 : vector<1x16xf32> to vector<16xf32>
      %add3A_822 = arith.addf %add3A_810, %get3A_821 : vector<16xf32>
      %get3A_823 = arith.constant 64 : i32
      %get3A_824 = arith.index_cast %get3A_823 : i32 to index
      %get3A_825 = arith.constant 16 : index
      %get3A_826 = tpu.vector_load %arg6[%get3A_824, %get3A_825] {strides = array<i32>} : memref<100x32xf32, #tpu.memory_space<vmem>>, vector<1x16xf32>,
      %get3A_827 = vector.shape_cast %get3A_826 : vector<1x16xf32> to vector<16xf32>
      %add3A_828 = arith.addf %add3A_816, %get3A_827 : vector<16xf32>
      %get3A_829 = arith.constant 65 : i32
      %get3A_830 = arith.index_cast %get3A_829 : i32 to index
      %get3A_831 = arith.constant 0 : index
      %get3A_832 = tpu.vector_load %arg6[%get3A_830, %get3A_831] {strides = array<i32>} : memref<100x32xf32, #tpu.memory_space<vmem>>, vector<1x16xf32>,
      %get3A_833 = vector.shape_cast %get3A_832 : vector<1x16xf32> to vector<16xf32>
      %add3A_834 = arith.addf %add3A_822, %get3A_833 : vector<16xf32>
      %get3A_835 = arith.constant 65 : i32
      %get3A_836 = arith.index_cast %get3A_835 : i32 to index
      %get3A_837 = arith.constant 16 : index
      %get3A_838 = tpu.vector_load %arg6[%get3A_836, %get3A_837] {strides = array<i32>} : memref<100x32xf32, #tpu.memory_space<vmem>>, vector<1x16xf32>,
      %get3A_839 = vector.shape_cast %get3A_838 : vector<1x16xf32> to vector<16xf32>
      %add3A_840 = arith.addf %add3A_828, %get3A_839 : vector<16xf32>
      %get3A_841 = arith.constant 66 : i32
      %get3A_842 = arith.index_cast %get3A_841 : i32 to index
      %get3A_843 = arith.constant 0 : index
      %get3A_844 = tpu.vector_load %arg6[%get3A_842, %get3A_843] {strides = array<i32>} : memref<100x32xf32, #tpu.memory_space<vmem>>, vector<1x16xf32>,
      %get3A_845 = vector.shape_cast %get3A_844 : vector<1x16xf32> to vector<16xf32>
      %add3A_846 = arith.addf %add3A_834, %get3A_845 : vector<16xf32>
      %get3A_847 = arith.constant 66 : i32
      %get3A_848 = arith.index_cast %get3A_847 : i32 to index
      %get3A_849 = arith.constant 16 : index
      %get3A_850 = tpu.vector_load %arg6[%get3A_848, %get3A_849] {strides = array<i32>} : memref<100x32xf32, #tpu.memory_space<vmem>>, vector<1x16xf32>,
      %get3A_851 = vector.shape_cast %get3A_850 : vector<1x16xf32> to vector<16xf32>
      %add3A_852 = arith.addf %add3A_840, %get3A_851 : vector<16xf32>
      %get3A_853 = arith.constant 67 : i32
      %get3A_854 = arith.index_cast %get3A_853 : i32 to index
      %get3A_855 = arith.constant 0 : index
      %get3A_856 = tpu.vector_load %arg6[%get3A_854, %get3A_855] {strides = array<i32>} : memref<100x32xf32, #tpu.memory_space<vmem>>, vector<1x16xf32>,
      %get3A_857 = vector.shape_cast %get3A_856 : vector<1x16xf32> to vector<16xf32>
      %add3A_858 = arith.addf %add3A_846, %get3A_857 : vector<16xf32>
      %get3A_859 = arith.constant 67 : i32
      %get3A_860 = arith.index_cast %get3A_859 : i32 to index
      %get3A_861 = arith.constant 16 : index
      %get3A_862 = tpu.vector_load %arg6[%get3A_860, %get3A_861] {strides = array<i32>} : memref<100x32xf32, #tpu.memory_space<vmem>>, vector<1x16xf32>,
      %get3A_863 = vector.shape_cast %get3A_862 : vector<1x16xf32> to vector<16xf32>
      %add3A_864 = arith.addf %add3A_852, %get3A_863 : vector<16xf32>
      %get3A_865 = arith.constant 68 : i32
      %get3A_866 = arith.index_cast %get3A_865 : i32 to index
      %get3A_867 = arith.constant 0 : index
      %get3A_868 = tpu.vector_load %arg6[%get3A_866, %get3A_867] {strides = array<i32>} : memref<100x32xf32, #tpu.memory_space<vmem>>, vector<1x16xf32>,
      %get3A_869 = vector.shape_cast %get3A_868 : vector<1x16xf32> to vector<16xf32>
      %add3A_870 = arith.addf %add3A_858, %get3A_869 : vector<16xf32>
      %get3A_871 = arith.constant 68 : i32
      %get3A_872 = arith.index_cast %get3A_871 : i32 to index
      %get3A_873 = arith.constant 16 : index
      %get3A_874 = tpu.vector_load %arg6[%get3A_872, %get3A_873] {strides = array<i32>} : memref<100x32xf32, #tpu.memory_space<vmem>>, vector<1x16xf32>,
      %get3A_875 = vector.shape_cast %get3A_874 : vector<1x16xf32> to vector<16xf32>
      %add3A_876 = arith.addf %add3A_864, %get3A_875 : vector<16xf32>
      %get3A_877 = arith.constant 69 : i32
      %get3A_878 = arith.index_cast %get3A_877 : i32 to index
      %get3A_879 = arith.constant 0 : index
      %get3A_880 = tpu.vector_load %arg6[%get3A_878, %get3A_879] {strides = array<i32>} : memref<100x32xf32, #tpu.memory_space<vmem>>, vector<1x16xf32>,
      %get3A_881 = vector.shape_cast %get3A_880 : vector<1x16xf32> to vector<16xf32>
      %add3A_882 = arith.addf %add3A_870, %get3A_881 : vector<16xf32>
      %get3A_883 = arith.constant 69 : i32
      %get3A_884 = arith.index_cast %get3A_883 : i32 to index
      %get3A_885 = arith.constant 16 : index
      %get3A_886 = tpu.vector_load %arg6[%get3A_884, %get3A_885] {strides = array<i32>} : memref<100x32xf32, #tpu.memory_space<vmem>>, vector<1x16xf32>,
      %get3A_887 = vector.shape_cast %get3A_886 : vector<1x16xf32> to vector<16xf32>
      %add3A_888 = arith.addf %add3A_876, %get3A_887 : vector<16xf32>
      %get3A_889 = arith.constant 70 : i32
      %get3A_890 = arith.index_cast %get3A_889 : i32 to index
      %get3A_891 = arith.constant 0 : index
      %get3A_892 = tpu.vector_load %arg6[%get3A_890, %get3A_891] {strides = array<i32>} : memref<100x32xf32, #tpu.memory_space<vmem>>, vector<1x16xf32>,
      %get3A_893 = vector.shape_cast %get3A_892 : vector<1x16xf32> to vector<16xf32>
      %add3A_894 = arith.addf %add3A_882, %get3A_893 : vector<16xf32>
      %get3A_895 = arith.constant 70 : i32
      %get3A_896 = arith.index_cast %get3A_895 : i32 to index
      %get3A_897 = arith.constant 16 : index
      %get3A_898 = tpu.vector_load %arg6[%get3A_896, %get3A_897] {strides = array<i32>} : memref<100x32xf32, #tpu.memory_space<vmem>>, vector<1x16xf32>,
      %get3A_899 = vector.shape_cast %get3A_898 : vector<1x16xf32> to vector<16xf32>
      %add3A_900 = arith.addf %add3A_888, %get3A_899 : vector<16xf32>
      %get3A_901 = arith.constant 71 : i32
      %get3A_902 = arith.index_cast %get3A_901 : i32 to index
      %get3A_903 = arith.constant 0 : index
      %get3A_904 = tpu.vector_load %arg6[%get3A_902, %get3A_903] {strides = array<i32>} : memref<100x32xf32, #tpu.memory_space<vmem>>, vector<1x16xf32>,
      %get3A_905 = vector.shape_cast %get3A_904 : vector<1x16xf32> to vector<16xf32>
      %add3A_906 = arith.addf %add3A_894, %get3A_905 : vector<16xf32>
      %get3A_907 = arith.constant 71 : i32
      %get3A_908 = arith.index_cast %get3A_907 : i32 to index
      %get3A_909 = arith.constant 16 : index
      %get3A_910 = tpu.vector_load %arg6[%get3A_908, %get3A_909] {strides = array<i32>} : memref<100x32xf32, #tpu.memory_space<vmem>>, vector<1x16xf32>,
      %get3A_911 = vector.shape_cast %get3A_910 : vector<1x16xf32> to vector<16xf32>
      %add3A_912 = arith.addf %add3A_900, %get3A_911 : vector<16xf32>
      %get3A_913 = arith.constant 72 : i32
      %get3A_914 = arith.index_cast %get3A_913 : i32 to index
      %get3A_915 = arith.constant 0 : index
      %get3A_916 = tpu.vector_load %arg6[%get3A_914, %get3A_915] {strides = array<i32>} : memref<100x32xf32, #tpu.memory_space<vmem>>, vector<1x16xf32>,
      %get3A_917 = vector.shape_cast %get3A_916 : vector<1x16xf32> to vector<16xf32>
      %add3A_918 = arith.addf %add3A_906, %get3A_917 : vector<16xf32>
      %get3A_919 = arith.constant 72 : i32
      %get3A_920 = arith.index_cast %get3A_919 : i32 to index
      %get3A_921 = arith.constant 16 : index
      %get3A_922 = tpu.vector_load %arg6[%get3A_920, %get3A_921] {strides = array<i32>} : memref<100x32xf32, #tpu.memory_space<vmem>>, vector<1x16xf32>,
      %get3A_923 = vector.shape_cast %get3A_922 : vector<1x16xf32> to vector<16xf32>
      %add3A_924 = arith.addf %add3A_912, %get3A_923 : vector<16xf32>
      %get3A_925 = arith.constant 73 : i32
      %get3A_926 = arith.index_cast %get3A_925 : i32 to index
      %get3A_927 = arith.constant 0 : index
      %get3A_928 = tpu.vector_load %arg6[%get3A_926, %get3A_927] {strides = array<i32>} : memref<100x32xf32, #tpu.memory_space<vmem>>, vector<1x16xf32>,
      %get3A_929 = vector.shape_cast %get3A_928 : vector<1x16xf32> to vector<16xf32>
      %add3A_930 = arith.addf %add3A_918, %get3A_929 : vector<16xf32>
      %get3A_931 = arith.constant 73 : i32
      %get3A_932 = arith.index_cast %get3A_931 : i32 to index
      %get3A_933 = arith.constant 16 : index
      %get3A_934 = tpu.vector_load %arg6[%get3A_932, %get3A_933] {strides = array<i32>} : memref<100x32xf32, #tpu.memory_space<vmem>>, vector<1x16xf32>,
      %get3A_935 = vector.shape_cast %get3A_934 : vector<1x16xf32> to vector<16xf32>
      %add3A_936 = arith.addf %add3A_924, %get3A_935 : vector<16xf32>
      %get3A_937 = arith.constant 74 : i32
      %get3A_938 = arith.index_cast %get3A_937 : i32 to index
      %get3A_939 = arith.constant 0 : index
      %get3A_940 = tpu.vector_load %arg6[%get3A_938, %get3A_939] {strides = array<i32>} : memref<100x32xf32, #tpu.memory_space<vmem>>, vector<1x16xf32>,
      %get3A_941 = vector.shape_cast %get3A_940 : vector<1x16xf32> to vector<16xf32>
      %add3A_942 = arith.addf %add3A_930, %get3A_941 : vector<16xf32>
      %get3A_943 = arith.constant 74 : i32
      %get3A_944 = arith.index_cast %get3A_943 : i32 to index
      %get3A_945 = arith.constant 16 : index
      %get3A_946 = tpu.vector_load %arg6[%get3A_944, %get3A_945] {strides = array<i32>} : memref<100x32xf32, #tpu.memory_space<vmem>>, vector<1x16xf32>,
      %get3A_947 = vector.shape_cast %get3A_946 : vector<1x16xf32> to vector<16xf32>
      %add3A_948 = arith.addf %add3A_936, %get3A_947 : vector<16xf32>
      %get3A_949 = arith.constant 75 : i32
      %get3A_950 = arith.index_cast %get3A_949 : i32 to index
      %get3A_951 = arith.constant 0 : index
      %get3A_952 = tpu.vector_load %arg6[%get3A_950, %get3A_951] {strides = array<i32>} : memref<100x32xf32, #tpu.memory_space<vmem>>, vector<1x16xf32>,
      %get3A_953 = vector.shape_cast %get3A_952 : vector<1x16xf32> to vector<16xf32>
      %add3A_954 = arith.addf %add3A_942, %get3A_953 : vector<16xf32>
      %get3A_955 = arith.constant 75 : i32
      %get3A_956 = arith.index_cast %get3A_955 : i32 to index
      %get3A_957 = arith.constant 16 : index
      %get3A_958 = tpu.vector_load %arg6[%get3A_956, %get3A_957] {strides = array<i32>} : memref<100x32xf32, #tpu.memory_space<vmem>>, vector<1x16xf32>,
      %get3A_959 = vector.shape_cast %get3A_958 : vector<1x16xf32> to vector<16xf32>
      %add3A_960 = arith.addf %add3A_948, %get3A_959 : vector<16xf32>
      %get3A_961 = arith.constant 76 : i32
      %get3A_962 = arith.index_cast %get3A_961 : i32 to index
      %get3A_963 = arith.constant 0 : index
      %get3A_964 = tpu.vector_load %arg6[%get3A_962, %get3A_963] {strides = array<i32>} : memref<100x32xf32, #tpu.memory_space<vmem>>, vector<1x16xf32>,
      %get3A_965 = vector.shape_cast %get3A_964 : vector<1x16xf32> to vector<16xf32>
      %add3A_966 = arith.addf %add3A_954, %get3A_965 : vector<16xf32>
      %get3A_967 = arith.constant 76 : i32
      %get3A_968 = arith.index_cast %get3A_967 : i32 to index
      %get3A_969 = arith.constant 16 : index
      %get3A_970 = tpu.vector_load %arg6[%get3A_968, %get3A_969] {strides = array<i32>} : memref<100x32xf32, #tpu.memory_space<vmem>>, vector<1x16xf32>,
      %get3A_971 = vector.shape_cast %get3A_970 : vector<1x16xf32> to vector<16xf32>
      %add3A_972 = arith.addf %add3A_960, %get3A_971 : vector<16xf32>
      %get3A_973 = arith.constant 77 : i32
      %get3A_974 = arith.index_cast %get3A_973 : i32 to index
      %get3A_975 = arith.constant 0 : index
      %get3A_976 = tpu.vector_load %arg6[%get3A_974, %get3A_975] {strides = array<i32>} : memref<100x32xf32, #tpu.memory_space<vmem>>, vector<1x16xf32>,
      %get3A_977 = vector.shape_cast %get3A_976 : vector<1x16xf32> to vector<16xf32>
      %add3A_978 = arith.addf %add3A_966, %get3A_977 : vector<16xf32>
      %get3A_979 = arith.constant 77 : i32
      %get3A_980 = arith.index_cast %get3A_979 : i32 to index
      %get3A_981 = arith.constant 16 : index
      %get3A_982 = tpu.vector_load %arg6[%get3A_980, %get3A_981] {strides = array<i32>} : memref<100x32xf32, #tpu.memory_space<vmem>>, vector<1x16xf32>,
      %get3A_983 = vector.shape_cast %get3A_982 : vector<1x16xf32> to vector<16xf32>
      %add3A_984 = arith.addf %add3A_972, %get3A_983 : vector<16xf32>
      %get3A_985 = arith.constant 78 : i32
      %get3A_986 = arith.index_cast %get3A_985 : i32 to index
      %get3A_987 = arith.constant 0 : index
      %get3A_988 = tpu.vector_load %arg6[%get3A_986, %get3A_987] {strides = array<i32>} : memref<100x32xf32, #tpu.memory_space<vmem>>, vector<1x16xf32>,
      %get3A_989 = vector.shape_cast %get3A_988 : vector<1x16xf32> to vector<16xf32>
      %add3A_990 = arith.addf %add3A_978, %get3A_989 : vector<16xf32>
      %get3A_991 = arith.constant 78 : i32
      %get3A_992 = arith.index_cast %get3A_991 : i32 to index
      %get3A_993 = arith.constant 16 : index
      %get3A_994 = tpu.vector_load %arg6[%get3A_992, %get3A_993] {strides = array<i32>} : memref<100x32xf32, #tpu.memory_space<vmem>>, vector<1x16xf32>,
      %get3A_995 = vector.shape_cast %get3A_994 : vector<1x16xf32> to vector<16xf32>
      %add3A_996 = arith.addf %add3A_984, %get3A_995 : vector<16xf32>
      %get3A_997 = arith.constant 79 : i32
      %get3A_998 = arith.index_cast %get3A_997 : i32 to index
      %get3A_999 = arith.constant 0 : index
      %get3A_1000 = tpu.vector_load %arg6[%get3A_998, %get3A_999] {strides = array<i32>} : memref<100x32xf32, #tpu.memory_space<vmem>>, vector<1x16xf32>,
      %get3A_1001 = vector.shape_cast %get3A_1000 : vector<1x16xf32> to vector<16xf32>
      %add3A_1002 = arith.addf %add3A_990, %get3A_1001 : vector<16xf32>
      %get3A_1003 = arith.constant 79 : i32
      %get3A_1004 = arith.index_cast %get3A_1003 : i32 to index
      %get3A_1005 = arith.constant 16 : index
      %get3A_1006 = tpu.vector_load %arg6[%get3A_1004, %get3A_1005] {strides = array<i32>} : memref<100x32xf32, #tpu.memory_space<vmem>>, vector<1x16xf32>,
      %get3A_1007 = vector.shape_cast %get3A_1006 : vector<1x16xf32> to vector<16xf32>
      %add3A_1008 = arith.addf %add3A_996, %get3A_1007 : vector<16xf32>
      %get3A_1009 = arith.constant 80 : i32
      %get3A_1010 = arith.index_cast %get3A_1009 : i32 to index
      %get3A_1011 = arith.constant 0 : index
      %get3A_1012 = tpu.vector_load %arg6[%get3A_1010, %get3A_1011] {strides = array<i32>} : memref<100x32xf32, #tpu.memory_space<vmem>>, vector<1x16xf32>,
      %get3A_1013 = vector.shape_cast %get3A_1012 : vector<1x16xf32> to vector<16xf32>
      %add3A_1014 = arith.addf %add3A_1002, %get3A_1013 : vector<16xf32>
      %get3A_1015 = arith.constant 80 : i32
      %get3A_1016 = arith.index_cast %get3A_1015 : i32 to index
      %get3A_1017 = arith.constant 16 : index
      %get3A_1018 = tpu.vector_load %arg6[%get3A_1016, %get3A_1017] {strides = array<i32>} : memref<100x32xf32, #tpu.memory_space<vmem>>, vector<1x16xf32>,
      %get3A_1019 = vector.shape_cast %get3A_1018 : vector<1x16xf32> to vector<16xf32>
      %add3A_1020 = arith.addf %add3A_1008, %get3A_1019 : vector<16xf32>
      %get3A_1021 = arith.constant 81 : i32
      %get3A_1022 = arith.index_cast %get3A_1021 : i32 to index
      %get3A_1023 = arith.constant 0 : index
      %get3A_1024 = tpu.vector_load %arg6[%get3A_1022, %get3A_1023] {strides = array<i32>} : memref<100x32xf32, #tpu.memory_space<vmem>>, vector<1x16xf32>,
      %get3A_1025 = vector.shape_cast %get3A_1024 : vector<1x16xf32> to vector<16xf32>
      %add3A_1026 = arith.addf %add3A_1014, %get3A_1025 : vector<16xf32>
      %get3A_1027 = arith.constant 81 : i32
      %get3A_1028 = arith.index_cast %get3A_1027 : i32 to index
      %get3A_1029 = arith.constant 16 : index
      %get3A_1030 = tpu.vector_load %arg6[%get3A_1028, %get3A_1029] {strides = array<i32>} : memref<100x32xf32, #tpu.memory_space<vmem>>, vector<1x16xf32>,
      %get3A_1031 = vector.shape_cast %get3A_1030 : vector<1x16xf32> to vector<16xf32>
      %add3A_1032 = arith.addf %add3A_1020, %get3A_1031 : vector<16xf32>
      %get3A_1033 = arith.constant 82 : i32
      %get3A_1034 = arith.index_cast %get3A_1033 : i32 to index
      %get3A_1035 = arith.constant 0 : index
      %get3A_1036 = tpu.vector_load %arg6[%get3A_1034, %get3A_1035] {strides = array<i32>} : memref<100x32xf32, #tpu.memory_space<vmem>>, vector<1x16xf32>,
      %get3A_1037 = vector.shape_cast %get3A_1036 : vector<1x16xf32> to vector<16xf32>
      %add3A_1038 = arith.addf %add3A_1026, %get3A_1037 : vector<16xf32>
      %get3A_1039 = arith.constant 82 : i32
      %get3A_1040 = arith.index_cast %get3A_1039 : i32 to index
      %get3A_1041 = arith.constant 16 : index
      %get3A_1042 = tpu.vector_load %arg6[%get3A_1040, %get3A_1041] {strides = array<i32>} : memref<100x32xf32, #tpu.memory_space<vmem>>, vector<1x16xf32>,
      %get3A_1043 = vector.shape_cast %get3A_1042 : vector<1x16xf32> to vector<16xf32>
      %add3A_1044 = arith.addf %add3A_1032, %get3A_1043 : vector<16xf32>
      %get3A_1045 = arith.constant 83 : i32
      %get3A_1046 = arith.index_cast %get3A_1045 : i32 to index
      %get3A_1047 = arith.constant 0 : index
      %get3A_1048 = tpu.vector_load %arg6[%get3A_1046, %get3A_1047] {strides = array<i32>} : memref<100x32xf32, #tpu.memory_space<vmem>>, vector<1x16xf32>,
      %get3A_1049 = vector.shape_cast %get3A_1048 : vector<1x16xf32> to vector<16xf32>
      %add3A_1050 = arith.addf %add3A_1038, %get3A_1049 : vector<16xf32>
      %get3A_1051 = arith.constant 83 : i32
      %get3A_1052 = arith.index_cast %get3A_1051 : i32 to index
      %get3A_1053 = arith.constant 16 : index
      %get3A_1054 = tpu.vector_load %arg6[%get3A_1052, %get3A_1053] {strides = array<i32>} : memref<100x32xf32, #tpu.memory_space<vmem>>, vector<1x16xf32>,
      %get3A_1055 = vector.shape_cast %get3A_1054 : vector<1x16xf32> to vector<16xf32>
      %add3A_1056 = arith.addf %add3A_1044, %get3A_1055 : vector<16xf32>
      %get3A_1057 = arith.constant 84 : i32
      %get3A_1058 = arith.index_cast %get3A_1057 : i32 to index
      %get3A_1059 = arith.constant 0 : index
      %get3A_1060 = tpu.vector_load %arg6[%get3A_1058, %get3A_1059] {strides = array<i32>} : memref<100x32xf32, #tpu.memory_space<vmem>>, vector<1x16xf32>,
      %get3A_1061 = vector.shape_cast %get3A_1060 : vector<1x16xf32> to vector<16xf32>
      %add3A_1062 = arith.addf %add3A_1050, %get3A_1061 : vector<16xf32>
      %get3A_1063 = arith.constant 84 : i32
      %get3A_1064 = arith.index_cast %get3A_1063 : i32 to index
      %get3A_1065 = arith.constant 16 : index
      %get3A_1066 = tpu.vector_load %arg6[%get3A_1064, %get3A_1065] {strides = array<i32>} : memref<100x32xf32, #tpu.memory_space<vmem>>, vector<1x16xf32>,
      %get3A_1067 = vector.shape_cast %get3A_1066 : vector<1x16xf32> to vector<16xf32>
      %add3A_1068 = arith.addf %add3A_1056, %get3A_1067 : vector<16xf32>
      %get3A_1069 = arith.constant 85 : i32
      %get3A_1070 = arith.index_cast %get3A_1069 : i32 to index
      %get3A_1071 = arith.constant 0 : index
      %get3A_1072 = tpu.vector_load %arg6[%get3A_1070, %get3A_1071] {strides = array<i32>} : memref<100x32xf32, #tpu.memory_space<vmem>>, vector<1x16xf32>,
      %get3A_1073 = vector.shape_cast %get3A_1072 : vector<1x16xf32> to vector<16xf32>
      %add3A_1074 = arith.addf %add3A_1062, %get3A_1073 : vector<16xf32>
      %get3A_1075 = arith.constant 85 : i32
      %get3A_1076 = arith.index_cast %get3A_1075 : i32 to index
      %get3A_1077 = arith.constant 16 : index
      %get3A_1078 = tpu.vector_load %arg6[%get3A_1076, %get3A_1077] {strides = array<i32>} : memref<100x32xf32, #tpu.memory_space<vmem>>, vector<1x16xf32>,
      %get3A_1079 = vector.shape_cast %get3A_1078 : vector<1x16xf32> to vector<16xf32>
      %add3A_1080 = arith.addf %add3A_1068, %get3A_1079 : vector<16xf32>
      %get3A_1081 = arith.constant 86 : i32
      %get3A_1082 = arith.index_cast %get3A_1081 : i32 to index
      %get3A_1083 = arith.constant 0 : index
      %get3A_1084 = tpu.vector_load %arg6[%get3A_1082, %get3A_1083] {strides = array<i32>} : memref<100x32xf32, #tpu.memory_space<vmem>>, vector<1x16xf32>,
      %get3A_1085 = vector.shape_cast %get3A_1084 : vector<1x16xf32> to vector<16xf32>
      %add3A_1086 = arith.addf %add3A_1074, %get3A_1085 : vector<16xf32>
      %get3A_1087 = arith.constant 86 : i32
      %get3A_1088 = arith.index_cast %get3A_1087 : i32 to index
      %get3A_1089 = arith.constant 16 : index
      %get3A_1090 = tpu.vector_load %arg6[%get3A_1088, %get3A_1089] {strides = array<i32>} : memref<100x32xf32, #tpu.memory_space<vmem>>, vector<1x16xf32>,
      %get3A_1091 = vector.shape_cast %get3A_1090 : vector<1x16xf32> to vector<16xf32>
      %add3A_1092 = arith.addf %add3A_1080, %get3A_1091 : vector<16xf32>
      %get3A_1093 = arith.constant 87 : i32
      %get3A_1094 = arith.index_cast %get3A_1093 : i32 to index
      %get3A_1095 = arith.constant 0 : index
      %get3A_1096 = tpu.vector_load %arg6[%get3A_1094, %get3A_1095] {strides = array<i32>} : memref<100x32xf32, #tpu.memory_space<vmem>>, vector<1x16xf32>,
      %get3A_1097 = vector.shape_cast %get3A_1096 : vector<1x16xf32> to vector<16xf32>
      %add3A_1098 = arith.addf %add3A_1086, %get3A_1097 : vector<16xf32>
      %get3A_1099 = arith.constant 87 : i32
      %get3A_1100 = arith.index_cast %get3A_1099 : i32 to index
      %get3A_1101 = arith.constant 16 : index
      %get3A_1102 = tpu.vector_load %arg6[%get3A_1100, %get3A_1101] {strides = array<i32>} : memref<100x32xf32, #tpu.memory_space<vmem>>, vector<1x16xf32>,
      %get3A_1103 = vector.shape_cast %get3A_1102 : vector<1x16xf32> to vector<16xf32>
      %add3A_1104 = arith.addf %add3A_1092, %get3A_1103 : vector<16xf32>
      %get3A_1105 = arith.constant 88 : i32
      %get3A_1106 = arith.index_cast %get3A_1105 : i32 to index
      %get3A_1107 = arith.constant 0 : index
      %get3A_1108 = tpu.vector_load %arg6[%get3A_1106, %get3A_1107] {strides = array<i32>} : memref<100x32xf32, #tpu.memory_space<vmem>>, vector<1x16xf32>,
      %get3A_1109 = vector.shape_cast %get3A_1108 : vector<1x16xf32> to vector<16xf32>
      %add3A_1110 = arith.addf %add3A_1098, %get3A_1109 : vector<16xf32>
      %get3A_1111 = arith.constant 88 : i32
      %get3A_1112 = arith.index_cast %get3A_1111 : i32 to index
      %get3A_1113 = arith.constant 16 : index
      %get3A_1114 = tpu.vector_load %arg6[%get3A_1112, %get3A_1113] {strides = array<i32>} : memref<100x32xf32, #tpu.memory_space<vmem>>, vector<1x16xf32>,
      %get3A_1115 = vector.shape_cast %get3A_1114 : vector<1x16xf32> to vector<16xf32>
      %add3A_1116 = arith.addf %add3A_1104, %get3A_1115 : vector<16xf32>
      %get3A_1117 = arith.constant 89 : i32
      %get3A_1118 = arith.index_cast %get3A_1117 : i32 to index
      %get3A_1119 = arith.constant 0 : index
      %get3A_1120 = tpu.vector_load %arg6[%get3A_1118, %get3A_1119] {strides = array<i32>} : memref<100x32xf32, #tpu.memory_space<vmem>>, vector<1x16xf32>,
      %get3A_1121 = vector.shape_cast %get3A_1120 : vector<1x16xf32> to vector<16xf32>
      %add3A_1122 = arith.addf %add3A_1110, %get3A_1121 : vector<16xf32>
      %get3A_1123 = arith.constant 89 : i32
      %get3A_1124 = arith.index_cast %get3A_1123 : i32 to index
      %get3A_1125 = arith.constant 16 : index
      %get3A_1126 = tpu.vector_load %arg6[%get3A_1124, %get3A_1125] {strides = array<i32>} : memref<100x32xf32, #tpu.memory_space<vmem>>, vector<1x16xf32>,
      %get3A_1127 = vector.shape_cast %get3A_1126 : vector<1x16xf32> to vector<16xf32>
      %add3A_1128 = arith.addf %add3A_1116, %get3A_1127 : vector<16xf32>
      %get3A_1129 = arith.constant 90 : i32
      %get3A_1130 = arith.index_cast %get3A_1129 : i32 to index
      %get3A_1131 = arith.constant 0 : index
      %get3A_1132 = tpu.vector_load %arg6[%get3A_1130, %get3A_1131] {strides = array<i32>} : memref<100x32xf32, #tpu.memory_space<vmem>>, vector<1x16xf32>,
      %get3A_1133 = vector.shape_cast %get3A_1132 : vector<1x16xf32> to vector<16xf32>
      %add3A_1134 = arith.addf %add3A_1122, %get3A_1133 : vector<16xf32>
      %get3A_1135 = arith.constant 90 : i32
      %get3A_1136 = arith.index_cast %get3A_1135 : i32 to index
      %get3A_1137 = arith.constant 16 : index
      %get3A_1138 = tpu.vector_load %arg6[%get3A_1136, %get3A_1137] {strides = array<i32>} : memref<100x32xf32, #tpu.memory_space<vmem>>, vector<1x16xf32>,
      %get3A_1139 = vector.shape_cast %get3A_1138 : vector<1x16xf32> to vector<16xf32>
      %add3A_1140 = arith.addf %add3A_1128, %get3A_1139 : vector<16xf32>
      %get3A_1141 = arith.constant 91 : i32
      %get3A_1142 = arith.index_cast %get3A_1141 : i32 to index
      %get3A_1143 = arith.constant 0 : index
      %get3A_1144 = tpu.vector_load %arg6[%get3A_1142, %get3A_1143] {strides = array<i32>} : memref<100x32xf32, #tpu.memory_space<vmem>>, vector<1x16xf32>,
      %get3A_1145 = vector.shape_cast %get3A_1144 : vector<1x16xf32> to vector<16xf32>
      %add3A_1146 = arith.addf %add3A_1134, %get3A_1145 : vector<16xf32>
      %get3A_1147 = arith.constant 91 : i32
      %get3A_1148 = arith.index_cast %get3A_1147 : i32 to index
      %get3A_1149 = arith.constant 16 : index
      %get3A_1150 = tpu.vector_load %arg6[%get3A_1148, %get3A_1149] {strides = array<i32>} : memref<100x32xf32, #tpu.memory_space<vmem>>, vector<1x16xf32>,
      %get3A_1151 = vector.shape_cast %get3A_1150 : vector<1x16xf32> to vector<16xf32>
      %add3A_1152 = arith.addf %add3A_1140, %get3A_1151 : vector<16xf32>
      %get3A_1153 = arith.constant 92 : i32
      %get3A_1154 = arith.index_cast %get3A_1153 : i32 to index
      %get3A_1155 = arith.constant 0 : index
      %get3A_1156 = tpu.vector_load %arg6[%get3A_1154, %get3A_1155] {strides = array<i32>} : memref<100x32xf32, #tpu.memory_space<vmem>>, vector<1x16xf32>,
      %get3A_1157 = vector.shape_cast %get3A_1156 : vector<1x16xf32> to vector<16xf32>
      %add3A_1158 = arith.addf %add3A_1146, %get3A_1157 : vector<16xf32>
      %get3A_1159 = arith.constant 92 : i32
      %get3A_1160 = arith.index_cast %get3A_1159 : i32 to index
      %get3A_1161 = arith.constant 16 : index
      %get3A_1162 = tpu.vector_load %arg6[%get3A_1160, %get3A_1161] {strides = array<i32>} : memref<100x32xf32, #tpu.memory_space<vmem>>, vector<1x16xf32>,
      %get3A_1163 = vector.shape_cast %get3A_1162 : vector<1x16xf32> to vector<16xf32>
      %add3A_1164 = arith.addf %add3A_1152, %get3A_1163 : vector<16xf32>
      %get3A_1165 = arith.constant 93 : i32
      %get3A_1166 = arith.index_cast %get3A_1165 : i32 to index
      %get3A_1167 = arith.constant 0 : index
      %get3A_1168 = tpu.vector_load %arg6[%get3A_1166, %get3A_1167] {strides = array<i32>} : memref<100x32xf32, #tpu.memory_space<vmem>>, vector<1x16xf32>,
      %get3A_1169 = vector.shape_cast %get3A_1168 : vector<1x16xf32> to vector<16xf32>
      %add3A_1170 = arith.addf %add3A_1158, %get3A_1169 : vector<16xf32>
      %get3A_1171 = arith.constant 93 : i32
      %get3A_1172 = arith.index_cast %get3A_1171 : i32 to index
      %get3A_1173 = arith.constant 16 : index
      %get3A_1174 = tpu.vector_load %arg6[%get3A_1172, %get3A_1173] {strides = array<i32>} : memref<100x32xf32, #tpu.memory_space<vmem>>, vector<1x16xf32>,
      %get3A_1175 = vector.shape_cast %get3A_1174 : vector<1x16xf32> to vector<16xf32>
      %add3A_1176 = arith.addf %add3A_1164, %get3A_1175 : vector<16xf32>
      %get3A_1177 = arith.constant 94 : i32
      %get3A_1178 = arith.index_cast %get3A_1177 : i32 to index
      %get3A_1179 = arith.constant 0 : index
      %get3A_1180 = tpu.vector_load %arg6[%get3A_1178, %get3A_1179] {strides = array<i32>} : memref<100x32xf32, #tpu.memory_space<vmem>>, vector<1x16xf32>,
      %get3A_1181 = vector.shape_cast %get3A_1180 : vector<1x16xf32> to vector<16xf32>
      %add3A_1182 = arith.addf %add3A_1170, %get3A_1181 : vector<16xf32>
      %get3A_1183 = arith.constant 94 : i32
      %get3A_1184 = arith.index_cast %get3A_1183 : i32 to index
      %get3A_1185 = arith.constant 16 : index
      %get3A_1186 = tpu.vector_load %arg6[%get3A_1184, %get3A_1185] {strides = array<i32>} : memref<100x32xf32, #tpu.memory_space<vmem>>, vector<1x16xf32>,
      %get3A_1187 = vector.shape_cast %get3A_1186 : vector<1x16xf32> to vector<16xf32>
      %add3A_1188 = arith.addf %add3A_1176, %get3A_1187 : vector<16xf32>
      %get3A_1189 = arith.constant 95 : i32
      %get3A_1190 = arith.index_cast %get3A_1189 : i32 to index
      %get3A_1191 = arith.constant 0 : index
      %get3A_1192 = tpu.vector_load %arg6[%get3A_1190, %get3A_1191] {strides = array<i32>} : memref<100x32xf32, #tpu.memory_space<vmem>>, vector<1x16xf32>,
      %get3A_1193 = vector.shape_cast %get3A_1192 : vector<1x16xf32> to vector<16xf32>
      %add3A_1194 = arith.addf %add3A_1182, %get3A_1193 : vector<16xf32>
      %get3A_1195 = arith.constant 95 : i32
      %get3A_1196 = arith.index_cast %get3A_1195 : i32 to index
      %get3A_1197 = arith.constant 16 : index
      %get3A_1198 = tpu.vector_load %arg6[%get3A_1196, %get3A_1197] {strides = array<i32>} : memref<100x32xf32, #tpu.memory_space<vmem>>, vector<1x16xf32>,
      %get3A_1199 = vector.shape_cast %get3A_1198 : vector<1x16xf32> to vector<16xf32>
      %add3A_1200 = arith.addf %add3A_1188, %get3A_1199 : vector<16xf32>
      %get3A_1201 = arith.constant 96 : i32
      %get3A_1202 = arith.index_cast %get3A_1201 : i32 to index
      %get3A_1203 = arith.constant 0 : index
      %get3A_1204 = tpu.vector_load %arg6[%get3A_1202, %get3A_1203] {strides = array<i32>} : memref<100x32xf32, #tpu.memory_space<vmem>>, vector<1x16xf32>,
      %get3A_1205 = vector.shape_cast %get3A_1204 : vector<1x16xf32> to vector<16xf32>
      %add3A_1206 = arith.addf %add3A_1194, %get3A_1205 : vector<16xf32>
      %get3A_1207 = arith.constant 96 : i32
      %get3A_1208 = arith.index_cast %get3A_1207 : i32 to index
      %get3A_1209 = arith.constant 16 : index
      %get3A_1210 = tpu.vector_load %arg6[%get3A_1208, %get3A_1209] {strides = array<i32>} : memref<100x32xf32, #tpu.memory_space<vmem>>, vector<1x16xf32>,
      %get3A_1211 = vector.shape_cast %get3A_1210 : vector<1x16xf32> to vector<16xf32>
      %add3A_1212 = arith.addf %add3A_1200, %get3A_1211 : vector<16xf32>
      %get3A_1213 = arith.constant 97 : i32
      %get3A_1214 = arith.index_cast %get3A_1213 : i32 to index
      %get3A_1215 = arith.constant 0 : index
      %get3A_1216 = tpu.vector_load %arg6[%get3A_1214, %get3A_1215] {strides = array<i32>} : memref<100x32xf32, #tpu.memory_space<vmem>>, vector<1x16xf32>,
      %get3A_1217 = vector.shape_cast %get3A_1216 : vector<1x16xf32> to vector<16xf32>
      %add3A_1218 = arith.addf %add3A_1206, %get3A_1217 : vector<16xf32>
      %get3A_1219 = arith.constant 97 : i32
      %get3A_1220 = arith.index_cast %get3A_1219 : i32 to index
      %get3A_1221 = arith.constant 16 : index
      %get3A_1222 = tpu.vector_load %arg6[%get3A_1220, %get3A_1221] {strides = array<i32>} : memref<100x32xf32, #tpu.memory_space<vmem>>, vector<1x16xf32>,
      %get3A_1223 = vector.shape_cast %get3A_1222 : vector<1x16xf32> to vector<16xf32>
      %add3A_1224 = arith.addf %add3A_1212, %get3A_1223 : vector<16xf32>
      %get3A_1225 = arith.constant 98 : i32
      %get3A_1226 = arith.index_cast %get3A_1225 : i32 to index
      %get3A_1227 = arith.constant 0 : index
      %get3A_1228 = tpu.vector_load %arg6[%get3A_1226, %get3A_1227] {strides = array<i32>} : memref<100x32xf32, #tpu.memory_space<vmem>>, vector<1x16xf32>,
      %get3A_1229 = vector.shape_cast %get3A_1228 : vector<1x16xf32> to vector<16xf32>
      %add3A_1230 = arith.addf %add3A_1218, %get3A_1229 : vector<16xf32>
      %get3A_1231 = arith.constant 98 : i32
      %get3A_1232 = arith.index_cast %get3A_1231 : i32 to index
      %get3A_1233 = arith.constant 16 : index
      %get3A_1234 = tpu.vector_load %arg6[%get3A_1232, %get3A_1233] {strides = array<i32>} : memref<100x32xf32, #tpu.memory_space<vmem>>, vector<1x16xf32>,
      %get3A_1235 = vector.shape_cast %get3A_1234 : vector<1x16xf32> to vector<16xf32>
      %add3A_1236 = arith.addf %add3A_1224, %get3A_1235 : vector<16xf32>
      %get3A_1237 = arith.constant 99 : i32
      %get3A_1238 = arith.index_cast %get3A_1237 : i32 to index
      %get3A_1239 = arith.constant 0 : index
      %get3A_1240 = tpu.vector_load %arg6[%get3A_1238, %get3A_1239] {strides = array<i32>} : memref<100x32xf32, #tpu.memory_space<vmem>>, vector<1x16xf32>,
      %get3A_1241 = vector.shape_cast %get3A_1240 : vector<1x16xf32> to vector<16xf32>
      %add3A_1242 = arith.addf %add3A_1230, %get3A_1241 : vector<16xf32>
      %get3A_1243 = arith.constant 99 : i32
      %get3A_1244 = arith.index_cast %get3A_1243 : i32 to index
      %get3A_1245 = arith.constant 16 : index
      %get3A_1246 = tpu.vector_load %arg6[%get3A_1244, %get3A_1245] {strides = array<i32>} : memref<100x32xf32, #tpu.memory_space<vmem>>, vector<1x16xf32>,
      %get3A_1247 = vector.shape_cast %get3A_1246 : vector<1x16xf32> to vector<16xf32>
      %add3A_1248 = arith.addf %add3A_1236, %get3A_1247 : vector<16xf32>
      %mul3A_1249 = vector.broadcast %scan3A : f32 to vector<16xf32>
      %mul3A_1250 = arith.mulf %add3A_1242, %mul3A_1249 : vector<16xf32>
      %mul3A_1251 = arith.constant 2 : i32
      %mul3A_1252 = arith.muli %add3A_27, %mul3A_1251 : i32
      %add3A_1253 = arith.constant 1 : i32
      %add3A_1254 = arith.addi %mul3A_1252, %add3A_1253 : i32
      %swap3A_1255 = arith.index_cast %add3A_1254 : i32 to index
      %swap3A_1256 = arith.constant 0 : index
      %swap3A_1257 = tpu.vector_load %arg8[%swap3A_1255, %swap3A_1256] {strides = array<i32>} : memref<512x32xf32, #tpu.memory_space<vmem>>, vector<1x16xf32>,
      %swap3A_1258 = vector.shape_cast %swap3A_1257 : vector<1x16xf32> to vector<16xf32>
      %swap3A_1259 = vector.shape_cast %mul3A_1250 : vector<16xf32> to vector<1x16xf32>
      tpu.vector_store %arg8[%swap3A_1255, %swap3A_1256], %swap3A_1259 {strides = array<i32>} : memref<512x32xf32, #tpu.memory_space<vmem>>, vector<1x16xf32>,
      %mul3A_1260 = vector.broadcast %scan3A : f32 to vector<16xf32>
      %mul3A_1261 = arith.mulf %add3A_1248, %mul3A_1260 : vector<16xf32>
      %mul3A_1262 = arith.constant 2 : i32
      %mul3A_1263 = arith.muli %add3A_27, %mul3A_1262 : i32
      %add3A_1264 = arith.constant 1 : i32
      %add3A_1265 = arith.addi %mul3A_1263, %add3A_1264 : i32
      %swap3A_1266 = arith.index_cast %add3A_1265 : i32 to index
      %swap3A_1267 = arith.constant 16 : index
      %swap3A_1268 = tpu.vector_load %arg8[%swap3A_1266, %swap3A_1267] {strides = array<i32>} : memref<512x32xf32, #tpu.memory_space<vmem>>, vector<1x16xf32>,
      %swap3A_1269 = vector.shape_cast %swap3A_1268 : vector<1x16xf32> to vector<16xf32>
      %swap3A_1270 = vector.shape_cast %mul3A_1261 : vector<16xf32> to vector<1x16xf32>
      tpu.vector_store %arg8[%swap3A_1266, %swap3A_1267], %swap3A_1270 {strides = array<i32>} : memref<512x32xf32, #tpu.memory_space<vmem>>, vector<1x16xf32>,
      %add3A_1271 = arith.constant 2 : i32
      %add3A_1272 = arith.addi %add3A_27, %add3A_1271 : i32
      %lt3A = arith.constant 256 : i32
      %lt3A_1273 = arith.cmpi slt, %add3A_1272, %lt3A : i32
      %convert_element_type3A = arith.extui %lt3A_1273 : i1 to i32
      %cond3A = arith.constant 0 : i32
      %cond3A_1274 = arith.cmpi ne, %convert_element_type3A, %cond3A : i32
      scf.if %cond3A_1274 {
        %add3A_2530 = arith.constant 2 : i32
        %add3A_2531 = arith.addi %add3A_27, %add3A_2530 : i32
        %dma_start3A_2532 = arith.constant 0 : i32
        %dma_start3A_2533 = tpu.memref_slice %arg5[%add3A_2531, %dma_start3A_2532] : memref<256x100xi32, #tpu.memory_space<vmem>> -> memref<1x100xi32, #tpu.memory_space<vmem>>
        %dma_start3A_2534 = tpu.memref_squeeze %dma_start3A_2533 : memref<1x100xi32, #tpu.memory_space<vmem>> -> memref<100xi32, #tpu.memory_space<vmem>>
        %dma_start3A_2535 = arith.constant 0 : i32
        %dma_start3A_2536 = arith.constant 0 : i32
        %dma_start3A_2537 = tpu.memref_slice %arg2[%dma_start3A_2535, %dma_start3A_2536] : memref<1000000x32xf32, #tpu.memory_space<hbm>> -> memref<1000000x32xf32, #tpu.memory_space<hbm>>
        tpu.enqueue_indirect_dma source(%dma_start3A_2537 : memref<1000000x32xf32, #tpu.memory_space<hbm>>) target(%arg6 : memref<100x32xf32, #tpu.memory_space<vmem>>) offsets(%dma_start3A_2534 : memref<100xi32, #tpu.memory_space<vmem>>) semaphore(%arg9 : memref<!tpu.dma_semaphore, #tpu.memory_space<semaphore_mem>>)
      } else {
      }
      %add3A_1275 = arith.constant 1 : i32
      %add3A_1276 = arith.addi %add3A_25, %add3A_1275 : i32
      %dma_wait3A_1277 = arith.constant 0 : i32
      %dma_wait3A_1278 = tpu.memref_slice %arg5[%add3A_1276, %dma_wait3A_1277] : memref<256x100xi32, #tpu.memory_space<vmem>> -> memref<1x100xi32, #tpu.memory_space<vmem>>
      %dma_wait3A_1279 = tpu.memref_squeeze %dma_wait3A_1278 : memref<1x100xi32, #tpu.memory_space<vmem>> -> memref<100xi32, #tpu.memory_space<vmem>>
      %dma_wait3A_1280 = arith.constant 0 : i32
      %dma_wait3A_1281 = arith.constant 0 : i32
      %dma_wait3A_1282 = tpu.memref_slice %arg2[%dma_wait3A_1280, %dma_wait3A_1281] : memref<1000000x32xf32, #tpu.memory_space<hbm>> -> memref<1000000x32xf32, #tpu.memory_space<hbm>>
      tpu.wait_indirect_dma semaphore(%arg10 : memref<!tpu.dma_semaphore, #tpu.memory_space<semaphore_mem>>) src(%dma_wait3A_1282 : memref<1000000x32xf32, #tpu.memory_space<hbm>>) dst(%arg7 : memref<100x32xf32, #tpu.memory_space<vmem>>)
      %get3A_1283 = arith.constant 0 : i32
      %get3A_1284 = arith.index_cast %get3A_1283 : i32 to index
      %get3A_1285 = arith.constant 0 : index
      %get3A_1286 = tpu.vector_load %arg7[%get3A_1284, %get3A_1285] {strides = array<i32>} : memref<100x32xf32, #tpu.memory_space<vmem>>, vector<1x16xf32>,
      %get3A_1287 = vector.shape_cast %get3A_1286 : vector<1x16xf32> to vector<16xf32>
      %get3A_1288 = arith.constant 0 : i32
      %get3A_1289 = arith.index_cast %get3A_1288 : i32 to index
      %get3A_1290 = arith.constant 16 : index
      %get3A_1291 = tpu.vector_load %arg7[%get3A_1289, %get3A_1290] {strides = array<i32>} : memref<100x32xf32, #tpu.memory_space<vmem>>, vector<1x16xf32>,
      %get3A_1292 = vector.shape_cast %get3A_1291 : vector<1x16xf32> to vector<16xf32>
      %get3A_1293 = arith.constant 1 : i32
      %get3A_1294 = arith.index_cast %get3A_1293 : i32 to index
      %get3A_1295 = arith.constant 0 : index
      %get3A_1296 = tpu.vector_load %arg7[%get3A_1294, %get3A_1295] {strides = array<i32>} : memref<100x32xf32, #tpu.memory_space<vmem>>, vector<1x16xf32>,
      %get3A_1297 = vector.shape_cast %get3A_1296 : vector<1x16xf32> to vector<16xf32>
      %add3A_1298 = arith.addf %get3A_1287, %get3A_1297 : vector<16xf32>
      %get3A_1299 = arith.constant 1 : i32
      %get3A_1300 = arith.index_cast %get3A_1299 : i32 to index
      %get3A_1301 = arith.constant 16 : index
      %get3A_1302 = tpu.vector_load %arg7[%get3A_1300, %get3A_1301] {strides = array<i32>} : memref<100x32xf32, #tpu.memory_space<vmem>>, vector<1x16xf32>,
      %get3A_1303 = vector.shape_cast %get3A_1302 : vector<1x16xf32> to vector<16xf32>
      %add3A_1304 = arith.addf %get3A_1292, %get3A_1303 : vector<16xf32>
      %get3A_1305 = arith.constant 2 : i32
      %get3A_1306 = arith.index_cast %get3A_1305 : i32 to index
      %get3A_1307 = arith.constant 0 : index
      %get3A_1308 = tpu.vector_load %arg7[%get3A_1306, %get3A_1307] {strides = array<i32>} : memref<100x32xf32, #tpu.memory_space<vmem>>, vector<1x16xf32>,
      %get3A_1309 = vector.shape_cast %get3A_1308 : vector<1x16xf32> to vector<16xf32>
      %add3A_1310 = arith.addf %add3A_1298, %get3A_1309 : vector<16xf32>
      %get3A_1311 = arith.constant 2 : i32
      %get3A_1312 = arith.index_cast %get3A_1311 : i32 to index
      %get3A_1313 = arith.constant 16 : index
      %get3A_1314 = tpu.vector_load %arg7[%get3A_1312, %get3A_1313] {strides = array<i32>} : memref<100x32xf32, #tpu.memory_space<vmem>>, vector<1x16xf32>,
      %get3A_1315 = vector.shape_cast %get3A_1314 : vector<1x16xf32> to vector<16xf32>
      %add3A_1316 = arith.addf %add3A_1304, %get3A_1315 : vector<16xf32>
      %get3A_1317 = arith.constant 3 : i32
      %get3A_1318 = arith.index_cast %get3A_1317 : i32 to index
      %get3A_1319 = arith.constant 0 : index
      %get3A_1320 = tpu.vector_load %arg7[%get3A_1318, %get3A_1319] {strides = array<i32>} : memref<100x32xf32, #tpu.memory_space<vmem>>, vector<1x16xf32>,
      %get3A_1321 = vector.shape_cast %get3A_1320 : vector<1x16xf32> to vector<16xf32>
      %add3A_1322 = arith.addf %add3A_1310, %get3A_1321 : vector<16xf32>
      %get3A_1323 = arith.constant 3 : i32
      %get3A_1324 = arith.index_cast %get3A_1323 : i32 to index
      %get3A_1325 = arith.constant 16 : index
      %get3A_1326 = tpu.vector_load %arg7[%get3A_1324, %get3A_1325] {strides = array<i32>} : memref<100x32xf32, #tpu.memory_space<vmem>>, vector<1x16xf32>,
      %get3A_1327 = vector.shape_cast %get3A_1326 : vector<1x16xf32> to vector<16xf32>
      %add3A_1328 = arith.addf %add3A_1316, %get3A_1327 : vector<16xf32>
      %get3A_1329 = arith.constant 4 : i32
      %get3A_1330 = arith.index_cast %get3A_1329 : i32 to index
      %get3A_1331 = arith.constant 0 : index
      %get3A_1332 = tpu.vector_load %arg7[%get3A_1330, %get3A_1331] {strides = array<i32>} : memref<100x32xf32, #tpu.memory_space<vmem>>, vector<1x16xf32>,
      %get3A_1333 = vector.shape_cast %get3A_1332 : vector<1x16xf32> to vector<16xf32>
      %add3A_1334 = arith.addf %add3A_1322, %get3A_1333 : vector<16xf32>
      %get3A_1335 = arith.constant 4 : i32
      %get3A_1336 = arith.index_cast %get3A_1335 : i32 to index
      %get3A_1337 = arith.constant 16 : index
      %get3A_1338 = tpu.vector_load %arg7[%get3A_1336, %get3A_1337] {strides = array<i32>} : memref<100x32xf32, #tpu.memory_space<vmem>>, vector<1x16xf32>,
      %get3A_1339 = vector.shape_cast %get3A_1338 : vector<1x16xf32> to vector<16xf32>
      %add3A_1340 = arith.addf %add3A_1328, %get3A_1339 : vector<16xf32>
      %get3A_1341 = arith.constant 5 : i32
      %get3A_1342 = arith.index_cast %get3A_1341 : i32 to index
      %get3A_1343 = arith.constant 0 : index
      %get3A_1344 = tpu.vector_load %arg7[%get3A_1342, %get3A_1343] {strides = array<i32>} : memref<100x32xf32, #tpu.memory_space<vmem>>, vector<1x16xf32>,
      %get3A_1345 = vector.shape_cast %get3A_1344 : vector<1x16xf32> to vector<16xf32>
      %add3A_1346 = arith.addf %add3A_1334, %get3A_1345 : vector<16xf32>
      %get3A_1347 = arith.constant 5 : i32
      %get3A_1348 = arith.index_cast %get3A_1347 : i32 to index
      %get3A_1349 = arith.constant 16 : index
      %get3A_1350 = tpu.vector_load %arg7[%get3A_1348, %get3A_1349] {strides = array<i32>} : memref<100x32xf32, #tpu.memory_space<vmem>>, vector<1x16xf32>,
      %get3A_1351 = vector.shape_cast %get3A_1350 : vector<1x16xf32> to vector<16xf32>
      %add3A_1352 = arith.addf %add3A_1340, %get3A_1351 : vector<16xf32>
      %get3A_1353 = arith.constant 6 : i32
      %get3A_1354 = arith.index_cast %get3A_1353 : i32 to index
      %get3A_1355 = arith.constant 0 : index
      %get3A_1356 = tpu.vector_load %arg7[%get3A_1354, %get3A_1355] {strides = array<i32>} : memref<100x32xf32, #tpu.memory_space<vmem>>, vector<1x16xf32>,
      %get3A_1357 = vector.shape_cast %get3A_1356 : vector<1x16xf32> to vector<16xf32>
      %add3A_1358 = arith.addf %add3A_1346, %get3A_1357 : vector<16xf32>
      %get3A_1359 = arith.constant 6 : i32
      %get3A_1360 = arith.index_cast %get3A_1359 : i32 to index
      %get3A_1361 = arith.constant 16 : index
      %get3A_1362 = tpu.vector_load %arg7[%get3A_1360, %get3A_1361] {strides = array<i32>} : memref<100x32xf32, #tpu.memory_space<vmem>>, vector<1x16xf32>,
      %get3A_1363 = vector.shape_cast %get3A_1362 : vector<1x16xf32> to vector<16xf32>
      %add3A_1364 = arith.addf %add3A_1352, %get3A_1363 : vector<16xf32>
      %get3A_1365 = arith.constant 7 : i32
      %get3A_1366 = arith.index_cast %get3A_1365 : i32 to index
      %get3A_1367 = arith.constant 0 : index
      %get3A_1368 = tpu.vector_load %arg7[%get3A_1366, %get3A_1367] {strides = array<i32>} : memref<100x32xf32, #tpu.memory_space<vmem>>, vector<1x16xf32>,
      %get3A_1369 = vector.shape_cast %get3A_1368 : vector<1x16xf32> to vector<16xf32>
      %add3A_1370 = arith.addf %add3A_1358, %get3A_1369 : vector<16xf32>
      %get3A_1371 = arith.constant 7 : i32
      %get3A_1372 = arith.index_cast %get3A_1371 : i32 to index
      %get3A_1373 = arith.constant 16 : index
      %get3A_1374 = tpu.vector_load %arg7[%get3A_1372, %get3A_1373] {strides = array<i32>} : memref<100x32xf32, #tpu.memory_space<vmem>>, vector<1x16xf32>,
      %get3A_1375 = vector.shape_cast %get3A_1374 : vector<1x16xf32> to vector<16xf32>
      %add3A_1376 = arith.addf %add3A_1364, %get3A_1375 : vector<16xf32>
      %get3A_1377 = arith.constant 8 : i32
      %get3A_1378 = arith.index_cast %get3A_1377 : i32 to index
      %get3A_1379 = arith.constant 0 : index
      %get3A_1380 = tpu.vector_load %arg7[%get3A_1378, %get3A_1379] {strides = array<i32>} : memref<100x32xf32, #tpu.memory_space<vmem>>, vector<1x16xf32>,
      %get3A_1381 = vector.shape_cast %get3A_1380 : vector<1x16xf32> to vector<16xf32>
      %add3A_1382 = arith.addf %add3A_1370, %get3A_1381 : vector<16xf32>
      %get3A_1383 = arith.constant 8 : i32
      %get3A_1384 = arith.index_cast %get3A_1383 : i32 to index
      %get3A_1385 = arith.constant 16 : index
      %get3A_1386 = tpu.vector_load %arg7[%get3A_1384, %get3A_1385] {strides = array<i32>} : memref<100x32xf32, #tpu.memory_space<vmem>>, vector<1x16xf32>,
      %get3A_1387 = vector.shape_cast %get3A_1386 : vector<1x16xf32> to vector<16xf32>
      %add3A_1388 = arith.addf %add3A_1376, %get3A_1387 : vector<16xf32>
      %get3A_1389 = arith.constant 9 : i32
      %get3A_1390 = arith.index_cast %get3A_1389 : i32 to index
      %get3A_1391 = arith.constant 0 : index
      %get3A_1392 = tpu.vector_load %arg7[%get3A_1390, %get3A_1391] {strides = array<i32>} : memref<100x32xf32, #tpu.memory_space<vmem>>, vector<1x16xf32>,
      %get3A_1393 = vector.shape_cast %get3A_1392 : vector<1x16xf32> to vector<16xf32>
      %add3A_1394 = arith.addf %add3A_1382, %get3A_1393 : vector<16xf32>
      %get3A_1395 = arith.constant 9 : i32
      %get3A_1396 = arith.index_cast %get3A_1395 : i32 to index
      %get3A_1397 = arith.constant 16 : index
      %get3A_1398 = tpu.vector_load %arg7[%get3A_1396, %get3A_1397] {strides = array<i32>} : memref<100x32xf32, #tpu.memory_space<vmem>>, vector<1x16xf32>,
      %get3A_1399 = vector.shape_cast %get3A_1398 : vector<1x16xf32> to vector<16xf32>
      %add3A_1400 = arith.addf %add3A_1388, %get3A_1399 : vector<16xf32>
      %get3A_1401 = arith.constant 10 : i32
      %get3A_1402 = arith.index_cast %get3A_1401 : i32 to index
      %get3A_1403 = arith.constant 0 : index
      %get3A_1404 = tpu.vector_load %arg7[%get3A_1402, %get3A_1403] {strides = array<i32>} : memref<100x32xf32, #tpu.memory_space<vmem>>, vector<1x16xf32>,
      %get3A_1405 = vector.shape_cast %get3A_1404 : vector<1x16xf32> to vector<16xf32>
      %add3A_1406 = arith.addf %add3A_1394, %get3A_1405 : vector<16xf32>
      %get3A_1407 = arith.constant 10 : i32
      %get3A_1408 = arith.index_cast %get3A_1407 : i32 to index
      %get3A_1409 = arith.constant 16 : index
      %get3A_1410 = tpu.vector_load %arg7[%get3A_1408, %get3A_1409] {strides = array<i32>} : memref<100x32xf32, #tpu.memory_space<vmem>>, vector<1x16xf32>,
      %get3A_1411 = vector.shape_cast %get3A_1410 : vector<1x16xf32> to vector<16xf32>
      %add3A_1412 = arith.addf %add3A_1400, %get3A_1411 : vector<16xf32>
      %get3A_1413 = arith.constant 11 : i32
      %get3A_1414 = arith.index_cast %get3A_1413 : i32 to index
      %get3A_1415 = arith.constant 0 : index
      %get3A_1416 = tpu.vector_load %arg7[%get3A_1414, %get3A_1415] {strides = array<i32>} : memref<100x32xf32, #tpu.memory_space<vmem>>, vector<1x16xf32>,
      %get3A_1417 = vector.shape_cast %get3A_1416 : vector<1x16xf32> to vector<16xf32>
      %add3A_1418 = arith.addf %add3A_1406, %get3A_1417 : vector<16xf32>
      %get3A_1419 = arith.constant 11 : i32
      %get3A_1420 = arith.index_cast %get3A_1419 : i32 to index
      %get3A_1421 = arith.constant 16 : index
      %get3A_1422 = tpu.vector_load %arg7[%get3A_1420, %get3A_1421] {strides = array<i32>} : memref<100x32xf32, #tpu.memory_space<vmem>>, vector<1x16xf32>,
      %get3A_1423 = vector.shape_cast %get3A_1422 : vector<1x16xf32> to vector<16xf32>
      %add3A_1424 = arith.addf %add3A_1412, %get3A_1423 : vector<16xf32>
      %get3A_1425 = arith.constant 12 : i32
      %get3A_1426 = arith.index_cast %get3A_1425 : i32 to index
      %get3A_1427 = arith.constant 0 : index
      %get3A_1428 = tpu.vector_load %arg7[%get3A_1426, %get3A_1427] {strides = array<i32>} : memref<100x32xf32, #tpu.memory_space<vmem>>, vector<1x16xf32>,
      %get3A_1429 = vector.shape_cast %get3A_1428 : vector<1x16xf32> to vector<16xf32>
      %add3A_1430 = arith.addf %add3A_1418, %get3A_1429 : vector<16xf32>
      %get3A_1431 = arith.constant 12 : i32
      %get3A_1432 = arith.index_cast %get3A_1431 : i32 to index
      %get3A_1433 = arith.constant 16 : index
      %get3A_1434 = tpu.vector_load %arg7[%get3A_1432, %get3A_1433] {strides = array<i32>} : memref<100x32xf32, #tpu.memory_space<vmem>>, vector<1x16xf32>,
      %get3A_1435 = vector.shape_cast %get3A_1434 : vector<1x16xf32> to vector<16xf32>
      %add3A_1436 = arith.addf %add3A_1424, %get3A_1435 : vector<16xf32>
      %get3A_1437 = arith.constant 13 : i32
      %get3A_1438 = arith.index_cast %get3A_1437 : i32 to index
      %get3A_1439 = arith.constant 0 : index
      %get3A_1440 = tpu.vector_load %arg7[%get3A_1438, %get3A_1439] {strides = array<i32>} : memref<100x32xf32, #tpu.memory_space<vmem>>, vector<1x16xf32>,
      %get3A_1441 = vector.shape_cast %get3A_1440 : vector<1x16xf32> to vector<16xf32>
      %add3A_1442 = arith.addf %add3A_1430, %get3A_1441 : vector<16xf32>
      %get3A_1443 = arith.constant 13 : i32
      %get3A_1444 = arith.index_cast %get3A_1443 : i32 to index
      %get3A_1445 = arith.constant 16 : index
      %get3A_1446 = tpu.vector_load %arg7[%get3A_1444, %get3A_1445] {strides = array<i32>} : memref<100x32xf32, #tpu.memory_space<vmem>>, vector<1x16xf32>,
      %get3A_1447 = vector.shape_cast %get3A_1446 : vector<1x16xf32> to vector<16xf32>
      %add3A_1448 = arith.addf %add3A_1436, %get3A_1447 : vector<16xf32>
      %get3A_1449 = arith.constant 14 : i32
      %get3A_1450 = arith.index_cast %get3A_1449 : i32 to index
      %get3A_1451 = arith.constant 0 : index
      %get3A_1452 = tpu.vector_load %arg7[%get3A_1450, %get3A_1451] {strides = array<i32>} : memref<100x32xf32, #tpu.memory_space<vmem>>, vector<1x16xf32>,
      %get3A_1453 = vector.shape_cast %get3A_1452 : vector<1x16xf32> to vector<16xf32>
      %add3A_1454 = arith.addf %add3A_1442, %get3A_1453 : vector<16xf32>
      %get3A_1455 = arith.constant 14 : i32
      %get3A_1456 = arith.index_cast %get3A_1455 : i32 to index
      %get3A_1457 = arith.constant 16 : index
      %get3A_1458 = tpu.vector_load %arg7[%get3A_1456, %get3A_1457] {strides = array<i32>} : memref<100x32xf32, #tpu.memory_space<vmem>>, vector<1x16xf32>,
      %get3A_1459 = vector.shape_cast %get3A_1458 : vector<1x16xf32> to vector<16xf32>
      %add3A_1460 = arith.addf %add3A_1448, %get3A_1459 : vector<16xf32>
      %get3A_1461 = arith.constant 15 : i32
      %get3A_1462 = arith.index_cast %get3A_1461 : i32 to index
      %get3A_1463 = arith.constant 0 : index
      %get3A_1464 = tpu.vector_load %arg7[%get3A_1462, %get3A_1463] {strides = array<i32>} : memref<100x32xf32, #tpu.memory_space<vmem>>, vector<1x16xf32>,
      %get3A_1465 = vector.shape_cast %get3A_1464 : vector<1x16xf32> to vector<16xf32>
      %add3A_1466 = arith.addf %add3A_1454, %get3A_1465 : vector<16xf32>
      %get3A_1467 = arith.constant 15 : i32
      %get3A_1468 = arith.index_cast %get3A_1467 : i32 to index
      %get3A_1469 = arith.constant 16 : index
      %get3A_1470 = tpu.vector_load %arg7[%get3A_1468, %get3A_1469] {strides = array<i32>} : memref<100x32xf32, #tpu.memory_space<vmem>>, vector<1x16xf32>,
      %get3A_1471 = vector.shape_cast %get3A_1470 : vector<1x16xf32> to vector<16xf32>
      %add3A_1472 = arith.addf %add3A_1460, %get3A_1471 : vector<16xf32>
      %get3A_1473 = arith.constant 16 : i32
      %get3A_1474 = arith.index_cast %get3A_1473 : i32 to index
      %get3A_1475 = arith.constant 0 : index
      %get3A_1476 = tpu.vector_load %arg7[%get3A_1474, %get3A_1475] {strides = array<i32>} : memref<100x32xf32, #tpu.memory_space<vmem>>, vector<1x16xf32>,
      %get3A_1477 = vector.shape_cast %get3A_1476 : vector<1x16xf32> to vector<16xf32>
      %add3A_1478 = arith.addf %add3A_1466, %get3A_1477 : vector<16xf32>
      %get3A_1479 = arith.constant 16 : i32
      %get3A_1480 = arith.index_cast %get3A_1479 : i32 to index
      %get3A_1481 = arith.constant 16 : index
      %get3A_1482 = tpu.vector_load %arg7[%get3A_1480, %get3A_1481] {strides = array<i32>} : memref<100x32xf32, #tpu.memory_space<vmem>>, vector<1x16xf32>,
      %get3A_1483 = vector.shape_cast %get3A_1482 : vector<1x16xf32> to vector<16xf32>
      %add3A_1484 = arith.addf %add3A_1472, %get3A_1483 : vector<16xf32>
      %get3A_1485 = arith.constant 17 : i32
      %get3A_1486 = arith.index_cast %get3A_1485 : i32 to index
      %get3A_1487 = arith.constant 0 : index
      %get3A_1488 = tpu.vector_load %arg7[%get3A_1486, %get3A_1487] {strides = array<i32>} : memref<100x32xf32, #tpu.memory_space<vmem>>, vector<1x16xf32>,
      %get3A_1489 = vector.shape_cast %get3A_1488 : vector<1x16xf32> to vector<16xf32>
      %add3A_1490 = arith.addf %add3A_1478, %get3A_1489 : vector<16xf32>
      %get3A_1491 = arith.constant 17 : i32
      %get3A_1492 = arith.index_cast %get3A_1491 : i32 to index
      %get3A_1493 = arith.constant 16 : index
      %get3A_1494 = tpu.vector_load %arg7[%get3A_1492, %get3A_1493] {strides = array<i32>} : memref<100x32xf32, #tpu.memory_space<vmem>>, vector<1x16xf32>,
      %get3A_1495 = vector.shape_cast %get3A_1494 : vector<1x16xf32> to vector<16xf32>
      %add3A_1496 = arith.addf %add3A_1484, %get3A_1495 : vector<16xf32>
      %get3A_1497 = arith.constant 18 : i32
      %get3A_1498 = arith.index_cast %get3A_1497 : i32 to index
      %get3A_1499 = arith.constant 0 : index
      %get3A_1500 = tpu.vector_load %arg7[%get3A_1498, %get3A_1499] {strides = array<i32>} : memref<100x32xf32, #tpu.memory_space<vmem>>, vector<1x16xf32>,
      %get3A_1501 = vector.shape_cast %get3A_1500 : vector<1x16xf32> to vector<16xf32>
      %add3A_1502 = arith.addf %add3A_1490, %get3A_1501 : vector<16xf32>
      %get3A_1503 = arith.constant 18 : i32
      %get3A_1504 = arith.index_cast %get3A_1503 : i32 to index
      %get3A_1505 = arith.constant 16 : index
      %get3A_1506 = tpu.vector_load %arg7[%get3A_1504, %get3A_1505] {strides = array<i32>} : memref<100x32xf32, #tpu.memory_space<vmem>>, vector<1x16xf32>,
      %get3A_1507 = vector.shape_cast %get3A_1506 : vector<1x16xf32> to vector<16xf32>
      %add3A_1508 = arith.addf %add3A_1496, %get3A_1507 : vector<16xf32>
      %get3A_1509 = arith.constant 19 : i32
      %get3A_1510 = arith.index_cast %get3A_1509 : i32 to index
      %get3A_1511 = arith.constant 0 : index
      %get3A_1512 = tpu.vector_load %arg7[%get3A_1510, %get3A_1511] {strides = array<i32>} : memref<100x32xf32, #tpu.memory_space<vmem>>, vector<1x16xf32>,
      %get3A_1513 = vector.shape_cast %get3A_1512 : vector<1x16xf32> to vector<16xf32>
      %add3A_1514 = arith.addf %add3A_1502, %get3A_1513 : vector<16xf32>
      %get3A_1515 = arith.constant 19 : i32
      %get3A_1516 = arith.index_cast %get3A_1515 : i32 to index
      %get3A_1517 = arith.constant 16 : index
      %get3A_1518 = tpu.vector_load %arg7[%get3A_1516, %get3A_1517] {strides = array<i32>} : memref<100x32xf32, #tpu.memory_space<vmem>>, vector<1x16xf32>,
      %get3A_1519 = vector.shape_cast %get3A_1518 : vector<1x16xf32> to vector<16xf32>
      %add3A_1520 = arith.addf %add3A_1508, %get3A_1519 : vector<16xf32>
      %get3A_1521 = arith.constant 20 : i32
      %get3A_1522 = arith.index_cast %get3A_1521 : i32 to index
      %get3A_1523 = arith.constant 0 : index
      %get3A_1524 = tpu.vector_load %arg7[%get3A_1522, %get3A_1523] {strides = array<i32>} : memref<100x32xf32, #tpu.memory_space<vmem>>, vector<1x16xf32>,
      %get3A_1525 = vector.shape_cast %get3A_1524 : vector<1x16xf32> to vector<16xf32>
      %add3A_1526 = arith.addf %add3A_1514, %get3A_1525 : vector<16xf32>
      %get3A_1527 = arith.constant 20 : i32
      %get3A_1528 = arith.index_cast %get3A_1527 : i32 to index
      %get3A_1529 = arith.constant 16 : index
      %get3A_1530 = tpu.vector_load %arg7[%get3A_1528, %get3A_1529] {strides = array<i32>} : memref<100x32xf32, #tpu.memory_space<vmem>>, vector<1x16xf32>,
      %get3A_1531 = vector.shape_cast %get3A_1530 : vector<1x16xf32> to vector<16xf32>
      %add3A_1532 = arith.addf %add3A_1520, %get3A_1531 : vector<16xf32>
      %get3A_1533 = arith.constant 21 : i32
      %get3A_1534 = arith.index_cast %get3A_1533 : i32 to index
      %get3A_1535 = arith.constant 0 : index
      %get3A_1536 = tpu.vector_load %arg7[%get3A_1534, %get3A_1535] {strides = array<i32>} : memref<100x32xf32, #tpu.memory_space<vmem>>, vector<1x16xf32>,
      %get3A_1537 = vector.shape_cast %get3A_1536 : vector<1x16xf32> to vector<16xf32>
      %add3A_1538 = arith.addf %add3A_1526, %get3A_1537 : vector<16xf32>
      %get3A_1539 = arith.constant 21 : i32
      %get3A_1540 = arith.index_cast %get3A_1539 : i32 to index
      %get3A_1541 = arith.constant 16 : index
      %get3A_1542 = tpu.vector_load %arg7[%get3A_1540, %get3A_1541] {strides = array<i32>} : memref<100x32xf32, #tpu.memory_space<vmem>>, vector<1x16xf32>,
      %get3A_1543 = vector.shape_cast %get3A_1542 : vector<1x16xf32> to vector<16xf32>
      %add3A_1544 = arith.addf %add3A_1532, %get3A_1543 : vector<16xf32>
      %get3A_1545 = arith.constant 22 : i32
      %get3A_1546 = arith.index_cast %get3A_1545 : i32 to index
      %get3A_1547 = arith.constant 0 : index
      %get3A_1548 = tpu.vector_load %arg7[%get3A_1546, %get3A_1547] {strides = array<i32>} : memref<100x32xf32, #tpu.memory_space<vmem>>, vector<1x16xf32>,
      %get3A_1549 = vector.shape_cast %get3A_1548 : vector<1x16xf32> to vector<16xf32>
      %add3A_1550 = arith.addf %add3A_1538, %get3A_1549 : vector<16xf32>
      %get3A_1551 = arith.constant 22 : i32
      %get3A_1552 = arith.index_cast %get3A_1551 : i32 to index
      %get3A_1553 = arith.constant 16 : index
      %get3A_1554 = tpu.vector_load %arg7[%get3A_1552, %get3A_1553] {strides = array<i32>} : memref<100x32xf32, #tpu.memory_space<vmem>>, vector<1x16xf32>,
      %get3A_1555 = vector.shape_cast %get3A_1554 : vector<1x16xf32> to vector<16xf32>
      %add3A_1556 = arith.addf %add3A_1544, %get3A_1555 : vector<16xf32>
      %get3A_1557 = arith.constant 23 : i32
      %get3A_1558 = arith.index_cast %get3A_1557 : i32 to index
      %get3A_1559 = arith.constant 0 : index
      %get3A_1560 = tpu.vector_load %arg7[%get3A_1558, %get3A_1559] {strides = array<i32>} : memref<100x32xf32, #tpu.memory_space<vmem>>, vector<1x16xf32>,
      %get3A_1561 = vector.shape_cast %get3A_1560 : vector<1x16xf32> to vector<16xf32>
      %add3A_1562 = arith.addf %add3A_1550, %get3A_1561 : vector<16xf32>
      %get3A_1563 = arith.constant 23 : i32
      %get3A_1564 = arith.index_cast %get3A_1563 : i32 to index
      %get3A_1565 = arith.constant 16 : index
      %get3A_1566 = tpu.vector_load %arg7[%get3A_1564, %get3A_1565] {strides = array<i32>} : memref<100x32xf32, #tpu.memory_space<vmem>>, vector<1x16xf32>,
      %get3A_1567 = vector.shape_cast %get3A_1566 : vector<1x16xf32> to vector<16xf32>
      %add3A_1568 = arith.addf %add3A_1556, %get3A_1567 : vector<16xf32>
      %get3A_1569 = arith.constant 24 : i32
      %get3A_1570 = arith.index_cast %get3A_1569 : i32 to index
      %get3A_1571 = arith.constant 0 : index
      %get3A_1572 = tpu.vector_load %arg7[%get3A_1570, %get3A_1571] {strides = array<i32>} : memref<100x32xf32, #tpu.memory_space<vmem>>, vector<1x16xf32>,
      %get3A_1573 = vector.shape_cast %get3A_1572 : vector<1x16xf32> to vector<16xf32>
      %add3A_1574 = arith.addf %add3A_1562, %get3A_1573 : vector<16xf32>
      %get3A_1575 = arith.constant 24 : i32
      %get3A_1576 = arith.index_cast %get3A_1575 : i32 to index
      %get3A_1577 = arith.constant 16 : index
      %get3A_1578 = tpu.vector_load %arg7[%get3A_1576, %get3A_1577] {strides = array<i32>} : memref<100x32xf32, #tpu.memory_space<vmem>>, vector<1x16xf32>,
      %get3A_1579 = vector.shape_cast %get3A_1578 : vector<1x16xf32> to vector<16xf32>
      %add3A_1580 = arith.addf %add3A_1568, %get3A_1579 : vector<16xf32>
      %get3A_1581 = arith.constant 25 : i32
      %get3A_1582 = arith.index_cast %get3A_1581 : i32 to index
      %get3A_1583 = arith.constant 0 : index
      %get3A_1584 = tpu.vector_load %arg7[%get3A_1582, %get3A_1583] {strides = array<i32>} : memref<100x32xf32, #tpu.memory_space<vmem>>, vector<1x16xf32>,
      %get3A_1585 = vector.shape_cast %get3A_1584 : vector<1x16xf32> to vector<16xf32>
      %add3A_1586 = arith.addf %add3A_1574, %get3A_1585 : vector<16xf32>
      %get3A_1587 = arith.constant 25 : i32
      %get3A_1588 = arith.index_cast %get3A_1587 : i32 to index
      %get3A_1589 = arith.constant 16 : index
      %get3A_1590 = tpu.vector_load %arg7[%get3A_1588, %get3A_1589] {strides = array<i32>} : memref<100x32xf32, #tpu.memory_space<vmem>>, vector<1x16xf32>,
      %get3A_1591 = vector.shape_cast %get3A_1590 : vector<1x16xf32> to vector<16xf32>
      %add3A_1592 = arith.addf %add3A_1580, %get3A_1591 : vector<16xf32>
      %get3A_1593 = arith.constant 26 : i32
      %get3A_1594 = arith.index_cast %get3A_1593 : i32 to index
      %get3A_1595 = arith.constant 0 : index
      %get3A_1596 = tpu.vector_load %arg7[%get3A_1594, %get3A_1595] {strides = array<i32>} : memref<100x32xf32, #tpu.memory_space<vmem>>, vector<1x16xf32>,
      %get3A_1597 = vector.shape_cast %get3A_1596 : vector<1x16xf32> to vector<16xf32>
      %add3A_1598 = arith.addf %add3A_1586, %get3A_1597 : vector<16xf32>
      %get3A_1599 = arith.constant 26 : i32
      %get3A_1600 = arith.index_cast %get3A_1599 : i32 to index
      %get3A_1601 = arith.constant 16 : index
      %get3A_1602 = tpu.vector_load %arg7[%get3A_1600, %get3A_1601] {strides = array<i32>} : memref<100x32xf32, #tpu.memory_space<vmem>>, vector<1x16xf32>,
      %get3A_1603 = vector.shape_cast %get3A_1602 : vector<1x16xf32> to vector<16xf32>
      %add3A_1604 = arith.addf %add3A_1592, %get3A_1603 : vector<16xf32>
      %get3A_1605 = arith.constant 27 : i32
      %get3A_1606 = arith.index_cast %get3A_1605 : i32 to index
      %get3A_1607 = arith.constant 0 : index
      %get3A_1608 = tpu.vector_load %arg7[%get3A_1606, %get3A_1607] {strides = array<i32>} : memref<100x32xf32, #tpu.memory_space<vmem>>, vector<1x16xf32>,
      %get3A_1609 = vector.shape_cast %get3A_1608 : vector<1x16xf32> to vector<16xf32>
      %add3A_1610 = arith.addf %add3A_1598, %get3A_1609 : vector<16xf32>
      %get3A_1611 = arith.constant 27 : i32
      %get3A_1612 = arith.index_cast %get3A_1611 : i32 to index
      %get3A_1613 = arith.constant 16 : index
      %get3A_1614 = tpu.vector_load %arg7[%get3A_1612, %get3A_1613] {strides = array<i32>} : memref<100x32xf32, #tpu.memory_space<vmem>>, vector<1x16xf32>,
      %get3A_1615 = vector.shape_cast %get3A_1614 : vector<1x16xf32> to vector<16xf32>
      %add3A_1616 = arith.addf %add3A_1604, %get3A_1615 : vector<16xf32>
      %get3A_1617 = arith.constant 28 : i32
      %get3A_1618 = arith.index_cast %get3A_1617 : i32 to index
      %get3A_1619 = arith.constant 0 : index
      %get3A_1620 = tpu.vector_load %arg7[%get3A_1618, %get3A_1619] {strides = array<i32>} : memref<100x32xf32, #tpu.memory_space<vmem>>, vector<1x16xf32>,
      %get3A_1621 = vector.shape_cast %get3A_1620 : vector<1x16xf32> to vector<16xf32>
      %add3A_1622 = arith.addf %add3A_1610, %get3A_1621 : vector<16xf32>
      %get3A_1623 = arith.constant 28 : i32
      %get3A_1624 = arith.index_cast %get3A_1623 : i32 to index
      %get3A_1625 = arith.constant 16 : index
      %get3A_1626 = tpu.vector_load %arg7[%get3A_1624, %get3A_1625] {strides = array<i32>} : memref<100x32xf32, #tpu.memory_space<vmem>>, vector<1x16xf32>,
      %get3A_1627 = vector.shape_cast %get3A_1626 : vector<1x16xf32> to vector<16xf32>
      %add3A_1628 = arith.addf %add3A_1616, %get3A_1627 : vector<16xf32>
      %get3A_1629 = arith.constant 29 : i32
      %get3A_1630 = arith.index_cast %get3A_1629 : i32 to index
      %get3A_1631 = arith.constant 0 : index
      %get3A_1632 = tpu.vector_load %arg7[%get3A_1630, %get3A_1631] {strides = array<i32>} : memref<100x32xf32, #tpu.memory_space<vmem>>, vector<1x16xf32>,
      %get3A_1633 = vector.shape_cast %get3A_1632 : vector<1x16xf32> to vector<16xf32>
      %add3A_1634 = arith.addf %add3A_1622, %get3A_1633 : vector<16xf32>
      %get3A_1635 = arith.constant 29 : i32
      %get3A_1636 = arith.index_cast %get3A_1635 : i32 to index
      %get3A_1637 = arith.constant 16 : index
      %get3A_1638 = tpu.vector_load %arg7[%get3A_1636, %get3A_1637] {strides = array<i32>} : memref<100x32xf32, #tpu.memory_space<vmem>>, vector<1x16xf32>,
      %get3A_1639 = vector.shape_cast %get3A_1638 : vector<1x16xf32> to vector<16xf32>
      %add3A_1640 = arith.addf %add3A_1628, %get3A_1639 : vector<16xf32>
      %get3A_1641 = arith.constant 30 : i32
      %get3A_1642 = arith.index_cast %get3A_1641 : i32 to index
      %get3A_1643 = arith.constant 0 : index
      %get3A_1644 = tpu.vector_load %arg7[%get3A_1642, %get3A_1643] {strides = array<i32>} : memref<100x32xf32, #tpu.memory_space<vmem>>, vector<1x16xf32>,
      %get3A_1645 = vector.shape_cast %get3A_1644 : vector<1x16xf32> to vector<16xf32>
      %add3A_1646 = arith.addf %add3A_1634, %get3A_1645 : vector<16xf32>
      %get3A_1647 = arith.constant 30 : i32
      %get3A_1648 = arith.index_cast %get3A_1647 : i32 to index
      %get3A_1649 = arith.constant 16 : index
      %get3A_1650 = tpu.vector_load %arg7[%get3A_1648, %get3A_1649] {strides = array<i32>} : memref<100x32xf32, #tpu.memory_space<vmem>>, vector<1x16xf32>,
      %get3A_1651 = vector.shape_cast %get3A_1650 : vector<1x16xf32> to vector<16xf32>
      %add3A_1652 = arith.addf %add3A_1640, %get3A_1651 : vector<16xf32>
      %get3A_1653 = arith.constant 31 : i32
      %get3A_1654 = arith.index_cast %get3A_1653 : i32 to index
      %get3A_1655 = arith.constant 0 : index
      %get3A_1656 = tpu.vector_load %arg7[%get3A_1654, %get3A_1655] {strides = array<i32>} : memref<100x32xf32, #tpu.memory_space<vmem>>, vector<1x16xf32>,
      %get3A_1657 = vector.shape_cast %get3A_1656 : vector<1x16xf32> to vector<16xf32>
      %add3A_1658 = arith.addf %add3A_1646, %get3A_1657 : vector<16xf32>
      %get3A_1659 = arith.constant 31 : i32
      %get3A_1660 = arith.index_cast %get3A_1659 : i32 to index
      %get3A_1661 = arith.constant 16 : index
      %get3A_1662 = tpu.vector_load %arg7[%get3A_1660, %get3A_1661] {strides = array<i32>} : memref<100x32xf32, #tpu.memory_space<vmem>>, vector<1x16xf32>,
      %get3A_1663 = vector.shape_cast %get3A_1662 : vector<1x16xf32> to vector<16xf32>
      %add3A_1664 = arith.addf %add3A_1652, %get3A_1663 : vector<16xf32>
      %get3A_1665 = arith.constant 32 : i32
      %get3A_1666 = arith.index_cast %get3A_1665 : i32 to index
      %get3A_1667 = arith.constant 0 : index
      %get3A_1668 = tpu.vector_load %arg7[%get3A_1666, %get3A_1667] {strides = array<i32>} : memref<100x32xf32, #tpu.memory_space<vmem>>, vector<1x16xf32>,
      %get3A_1669 = vector.shape_cast %get3A_1668 : vector<1x16xf32> to vector<16xf32>
      %add3A_1670 = arith.addf %add3A_1658, %get3A_1669 : vector<16xf32>
      %get3A_1671 = arith.constant 32 : i32
      %get3A_1672 = arith.index_cast %get3A_1671 : i32 to index
      %get3A_1673 = arith.constant 16 : index
      %get3A_1674 = tpu.vector_load %arg7[%get3A_1672, %get3A_1673] {strides = array<i32>} : memref<100x32xf32, #tpu.memory_space<vmem>>, vector<1x16xf32>,
      %get3A_1675 = vector.shape_cast %get3A_1674 : vector<1x16xf32> to vector<16xf32>
      %add3A_1676 = arith.addf %add3A_1664, %get3A_1675 : vector<16xf32>
      %get3A_1677 = arith.constant 33 : i32
      %get3A_1678 = arith.index_cast %get3A_1677 : i32 to index
      %get3A_1679 = arith.constant 0 : index
      %get3A_1680 = tpu.vector_load %arg7[%get3A_1678, %get3A_1679] {strides = array<i32>} : memref<100x32xf32, #tpu.memory_space<vmem>>, vector<1x16xf32>,
      %get3A_1681 = vector.shape_cast %get3A_1680 : vector<1x16xf32> to vector<16xf32>
      %add3A_1682 = arith.addf %add3A_1670, %get3A_1681 : vector<16xf32>
      %get3A_1683 = arith.constant 33 : i32
      %get3A_1684 = arith.index_cast %get3A_1683 : i32 to index
      %get3A_1685 = arith.constant 16 : index
      %get3A_1686 = tpu.vector_load %arg7[%get3A_1684, %get3A_1685] {strides = array<i32>} : memref<100x32xf32, #tpu.memory_space<vmem>>, vector<1x16xf32>,
      %get3A_1687 = vector.shape_cast %get3A_1686 : vector<1x16xf32> to vector<16xf32>
      %add3A_1688 = arith.addf %add3A_1676, %get3A_1687 : vector<16xf32>
      %get3A_1689 = arith.constant 34 : i32
      %get3A_1690 = arith.index_cast %get3A_1689 : i32 to index
      %get3A_1691 = arith.constant 0 : index
      %get3A_1692 = tpu.vector_load %arg7[%get3A_1690, %get3A_1691] {strides = array<i32>} : memref<100x32xf32, #tpu.memory_space<vmem>>, vector<1x16xf32>,
      %get3A_1693 = vector.shape_cast %get3A_1692 : vector<1x16xf32> to vector<16xf32>
      %add3A_1694 = arith.addf %add3A_1682, %get3A_1693 : vector<16xf32>
      %get3A_1695 = arith.constant 34 : i32
      %get3A_1696 = arith.index_cast %get3A_1695 : i32 to index
      %get3A_1697 = arith.constant 16 : index
      %get3A_1698 = tpu.vector_load %arg7[%get3A_1696, %get3A_1697] {strides = array<i32>} : memref<100x32xf32, #tpu.memory_space<vmem>>, vector<1x16xf32>,
      %get3A_1699 = vector.shape_cast %get3A_1698 : vector<1x16xf32> to vector<16xf32>
      %add3A_1700 = arith.addf %add3A_1688, %get3A_1699 : vector<16xf32>
      %get3A_1701 = arith.constant 35 : i32
      %get3A_1702 = arith.index_cast %get3A_1701 : i32 to index
      %get3A_1703 = arith.constant 0 : index
      %get3A_1704 = tpu.vector_load %arg7[%get3A_1702, %get3A_1703] {strides = array<i32>} : memref<100x32xf32, #tpu.memory_space<vmem>>, vector<1x16xf32>,
      %get3A_1705 = vector.shape_cast %get3A_1704 : vector<1x16xf32> to vector<16xf32>
      %add3A_1706 = arith.addf %add3A_1694, %get3A_1705 : vector<16xf32>
      %get3A_1707 = arith.constant 35 : i32
      %get3A_1708 = arith.index_cast %get3A_1707 : i32 to index
      %get3A_1709 = arith.constant 16 : index
      %get3A_1710 = tpu.vector_load %arg7[%get3A_1708, %get3A_1709] {strides = array<i32>} : memref<100x32xf32, #tpu.memory_space<vmem>>, vector<1x16xf32>,
      %get3A_1711 = vector.shape_cast %get3A_1710 : vector<1x16xf32> to vector<16xf32>
      %add3A_1712 = arith.addf %add3A_1700, %get3A_1711 : vector<16xf32>
      %get3A_1713 = arith.constant 36 : i32
      %get3A_1714 = arith.index_cast %get3A_1713 : i32 to index
      %get3A_1715 = arith.constant 0 : index
      %get3A_1716 = tpu.vector_load %arg7[%get3A_1714, %get3A_1715] {strides = array<i32>} : memref<100x32xf32, #tpu.memory_space<vmem>>, vector<1x16xf32>,
      %get3A_1717 = vector.shape_cast %get3A_1716 : vector<1x16xf32> to vector<16xf32>
      %add3A_1718 = arith.addf %add3A_1706, %get3A_1717 : vector<16xf32>
      %get3A_1719 = arith.constant 36 : i32
      %get3A_1720 = arith.index_cast %get3A_1719 : i32 to index
      %get3A_1721 = arith.constant 16 : index
      %get3A_1722 = tpu.vector_load %arg7[%get3A_1720, %get3A_1721] {strides = array<i32>} : memref<100x32xf32, #tpu.memory_space<vmem>>, vector<1x16xf32>,
      %get3A_1723 = vector.shape_cast %get3A_1722 : vector<1x16xf32> to vector<16xf32>
      %add3A_1724 = arith.addf %add3A_1712, %get3A_1723 : vector<16xf32>
      %get3A_1725 = arith.constant 37 : i32
      %get3A_1726 = arith.index_cast %get3A_1725 : i32 to index
      %get3A_1727 = arith.constant 0 : index
      %get3A_1728 = tpu.vector_load %arg7[%get3A_1726, %get3A_1727] {strides = array<i32>} : memref<100x32xf32, #tpu.memory_space<vmem>>, vector<1x16xf32>,
      %get3A_1729 = vector.shape_cast %get3A_1728 : vector<1x16xf32> to vector<16xf32>
      %add3A_1730 = arith.addf %add3A_1718, %get3A_1729 : vector<16xf32>
      %get3A_1731 = arith.constant 37 : i32
      %get3A_1732 = arith.index_cast %get3A_1731 : i32 to index
      %get3A_1733 = arith.constant 16 : index
      %get3A_1734 = tpu.vector_load %arg7[%get3A_1732, %get3A_1733] {strides = array<i32>} : memref<100x32xf32, #tpu.memory_space<vmem>>, vector<1x16xf32>,
      %get3A_1735 = vector.shape_cast %get3A_1734 : vector<1x16xf32> to vector<16xf32>
      %add3A_1736 = arith.addf %add3A_1724, %get3A_1735 : vector<16xf32>
      %get3A_1737 = arith.constant 38 : i32
      %get3A_1738 = arith.index_cast %get3A_1737 : i32 to index
      %get3A_1739 = arith.constant 0 : index
      %get3A_1740 = tpu.vector_load %arg7[%get3A_1738, %get3A_1739] {strides = array<i32>} : memref<100x32xf32, #tpu.memory_space<vmem>>, vector<1x16xf32>,
      %get3A_1741 = vector.shape_cast %get3A_1740 : vector<1x16xf32> to vector<16xf32>
      %add3A_1742 = arith.addf %add3A_1730, %get3A_1741 : vector<16xf32>
      %get3A_1743 = arith.constant 38 : i32
      %get3A_1744 = arith.index_cast %get3A_1743 : i32 to index
      %get3A_1745 = arith.constant 16 : index
      %get3A_1746 = tpu.vector_load %arg7[%get3A_1744, %get3A_1745] {strides = array<i32>} : memref<100x32xf32, #tpu.memory_space<vmem>>, vector<1x16xf32>,
      %get3A_1747 = vector.shape_cast %get3A_1746 : vector<1x16xf32> to vector<16xf32>
      %add3A_1748 = arith.addf %add3A_1736, %get3A_1747 : vector<16xf32>
      %get3A_1749 = arith.constant 39 : i32
      %get3A_1750 = arith.index_cast %get3A_1749 : i32 to index
      %get3A_1751 = arith.constant 0 : index
      %get3A_1752 = tpu.vector_load %arg7[%get3A_1750, %get3A_1751] {strides = array<i32>} : memref<100x32xf32, #tpu.memory_space<vmem>>, vector<1x16xf32>,
      %get3A_1753 = vector.shape_cast %get3A_1752 : vector<1x16xf32> to vector<16xf32>
      %add3A_1754 = arith.addf %add3A_1742, %get3A_1753 : vector<16xf32>
      %get3A_1755 = arith.constant 39 : i32
      %get3A_1756 = arith.index_cast %get3A_1755 : i32 to index
      %get3A_1757 = arith.constant 16 : index
      %get3A_1758 = tpu.vector_load %arg7[%get3A_1756, %get3A_1757] {strides = array<i32>} : memref<100x32xf32, #tpu.memory_space<vmem>>, vector<1x16xf32>,
      %get3A_1759 = vector.shape_cast %get3A_1758 : vector<1x16xf32> to vector<16xf32>
      %add3A_1760 = arith.addf %add3A_1748, %get3A_1759 : vector<16xf32>
      %get3A_1761 = arith.constant 40 : i32
      %get3A_1762 = arith.index_cast %get3A_1761 : i32 to index
      %get3A_1763 = arith.constant 0 : index
      %get3A_1764 = tpu.vector_load %arg7[%get3A_1762, %get3A_1763] {strides = array<i32>} : memref<100x32xf32, #tpu.memory_space<vmem>>, vector<1x16xf32>,
      %get3A_1765 = vector.shape_cast %get3A_1764 : vector<1x16xf32> to vector<16xf32>
      %add3A_1766 = arith.addf %add3A_1754, %get3A_1765 : vector<16xf32>
      %get3A_1767 = arith.constant 40 : i32
      %get3A_1768 = arith.index_cast %get3A_1767 : i32 to index
      %get3A_1769 = arith.constant 16 : index
      %get3A_1770 = tpu.vector_load %arg7[%get3A_1768, %get3A_1769] {strides = array<i32>} : memref<100x32xf32, #tpu.memory_space<vmem>>, vector<1x16xf32>,
      %get3A_1771 = vector.shape_cast %get3A_1770 : vector<1x16xf32> to vector<16xf32>
      %add3A_1772 = arith.addf %add3A_1760, %get3A_1771 : vector<16xf32>
      %get3A_1773 = arith.constant 41 : i32
      %get3A_1774 = arith.index_cast %get3A_1773 : i32 to index
      %get3A_1775 = arith.constant 0 : index
      %get3A_1776 = tpu.vector_load %arg7[%get3A_1774, %get3A_1775] {strides = array<i32>} : memref<100x32xf32, #tpu.memory_space<vmem>>, vector<1x16xf32>,
      %get3A_1777 = vector.shape_cast %get3A_1776 : vector<1x16xf32> to vector<16xf32>
      %add3A_1778 = arith.addf %add3A_1766, %get3A_1777 : vector<16xf32>
      %get3A_1779 = arith.constant 41 : i32
      %get3A_1780 = arith.index_cast %get3A_1779 : i32 to index
      %get3A_1781 = arith.constant 16 : index
      %get3A_1782 = tpu.vector_load %arg7[%get3A_1780, %get3A_1781] {strides = array<i32>} : memref<100x32xf32, #tpu.memory_space<vmem>>, vector<1x16xf32>,
      %get3A_1783 = vector.shape_cast %get3A_1782 : vector<1x16xf32> to vector<16xf32>
      %add3A_1784 = arith.addf %add3A_1772, %get3A_1783 : vector<16xf32>
      %get3A_1785 = arith.constant 42 : i32
      %get3A_1786 = arith.index_cast %get3A_1785 : i32 to index
      %get3A_1787 = arith.constant 0 : index
      %get3A_1788 = tpu.vector_load %arg7[%get3A_1786, %get3A_1787] {strides = array<i32>} : memref<100x32xf32, #tpu.memory_space<vmem>>, vector<1x16xf32>,
      %get3A_1789 = vector.shape_cast %get3A_1788 : vector<1x16xf32> to vector<16xf32>
      %add3A_1790 = arith.addf %add3A_1778, %get3A_1789 : vector<16xf32>
      %get3A_1791 = arith.constant 42 : i32
      %get3A_1792 = arith.index_cast %get3A_1791 : i32 to index
      %get3A_1793 = arith.constant 16 : index
      %get3A_1794 = tpu.vector_load %arg7[%get3A_1792, %get3A_1793] {strides = array<i32>} : memref<100x32xf32, #tpu.memory_space<vmem>>, vector<1x16xf32>,
      %get3A_1795 = vector.shape_cast %get3A_1794 : vector<1x16xf32> to vector<16xf32>
      %add3A_1796 = arith.addf %add3A_1784, %get3A_1795 : vector<16xf32>
      %get3A_1797 = arith.constant 43 : i32
      %get3A_1798 = arith.index_cast %get3A_1797 : i32 to index
      %get3A_1799 = arith.constant 0 : index
      %get3A_1800 = tpu.vector_load %arg7[%get3A_1798, %get3A_1799] {strides = array<i32>} : memref<100x32xf32, #tpu.memory_space<vmem>>, vector<1x16xf32>,
      %get3A_1801 = vector.shape_cast %get3A_1800 : vector<1x16xf32> to vector<16xf32>
      %add3A_1802 = arith.addf %add3A_1790, %get3A_1801 : vector<16xf32>
      %get3A_1803 = arith.constant 43 : i32
      %get3A_1804 = arith.index_cast %get3A_1803 : i32 to index
      %get3A_1805 = arith.constant 16 : index
      %get3A_1806 = tpu.vector_load %arg7[%get3A_1804, %get3A_1805] {strides = array<i32>} : memref<100x32xf32, #tpu.memory_space<vmem>>, vector<1x16xf32>,
      %get3A_1807 = vector.shape_cast %get3A_1806 : vector<1x16xf32> to vector<16xf32>
      %add3A_1808 = arith.addf %add3A_1796, %get3A_1807 : vector<16xf32>
      %get3A_1809 = arith.constant 44 : i32
      %get3A_1810 = arith.index_cast %get3A_1809 : i32 to index
      %get3A_1811 = arith.constant 0 : index
      %get3A_1812 = tpu.vector_load %arg7[%get3A_1810, %get3A_1811] {strides = array<i32>} : memref<100x32xf32, #tpu.memory_space<vmem>>, vector<1x16xf32>,
      %get3A_1813 = vector.shape_cast %get3A_1812 : vector<1x16xf32> to vector<16xf32>
      %add3A_1814 = arith.addf %add3A_1802, %get3A_1813 : vector<16xf32>
      %get3A_1815 = arith.constant 44 : i32
      %get3A_1816 = arith.index_cast %get3A_1815 : i32 to index
      %get3A_1817 = arith.constant 16 : index
      %get3A_1818 = tpu.vector_load %arg7[%get3A_1816, %get3A_1817] {strides = array<i32>} : memref<100x32xf32, #tpu.memory_space<vmem>>, vector<1x16xf32>,
      %get3A_1819 = vector.shape_cast %get3A_1818 : vector<1x16xf32> to vector<16xf32>
      %add3A_1820 = arith.addf %add3A_1808, %get3A_1819 : vector<16xf32>
      %get3A_1821 = arith.constant 45 : i32
      %get3A_1822 = arith.index_cast %get3A_1821 : i32 to index
      %get3A_1823 = arith.constant 0 : index
      %get3A_1824 = tpu.vector_load %arg7[%get3A_1822, %get3A_1823] {strides = array<i32>} : memref<100x32xf32, #tpu.memory_space<vmem>>, vector<1x16xf32>,
      %get3A_1825 = vector.shape_cast %get3A_1824 : vector<1x16xf32> to vector<16xf32>
      %add3A_1826 = arith.addf %add3A_1814, %get3A_1825 : vector<16xf32>
      %get3A_1827 = arith.constant 45 : i32
      %get3A_1828 = arith.index_cast %get3A_1827 : i32 to index
      %get3A_1829 = arith.constant 16 : index
      %get3A_1830 = tpu.vector_load %arg7[%get3A_1828, %get3A_1829] {strides = array<i32>} : memref<100x32xf32, #tpu.memory_space<vmem>>, vector<1x16xf32>,
      %get3A_1831 = vector.shape_cast %get3A_1830 : vector<1x16xf32> to vector<16xf32>
      %add3A_1832 = arith.addf %add3A_1820, %get3A_1831 : vector<16xf32>
      %get3A_1833 = arith.constant 46 : i32
      %get3A_1834 = arith.index_cast %get3A_1833 : i32 to index
      %get3A_1835 = arith.constant 0 : index
      %get3A_1836 = tpu.vector_load %arg7[%get3A_1834, %get3A_1835] {strides = array<i32>} : memref<100x32xf32, #tpu.memory_space<vmem>>, vector<1x16xf32>,
      %get3A_1837 = vector.shape_cast %get3A_1836 : vector<1x16xf32> to vector<16xf32>
      %add3A_1838 = arith.addf %add3A_1826, %get3A_1837 : vector<16xf32>
      %get3A_1839 = arith.constant 46 : i32
      %get3A_1840 = arith.index_cast %get3A_1839 : i32 to index
      %get3A_1841 = arith.constant 16 : index
      %get3A_1842 = tpu.vector_load %arg7[%get3A_1840, %get3A_1841] {strides = array<i32>} : memref<100x32xf32, #tpu.memory_space<vmem>>, vector<1x16xf32>,
      %get3A_1843 = vector.shape_cast %get3A_1842 : vector<1x16xf32> to vector<16xf32>
      %add3A_1844 = arith.addf %add3A_1832, %get3A_1843 : vector<16xf32>
      %get3A_1845 = arith.constant 47 : i32
      %get3A_1846 = arith.index_cast %get3A_1845 : i32 to index
      %get3A_1847 = arith.constant 0 : index
      %get3A_1848 = tpu.vector_load %arg7[%get3A_1846, %get3A_1847] {strides = array<i32>} : memref<100x32xf32, #tpu.memory_space<vmem>>, vector<1x16xf32>,
      %get3A_1849 = vector.shape_cast %get3A_1848 : vector<1x16xf32> to vector<16xf32>
      %add3A_1850 = arith.addf %add3A_1838, %get3A_1849 : vector<16xf32>
      %get3A_1851 = arith.constant 47 : i32
      %get3A_1852 = arith.index_cast %get3A_1851 : i32 to index
      %get3A_1853 = arith.constant 16 : index
      %get3A_1854 = tpu.vector_load %arg7[%get3A_1852, %get3A_1853] {strides = array<i32>} : memref<100x32xf32, #tpu.memory_space<vmem>>, vector<1x16xf32>,
      %get3A_1855 = vector.shape_cast %get3A_1854 : vector<1x16xf32> to vector<16xf32>
      %add3A_1856 = arith.addf %add3A_1844, %get3A_1855 : vector<16xf32>
      %get3A_1857 = arith.constant 48 : i32
      %get3A_1858 = arith.index_cast %get3A_1857 : i32 to index
      %get3A_1859 = arith.constant 0 : index
      %get3A_1860 = tpu.vector_load %arg7[%get3A_1858, %get3A_1859] {strides = array<i32>} : memref<100x32xf32, #tpu.memory_space<vmem>>, vector<1x16xf32>,
      %get3A_1861 = vector.shape_cast %get3A_1860 : vector<1x16xf32> to vector<16xf32>
      %add3A_1862 = arith.addf %add3A_1850, %get3A_1861 : vector<16xf32>
      %get3A_1863 = arith.constant 48 : i32
      %get3A_1864 = arith.index_cast %get3A_1863 : i32 to index
      %get3A_1865 = arith.constant 16 : index
      %get3A_1866 = tpu.vector_load %arg7[%get3A_1864, %get3A_1865] {strides = array<i32>} : memref<100x32xf32, #tpu.memory_space<vmem>>, vector<1x16xf32>,
      %get3A_1867 = vector.shape_cast %get3A_1866 : vector<1x16xf32> to vector<16xf32>
      %add3A_1868 = arith.addf %add3A_1856, %get3A_1867 : vector<16xf32>
      %get3A_1869 = arith.constant 49 : i32
      %get3A_1870 = arith.index_cast %get3A_1869 : i32 to index
      %get3A_1871 = arith.constant 0 : index
      %get3A_1872 = tpu.vector_load %arg7[%get3A_1870, %get3A_1871] {strides = array<i32>} : memref<100x32xf32, #tpu.memory_space<vmem>>, vector<1x16xf32>,
      %get3A_1873 = vector.shape_cast %get3A_1872 : vector<1x16xf32> to vector<16xf32>
      %add3A_1874 = arith.addf %add3A_1862, %get3A_1873 : vector<16xf32>
      %get3A_1875 = arith.constant 49 : i32
      %get3A_1876 = arith.index_cast %get3A_1875 : i32 to index
      %get3A_1877 = arith.constant 16 : index
      %get3A_1878 = tpu.vector_load %arg7[%get3A_1876, %get3A_1877] {strides = array<i32>} : memref<100x32xf32, #tpu.memory_space<vmem>>, vector<1x16xf32>,
      %get3A_1879 = vector.shape_cast %get3A_1878 : vector<1x16xf32> to vector<16xf32>
      %add3A_1880 = arith.addf %add3A_1868, %get3A_1879 : vector<16xf32>
      %mul3A_1881 = vector.broadcast %scan3A : f32 to vector<16xf32>
      %mul3A_1882 = arith.mulf %add3A_1874, %mul3A_1881 : vector<16xf32>
      %mul3A_1883 = arith.constant 2 : i32
      %mul3A_1884 = arith.muli %add3A_1276, %mul3A_1883 : i32
      %add3A_1885 = arith.constant 0 : i32
      %add3A_1886 = arith.addi %mul3A_1884, %add3A_1885 : i32
      %swap3A_1887 = arith.index_cast %add3A_1886 : i32 to index
      %swap3A_1888 = arith.constant 0 : index
      %swap3A_1889 = tpu.vector_load %arg8[%swap3A_1887, %swap3A_1888] {strides = array<i32>} : memref<512x32xf32, #tpu.memory_space<vmem>>, vector<1x16xf32>,
      %swap3A_1890 = vector.shape_cast %swap3A_1889 : vector<1x16xf32> to vector<16xf32>
      %swap3A_1891 = vector.shape_cast %mul3A_1882 : vector<16xf32> to vector<1x16xf32>
      tpu.vector_store %arg8[%swap3A_1887, %swap3A_1888], %swap3A_1891 {strides = array<i32>} : memref<512x32xf32, #tpu.memory_space<vmem>>, vector<1x16xf32>,
      %mul3A_1892 = vector.broadcast %scan3A : f32 to vector<16xf32>
      %mul3A_1893 = arith.mulf %add3A_1880, %mul3A_1892 : vector<16xf32>
      %mul3A_1894 = arith.constant 2 : i32
      %mul3A_1895 = arith.muli %add3A_1276, %mul3A_1894 : i32
      %add3A_1896 = arith.constant 0 : i32
      %add3A_1897 = arith.addi %mul3A_1895, %add3A_1896 : i32
      %swap3A_1898 = arith.index_cast %add3A_1897 : i32 to index
      %swap3A_1899 = arith.constant 16 : index
      %swap3A_1900 = tpu.vector_load %arg8[%swap3A_1898, %swap3A_1899] {strides = array<i32>} : memref<512x32xf32, #tpu.memory_space<vmem>>, vector<1x16xf32>,
      %swap3A_1901 = vector.shape_cast %swap3A_1900 : vector<1x16xf32> to vector<16xf32>
      %swap3A_1902 = vector.shape_cast %mul3A_1893 : vector<16xf32> to vector<1x16xf32>
      tpu.vector_store %arg8[%swap3A_1898, %swap3A_1899], %swap3A_1902 {strides = array<i32>} : memref<512x32xf32, #tpu.memory_space<vmem>>, vector<1x16xf32>,
      %get3A_1903 = arith.constant 50 : i32
      %get3A_1904 = arith.index_cast %get3A_1903 : i32 to index
      %get3A_1905 = arith.constant 0 : index
      %get3A_1906 = tpu.vector_load %arg7[%get3A_1904, %get3A_1905] {strides = array<i32>} : memref<100x32xf32, #tpu.memory_space<vmem>>, vector<1x16xf32>,
      %get3A_1907 = vector.shape_cast %get3A_1906 : vector<1x16xf32> to vector<16xf32>
      %get3A_1908 = arith.constant 50 : i32
      %get3A_1909 = arith.index_cast %get3A_1908 : i32 to index
      %get3A_1910 = arith.constant 16 : index
      %get3A_1911 = tpu.vector_load %arg7[%get3A_1909, %get3A_1910] {strides = array<i32>} : memref<100x32xf32, #tpu.memory_space<vmem>>, vector<1x16xf32>,
      %get3A_1912 = vector.shape_cast %get3A_1911 : vector<1x16xf32> to vector<16xf32>
      %get3A_1913 = arith.constant 51 : i32
      %get3A_1914 = arith.index_cast %get3A_1913 : i32 to index
      %get3A_1915 = arith.constant 0 : index
      %get3A_1916 = tpu.vector_load %arg7[%get3A_1914, %get3A_1915] {strides = array<i32>} : memref<100x32xf32, #tpu.memory_space<vmem>>, vector<1x16xf32>,
      %get3A_1917 = vector.shape_cast %get3A_1916 : vector<1x16xf32> to vector<16xf32>
      %add3A_1918 = arith.addf %get3A_1907, %get3A_1917 : vector<16xf32>
      %get3A_1919 = arith.constant 51 : i32
      %get3A_1920 = arith.index_cast %get3A_1919 : i32 to index
      %get3A_1921 = arith.constant 16 : index
      %get3A_1922 = tpu.vector_load %arg7[%get3A_1920, %get3A_1921] {strides = array<i32>} : memref<100x32xf32, #tpu.memory_space<vmem>>, vector<1x16xf32>,
      %get3A_1923 = vector.shape_cast %get3A_1922 : vector<1x16xf32> to vector<16xf32>
      %add3A_1924 = arith.addf %get3A_1912, %get3A_1923 : vector<16xf32>
      %get3A_1925 = arith.constant 52 : i32
      %get3A_1926 = arith.index_cast %get3A_1925 : i32 to index
      %get3A_1927 = arith.constant 0 : index
      %get3A_1928 = tpu.vector_load %arg7[%get3A_1926, %get3A_1927] {strides = array<i32>} : memref<100x32xf32, #tpu.memory_space<vmem>>, vector<1x16xf32>,
      %get3A_1929 = vector.shape_cast %get3A_1928 : vector<1x16xf32> to vector<16xf32>
      %add3A_1930 = arith.addf %add3A_1918, %get3A_1929 : vector<16xf32>
      %get3A_1931 = arith.constant 52 : i32
      %get3A_1932 = arith.index_cast %get3A_1931 : i32 to index
      %get3A_1933 = arith.constant 16 : index
      %get3A_1934 = tpu.vector_load %arg7[%get3A_1932, %get3A_1933] {strides = array<i32>} : memref<100x32xf32, #tpu.memory_space<vmem>>, vector<1x16xf32>,
      %get3A_1935 = vector.shape_cast %get3A_1934 : vector<1x16xf32> to vector<16xf32>
      %add3A_1936 = arith.addf %add3A_1924, %get3A_1935 : vector<16xf32>
      %get3A_1937 = arith.constant 53 : i32
      %get3A_1938 = arith.index_cast %get3A_1937 : i32 to index
      %get3A_1939 = arith.constant 0 : index
      %get3A_1940 = tpu.vector_load %arg7[%get3A_1938, %get3A_1939] {strides = array<i32>} : memref<100x32xf32, #tpu.memory_space<vmem>>, vector<1x16xf32>,
      %get3A_1941 = vector.shape_cast %get3A_1940 : vector<1x16xf32> to vector<16xf32>
      %add3A_1942 = arith.addf %add3A_1930, %get3A_1941 : vector<16xf32>
      %get3A_1943 = arith.constant 53 : i32
      %get3A_1944 = arith.index_cast %get3A_1943 : i32 to index
      %get3A_1945 = arith.constant 16 : index
      %get3A_1946 = tpu.vector_load %arg7[%get3A_1944, %get3A_1945] {strides = array<i32>} : memref<100x32xf32, #tpu.memory_space<vmem>>, vector<1x16xf32>,
      %get3A_1947 = vector.shape_cast %get3A_1946 : vector<1x16xf32> to vector<16xf32>
      %add3A_1948 = arith.addf %add3A_1936, %get3A_1947 : vector<16xf32>
      %get3A_1949 = arith.constant 54 : i32
      %get3A_1950 = arith.index_cast %get3A_1949 : i32 to index
      %get3A_1951 = arith.constant 0 : index
      %get3A_1952 = tpu.vector_load %arg7[%get3A_1950, %get3A_1951] {strides = array<i32>} : memref<100x32xf32, #tpu.memory_space<vmem>>, vector<1x16xf32>,
      %get3A_1953 = vector.shape_cast %get3A_1952 : vector<1x16xf32> to vector<16xf32>
      %add3A_1954 = arith.addf %add3A_1942, %get3A_1953 : vector<16xf32>
      %get3A_1955 = arith.constant 54 : i32
      %get3A_1956 = arith.index_cast %get3A_1955 : i32 to index
      %get3A_1957 = arith.constant 16 : index
      %get3A_1958 = tpu.vector_load %arg7[%get3A_1956, %get3A_1957] {strides = array<i32>} : memref<100x32xf32, #tpu.memory_space<vmem>>, vector<1x16xf32>,
      %get3A_1959 = vector.shape_cast %get3A_1958 : vector<1x16xf32> to vector<16xf32>
      %add3A_1960 = arith.addf %add3A_1948, %get3A_1959 : vector<16xf32>
      %get3A_1961 = arith.constant 55 : i32
      %get3A_1962 = arith.index_cast %get3A_1961 : i32 to index
      %get3A_1963 = arith.constant 0 : index
      %get3A_1964 = tpu.vector_load %arg7[%get3A_1962, %get3A_1963] {strides = array<i32>} : memref<100x32xf32, #tpu.memory_space<vmem>>, vector<1x16xf32>,
      %get3A_1965 = vector.shape_cast %get3A_1964 : vector<1x16xf32> to vector<16xf32>
      %add3A_1966 = arith.addf %add3A_1954, %get3A_1965 : vector<16xf32>
      %get3A_1967 = arith.constant 55 : i32
      %get3A_1968 = arith.index_cast %get3A_1967 : i32 to index
      %get3A_1969 = arith.constant 16 : index
      %get3A_1970 = tpu.vector_load %arg7[%get3A_1968, %get3A_1969] {strides = array<i32>} : memref<100x32xf32, #tpu.memory_space<vmem>>, vector<1x16xf32>,
      %get3A_1971 = vector.shape_cast %get3A_1970 : vector<1x16xf32> to vector<16xf32>
      %add3A_1972 = arith.addf %add3A_1960, %get3A_1971 : vector<16xf32>
      %get3A_1973 = arith.constant 56 : i32
      %get3A_1974 = arith.index_cast %get3A_1973 : i32 to index
      %get3A_1975 = arith.constant 0 : index
      %get3A_1976 = tpu.vector_load %arg7[%get3A_1974, %get3A_1975] {strides = array<i32>} : memref<100x32xf32, #tpu.memory_space<vmem>>, vector<1x16xf32>,
      %get3A_1977 = vector.shape_cast %get3A_1976 : vector<1x16xf32> to vector<16xf32>
      %add3A_1978 = arith.addf %add3A_1966, %get3A_1977 : vector<16xf32>
      %get3A_1979 = arith.constant 56 : i32
      %get3A_1980 = arith.index_cast %get3A_1979 : i32 to index
      %get3A_1981 = arith.constant 16 : index
      %get3A_1982 = tpu.vector_load %arg7[%get3A_1980, %get3A_1981] {strides = array<i32>} : memref<100x32xf32, #tpu.memory_space<vmem>>, vector<1x16xf32>,
      %get3A_1983 = vector.shape_cast %get3A_1982 : vector<1x16xf32> to vector<16xf32>
      %add3A_1984 = arith.addf %add3A_1972, %get3A_1983 : vector<16xf32>
      %get3A_1985 = arith.constant 57 : i32
      %get3A_1986 = arith.index_cast %get3A_1985 : i32 to index
      %get3A_1987 = arith.constant 0 : index
      %get3A_1988 = tpu.vector_load %arg7[%get3A_1986, %get3A_1987] {strides = array<i32>} : memref<100x32xf32, #tpu.memory_space<vmem>>, vector<1x16xf32>,
      %get3A_1989 = vector.shape_cast %get3A_1988 : vector<1x16xf32> to vector<16xf32>
      %add3A_1990 = arith.addf %add3A_1978, %get3A_1989 : vector<16xf32>
      %get3A_1991 = arith.constant 57 : i32
      %get3A_1992 = arith.index_cast %get3A_1991 : i32 to index
      %get3A_1993 = arith.constant 16 : index
      %get3A_1994 = tpu.vector_load %arg7[%get3A_1992, %get3A_1993] {strides = array<i32>} : memref<100x32xf32, #tpu.memory_space<vmem>>, vector<1x16xf32>,
      %get3A_1995 = vector.shape_cast %get3A_1994 : vector<1x16xf32> to vector<16xf32>
      %add3A_1996 = arith.addf %add3A_1984, %get3A_1995 : vector<16xf32>
      %get3A_1997 = arith.constant 58 : i32
      %get3A_1998 = arith.index_cast %get3A_1997 : i32 to index
      %get3A_1999 = arith.constant 0 : index
      %get3A_2000 = tpu.vector_load %arg7[%get3A_1998, %get3A_1999] {strides = array<i32>} : memref<100x32xf32, #tpu.memory_space<vmem>>, vector<1x16xf32>,
      %get3A_2001 = vector.shape_cast %get3A_2000 : vector<1x16xf32> to vector<16xf32>
      %add3A_2002 = arith.addf %add3A_1990, %get3A_2001 : vector<16xf32>
      %get3A_2003 = arith.constant 58 : i32
      %get3A_2004 = arith.index_cast %get3A_2003 : i32 to index
      %get3A_2005 = arith.constant 16 : index
      %get3A_2006 = tpu.vector_load %arg7[%get3A_2004, %get3A_2005] {strides = array<i32>} : memref<100x32xf32, #tpu.memory_space<vmem>>, vector<1x16xf32>,
      %get3A_2007 = vector.shape_cast %get3A_2006 : vector<1x16xf32> to vector<16xf32>
      %add3A_2008 = arith.addf %add3A_1996, %get3A_2007 : vector<16xf32>
      %get3A_2009 = arith.constant 59 : i32
      %get3A_2010 = arith.index_cast %get3A_2009 : i32 to index
      %get3A_2011 = arith.constant 0 : index
      %get3A_2012 = tpu.vector_load %arg7[%get3A_2010, %get3A_2011] {strides = array<i32>} : memref<100x32xf32, #tpu.memory_space<vmem>>, vector<1x16xf32>,
      %get3A_2013 = vector.shape_cast %get3A_2012 : vector<1x16xf32> to vector<16xf32>
      %add3A_2014 = arith.addf %add3A_2002, %get3A_2013 : vector<16xf32>
      %get3A_2015 = arith.constant 59 : i32
      %get3A_2016 = arith.index_cast %get3A_2015 : i32 to index
      %get3A_2017 = arith.constant 16 : index
      %get3A_2018 = tpu.vector_load %arg7[%get3A_2016, %get3A_2017] {strides = array<i32>} : memref<100x32xf32, #tpu.memory_space<vmem>>, vector<1x16xf32>,
      %get3A_2019 = vector.shape_cast %get3A_2018 : vector<1x16xf32> to vector<16xf32>
      %add3A_2020 = arith.addf %add3A_2008, %get3A_2019 : vector<16xf32>
      %get3A_2021 = arith.constant 60 : i32
      %get3A_2022 = arith.index_cast %get3A_2021 : i32 to index
      %get3A_2023 = arith.constant 0 : index
      %get3A_2024 = tpu.vector_load %arg7[%get3A_2022, %get3A_2023] {strides = array<i32>} : memref<100x32xf32, #tpu.memory_space<vmem>>, vector<1x16xf32>,
      %get3A_2025 = vector.shape_cast %get3A_2024 : vector<1x16xf32> to vector<16xf32>
      %add3A_2026 = arith.addf %add3A_2014, %get3A_2025 : vector<16xf32>
      %get3A_2027 = arith.constant 60 : i32
      %get3A_2028 = arith.index_cast %get3A_2027 : i32 to index
      %get3A_2029 = arith.constant 16 : index
      %get3A_2030 = tpu.vector_load %arg7[%get3A_2028, %get3A_2029] {strides = array<i32>} : memref<100x32xf32, #tpu.memory_space<vmem>>, vector<1x16xf32>,
      %get3A_2031 = vector.shape_cast %get3A_2030 : vector<1x16xf32> to vector<16xf32>
      %add3A_2032 = arith.addf %add3A_2020, %get3A_2031 : vector<16xf32>
      %get3A_2033 = arith.constant 61 : i32
      %get3A_2034 = arith.index_cast %get3A_2033 : i32 to index
      %get3A_2035 = arith.constant 0 : index
      %get3A_2036 = tpu.vector_load %arg7[%get3A_2034, %get3A_2035] {strides = array<i32>} : memref<100x32xf32, #tpu.memory_space<vmem>>, vector<1x16xf32>,
      %get3A_2037 = vector.shape_cast %get3A_2036 : vector<1x16xf32> to vector<16xf32>
      %add3A_2038 = arith.addf %add3A_2026, %get3A_2037 : vector<16xf32>
      %get3A_2039 = arith.constant 61 : i32
      %get3A_2040 = arith.index_cast %get3A_2039 : i32 to index
      %get3A_2041 = arith.constant 16 : index
      %get3A_2042 = tpu.vector_load %arg7[%get3A_2040, %get3A_2041] {strides = array<i32>} : memref<100x32xf32, #tpu.memory_space<vmem>>, vector<1x16xf32>,
      %get3A_2043 = vector.shape_cast %get3A_2042 : vector<1x16xf32> to vector<16xf32>
      %add3A_2044 = arith.addf %add3A_2032, %get3A_2043 : vector<16xf32>
      %get3A_2045 = arith.constant 62 : i32
      %get3A_2046 = arith.index_cast %get3A_2045 : i32 to index
      %get3A_2047 = arith.constant 0 : index
      %get3A_2048 = tpu.vector_load %arg7[%get3A_2046, %get3A_2047] {strides = array<i32>} : memref<100x32xf32, #tpu.memory_space<vmem>>, vector<1x16xf32>,
      %get3A_2049 = vector.shape_cast %get3A_2048 : vector<1x16xf32> to vector<16xf32>
      %add3A_2050 = arith.addf %add3A_2038, %get3A_2049 : vector<16xf32>
      %get3A_2051 = arith.constant 62 : i32
      %get3A_2052 = arith.index_cast %get3A_2051 : i32 to index
      %get3A_2053 = arith.constant 16 : index
      %get3A_2054 = tpu.vector_load %arg7[%get3A_2052, %get3A_2053] {strides = array<i32>} : memref<100x32xf32, #tpu.memory_space<vmem>>, vector<1x16xf32>,
      %get3A_2055 = vector.shape_cast %get3A_2054 : vector<1x16xf32> to vector<16xf32>
      %add3A_2056 = arith.addf %add3A_2044, %get3A_2055 : vector<16xf32>
      %get3A_2057 = arith.constant 63 : i32
      %get3A_2058 = arith.index_cast %get3A_2057 : i32 to index
      %get3A_2059 = arith.constant 0 : index
      %get3A_2060 = tpu.vector_load %arg7[%get3A_2058, %get3A_2059] {strides = array<i32>} : memref<100x32xf32, #tpu.memory_space<vmem>>, vector<1x16xf32>,
      %get3A_2061 = vector.shape_cast %get3A_2060 : vector<1x16xf32> to vector<16xf32>
      %add3A_2062 = arith.addf %add3A_2050, %get3A_2061 : vector<16xf32>
      %get3A_2063 = arith.constant 63 : i32
      %get3A_2064 = arith.index_cast %get3A_2063 : i32 to index
      %get3A_2065 = arith.constant 16 : index
      %get3A_2066 = tpu.vector_load %arg7[%get3A_2064, %get3A_2065] {strides = array<i32>} : memref<100x32xf32, #tpu.memory_space<vmem>>, vector<1x16xf32>,
      %get3A_2067 = vector.shape_cast %get3A_2066 : vector<1x16xf32> to vector<16xf32>
      %add3A_2068 = arith.addf %add3A_2056, %get3A_2067 : vector<16xf32>
      %get3A_2069 = arith.constant 64 : i32
      %get3A_2070 = arith.index_cast %get3A_2069 : i32 to index
      %get3A_2071 = arith.constant 0 : index
      %get3A_2072 = tpu.vector_load %arg7[%get3A_2070, %get3A_2071] {strides = array<i32>} : memref<100x32xf32, #tpu.memory_space<vmem>>, vector<1x16xf32>,
      %get3A_2073 = vector.shape_cast %get3A_2072 : vector<1x16xf32> to vector<16xf32>
      %add3A_2074 = arith.addf %add3A_2062, %get3A_2073 : vector<16xf32>
      %get3A_2075 = arith.constant 64 : i32
      %get3A_2076 = arith.index_cast %get3A_2075 : i32 to index
      %get3A_2077 = arith.constant 16 : index
      %get3A_2078 = tpu.vector_load %arg7[%get3A_2076, %get3A_2077] {strides = array<i32>} : memref<100x32xf32, #tpu.memory_space<vmem>>, vector<1x16xf32>,
      %get3A_2079 = vector.shape_cast %get3A_2078 : vector<1x16xf32> to vector<16xf32>
      %add3A_2080 = arith.addf %add3A_2068, %get3A_2079 : vector<16xf32>
      %get3A_2081 = arith.constant 65 : i32
      %get3A_2082 = arith.index_cast %get3A_2081 : i32 to index
      %get3A_2083 = arith.constant 0 : index
      %get3A_2084 = tpu.vector_load %arg7[%get3A_2082, %get3A_2083] {strides = array<i32>} : memref<100x32xf32, #tpu.memory_space<vmem>>, vector<1x16xf32>,
      %get3A_2085 = vector.shape_cast %get3A_2084 : vector<1x16xf32> to vector<16xf32>
      %add3A_2086 = arith.addf %add3A_2074, %get3A_2085 : vector<16xf32>
      %get3A_2087 = arith.constant 65 : i32
      %get3A_2088 = arith.index_cast %get3A_2087 : i32 to index
      %get3A_2089 = arith.constant 16 : index
      %get3A_2090 = tpu.vector_load %arg7[%get3A_2088, %get3A_2089] {strides = array<i32>} : memref<100x32xf32, #tpu.memory_space<vmem>>, vector<1x16xf32>,
      %get3A_2091 = vector.shape_cast %get3A_2090 : vector<1x16xf32> to vector<16xf32>
      %add3A_2092 = arith.addf %add3A_2080, %get3A_2091 : vector<16xf32>
      %get3A_2093 = arith.constant 66 : i32
      %get3A_2094 = arith.index_cast %get3A_2093 : i32 to index
      %get3A_2095 = arith.constant 0 : index
      %get3A_2096 = tpu.vector_load %arg7[%get3A_2094, %get3A_2095] {strides = array<i32>} : memref<100x32xf32, #tpu.memory_space<vmem>>, vector<1x16xf32>,
      %get3A_2097 = vector.shape_cast %get3A_2096 : vector<1x16xf32> to vector<16xf32>
      %add3A_2098 = arith.addf %add3A_2086, %get3A_2097 : vector<16xf32>
      %get3A_2099 = arith.constant 66 : i32
      %get3A_2100 = arith.index_cast %get3A_2099 : i32 to index
      %get3A_2101 = arith.constant 16 : index
      %get3A_2102 = tpu.vector_load %arg7[%get3A_2100, %get3A_2101] {strides = array<i32>} : memref<100x32xf32, #tpu.memory_space<vmem>>, vector<1x16xf32>,
      %get3A_2103 = vector.shape_cast %get3A_2102 : vector<1x16xf32> to vector<16xf32>
      %add3A_2104 = arith.addf %add3A_2092, %get3A_2103 : vector<16xf32>
      %get3A_2105 = arith.constant 67 : i32
      %get3A_2106 = arith.index_cast %get3A_2105 : i32 to index
      %get3A_2107 = arith.constant 0 : index
      %get3A_2108 = tpu.vector_load %arg7[%get3A_2106, %get3A_2107] {strides = array<i32>} : memref<100x32xf32, #tpu.memory_space<vmem>>, vector<1x16xf32>,
      %get3A_2109 = vector.shape_cast %get3A_2108 : vector<1x16xf32> to vector<16xf32>
      %add3A_2110 = arith.addf %add3A_2098, %get3A_2109 : vector<16xf32>
      %get3A_2111 = arith.constant 67 : i32
      %get3A_2112 = arith.index_cast %get3A_2111 : i32 to index
      %get3A_2113 = arith.constant 16 : index
      %get3A_2114 = tpu.vector_load %arg7[%get3A_2112, %get3A_2113] {strides = array<i32>} : memref<100x32xf32, #tpu.memory_space<vmem>>, vector<1x16xf32>,
      %get3A_2115 = vector.shape_cast %get3A_2114 : vector<1x16xf32> to vector<16xf32>
      %add3A_2116 = arith.addf %add3A_2104, %get3A_2115 : vector<16xf32>
      %get3A_2117 = arith.constant 68 : i32
      %get3A_2118 = arith.index_cast %get3A_2117 : i32 to index
      %get3A_2119 = arith.constant 0 : index
      %get3A_2120 = tpu.vector_load %arg7[%get3A_2118, %get3A_2119] {strides = array<i32>} : memref<100x32xf32, #tpu.memory_space<vmem>>, vector<1x16xf32>,
      %get3A_2121 = vector.shape_cast %get3A_2120 : vector<1x16xf32> to vector<16xf32>
      %add3A_2122 = arith.addf %add3A_2110, %get3A_2121 : vector<16xf32>
      %get3A_2123 = arith.constant 68 : i32
      %get3A_2124 = arith.index_cast %get3A_2123 : i32 to index
      %get3A_2125 = arith.constant 16 : index
      %get3A_2126 = tpu.vector_load %arg7[%get3A_2124, %get3A_2125] {strides = array<i32>} : memref<100x32xf32, #tpu.memory_space<vmem>>, vector<1x16xf32>,
      %get3A_2127 = vector.shape_cast %get3A_2126 : vector<1x16xf32> to vector<16xf32>
      %add3A_2128 = arith.addf %add3A_2116, %get3A_2127 : vector<16xf32>
      %get3A_2129 = arith.constant 69 : i32
      %get3A_2130 = arith.index_cast %get3A_2129 : i32 to index
      %get3A_2131 = arith.constant 0 : index
      %get3A_2132 = tpu.vector_load %arg7[%get3A_2130, %get3A_2131] {strides = array<i32>} : memref<100x32xf32, #tpu.memory_space<vmem>>, vector<1x16xf32>,
      %get3A_2133 = vector.shape_cast %get3A_2132 : vector<1x16xf32> to vector<16xf32>
      %add3A_2134 = arith.addf %add3A_2122, %get3A_2133 : vector<16xf32>
      %get3A_2135 = arith.constant 69 : i32
      %get3A_2136 = arith.index_cast %get3A_2135 : i32 to index
      %get3A_2137 = arith.constant 16 : index
      %get3A_2138 = tpu.vector_load %arg7[%get3A_2136, %get3A_2137] {strides = array<i32>} : memref<100x32xf32, #tpu.memory_space<vmem>>, vector<1x16xf32>,
      %get3A_2139 = vector.shape_cast %get3A_2138 : vector<1x16xf32> to vector<16xf32>
      %add3A_2140 = arith.addf %add3A_2128, %get3A_2139 : vector<16xf32>
      %get3A_2141 = arith.constant 70 : i32
      %get3A_2142 = arith.index_cast %get3A_2141 : i32 to index
      %get3A_2143 = arith.constant 0 : index
      %get3A_2144 = tpu.vector_load %arg7[%get3A_2142, %get3A_2143] {strides = array<i32>} : memref<100x32xf32, #tpu.memory_space<vmem>>, vector<1x16xf32>,
      %get3A_2145 = vector.shape_cast %get3A_2144 : vector<1x16xf32> to vector<16xf32>
      %add3A_2146 = arith.addf %add3A_2134, %get3A_2145 : vector<16xf32>
      %get3A_2147 = arith.constant 70 : i32
      %get3A_2148 = arith.index_cast %get3A_2147 : i32 to index
      %get3A_2149 = arith.constant 16 : index
      %get3A_2150 = tpu.vector_load %arg7[%get3A_2148, %get3A_2149] {strides = array<i32>} : memref<100x32xf32, #tpu.memory_space<vmem>>, vector<1x16xf32>,
      %get3A_2151 = vector.shape_cast %get3A_2150 : vector<1x16xf32> to vector<16xf32>
      %add3A_2152 = arith.addf %add3A_2140, %get3A_2151 : vector<16xf32>
      %get3A_2153 = arith.constant 71 : i32
      %get3A_2154 = arith.index_cast %get3A_2153 : i32 to index
      %get3A_2155 = arith.constant 0 : index
      %get3A_2156 = tpu.vector_load %arg7[%get3A_2154, %get3A_2155] {strides = array<i32>} : memref<100x32xf32, #tpu.memory_space<vmem>>, vector<1x16xf32>,
      %get3A_2157 = vector.shape_cast %get3A_2156 : vector<1x16xf32> to vector<16xf32>
      %add3A_2158 = arith.addf %add3A_2146, %get3A_2157 : vector<16xf32>
      %get3A_2159 = arith.constant 71 : i32
      %get3A_2160 = arith.index_cast %get3A_2159 : i32 to index
      %get3A_2161 = arith.constant 16 : index
      %get3A_2162 = tpu.vector_load %arg7[%get3A_2160, %get3A_2161] {strides = array<i32>} : memref<100x32xf32, #tpu.memory_space<vmem>>, vector<1x16xf32>,
      %get3A_2163 = vector.shape_cast %get3A_2162 : vector<1x16xf32> to vector<16xf32>
      %add3A_2164 = arith.addf %add3A_2152, %get3A_2163 : vector<16xf32>
      %get3A_2165 = arith.constant 72 : i32
      %get3A_2166 = arith.index_cast %get3A_2165 : i32 to index
      %get3A_2167 = arith.constant 0 : index
      %get3A_2168 = tpu.vector_load %arg7[%get3A_2166, %get3A_2167] {strides = array<i32>} : memref<100x32xf32, #tpu.memory_space<vmem>>, vector<1x16xf32>,
      %get3A_2169 = vector.shape_cast %get3A_2168 : vector<1x16xf32> to vector<16xf32>
      %add3A_2170 = arith.addf %add3A_2158, %get3A_2169 : vector<16xf32>
      %get3A_2171 = arith.constant 72 : i32
      %get3A_2172 = arith.index_cast %get3A_2171 : i32 to index
      %get3A_2173 = arith.constant 16 : index
      %get3A_2174 = tpu.vector_load %arg7[%get3A_2172, %get3A_2173] {strides = array<i32>} : memref<100x32xf32, #tpu.memory_space<vmem>>, vector<1x16xf32>,
      %get3A_2175 = vector.shape_cast %get3A_2174 : vector<1x16xf32> to vector<16xf32>
      %add3A_2176 = arith.addf %add3A_2164, %get3A_2175 : vector<16xf32>
      %get3A_2177 = arith.constant 73 : i32
      %get3A_2178 = arith.index_cast %get3A_2177 : i32 to index
      %get3A_2179 = arith.constant 0 : index
      %get3A_2180 = tpu.vector_load %arg7[%get3A_2178, %get3A_2179] {strides = array<i32>} : memref<100x32xf32, #tpu.memory_space<vmem>>, vector<1x16xf32>,
      %get3A_2181 = vector.shape_cast %get3A_2180 : vector<1x16xf32> to vector<16xf32>
      %add3A_2182 = arith.addf %add3A_2170, %get3A_2181 : vector<16xf32>
      %get3A_2183 = arith.constant 73 : i32
      %get3A_2184 = arith.index_cast %get3A_2183 : i32 to index
      %get3A_2185 = arith.constant 16 : index
      %get3A_2186 = tpu.vector_load %arg7[%get3A_2184, %get3A_2185] {strides = array<i32>} : memref<100x32xf32, #tpu.memory_space<vmem>>, vector<1x16xf32>,
      %get3A_2187 = vector.shape_cast %get3A_2186 : vector<1x16xf32> to vector<16xf32>
      %add3A_2188 = arith.addf %add3A_2176, %get3A_2187 : vector<16xf32>
      %get3A_2189 = arith.constant 74 : i32
      %get3A_2190 = arith.index_cast %get3A_2189 : i32 to index
      %get3A_2191 = arith.constant 0 : index
      %get3A_2192 = tpu.vector_load %arg7[%get3A_2190, %get3A_2191] {strides = array<i32>} : memref<100x32xf32, #tpu.memory_space<vmem>>, vector<1x16xf32>,
      %get3A_2193 = vector.shape_cast %get3A_2192 : vector<1x16xf32> to vector<16xf32>
      %add3A_2194 = arith.addf %add3A_2182, %get3A_2193 : vector<16xf32>
      %get3A_2195 = arith.constant 74 : i32
      %get3A_2196 = arith.index_cast %get3A_2195 : i32 to index
      %get3A_2197 = arith.constant 16 : index
      %get3A_2198 = tpu.vector_load %arg7[%get3A_2196, %get3A_2197] {strides = array<i32>} : memref<100x32xf32, #tpu.memory_space<vmem>>, vector<1x16xf32>,
      %get3A_2199 = vector.shape_cast %get3A_2198 : vector<1x16xf32> to vector<16xf32>
      %add3A_2200 = arith.addf %add3A_2188, %get3A_2199 : vector<16xf32>
      %get3A_2201 = arith.constant 75 : i32
      %get3A_2202 = arith.index_cast %get3A_2201 : i32 to index
      %get3A_2203 = arith.constant 0 : index
      %get3A_2204 = tpu.vector_load %arg7[%get3A_2202, %get3A_2203] {strides = array<i32>} : memref<100x32xf32, #tpu.memory_space<vmem>>, vector<1x16xf32>,
      %get3A_2205 = vector.shape_cast %get3A_2204 : vector<1x16xf32> to vector<16xf32>
      %add3A_2206 = arith.addf %add3A_2194, %get3A_2205 : vector<16xf32>
      %get3A_2207 = arith.constant 75 : i32
      %get3A_2208 = arith.index_cast %get3A_2207 : i32 to index
      %get3A_2209 = arith.constant 16 : index
      %get3A_2210 = tpu.vector_load %arg7[%get3A_2208, %get3A_2209] {strides = array<i32>} : memref<100x32xf32, #tpu.memory_space<vmem>>, vector<1x16xf32>,
      %get3A_2211 = vector.shape_cast %get3A_2210 : vector<1x16xf32> to vector<16xf32>
      %add3A_2212 = arith.addf %add3A_2200, %get3A_2211 : vector<16xf32>
      %get3A_2213 = arith.constant 76 : i32
      %get3A_2214 = arith.index_cast %get3A_2213 : i32 to index
      %get3A_2215 = arith.constant 0 : index
      %get3A_2216 = tpu.vector_load %arg7[%get3A_2214, %get3A_2215] {strides = array<i32>} : memref<100x32xf32, #tpu.memory_space<vmem>>, vector<1x16xf32>,
      %get3A_2217 = vector.shape_cast %get3A_2216 : vector<1x16xf32> to vector<16xf32>
      %add3A_2218 = arith.addf %add3A_2206, %get3A_2217 : vector<16xf32>
      %get3A_2219 = arith.constant 76 : i32
      %get3A_2220 = arith.index_cast %get3A_2219 : i32 to index
      %get3A_2221 = arith.constant 16 : index
      %get3A_2222 = tpu.vector_load %arg7[%get3A_2220, %get3A_2221] {strides = array<i32>} : memref<100x32xf32, #tpu.memory_space<vmem>>, vector<1x16xf32>,
      %get3A_2223 = vector.shape_cast %get3A_2222 : vector<1x16xf32> to vector<16xf32>
      %add3A_2224 = arith.addf %add3A_2212, %get3A_2223 : vector<16xf32>
      %get3A_2225 = arith.constant 77 : i32
      %get3A_2226 = arith.index_cast %get3A_2225 : i32 to index
      %get3A_2227 = arith.constant 0 : index
      %get3A_2228 = tpu.vector_load %arg7[%get3A_2226, %get3A_2227] {strides = array<i32>} : memref<100x32xf32, #tpu.memory_space<vmem>>, vector<1x16xf32>,
      %get3A_2229 = vector.shape_cast %get3A_2228 : vector<1x16xf32> to vector<16xf32>
      %add3A_2230 = arith.addf %add3A_2218, %get3A_2229 : vector<16xf32>
      %get3A_2231 = arith.constant 77 : i32
      %get3A_2232 = arith.index_cast %get3A_2231 : i32 to index
      %get3A_2233 = arith.constant 16 : index
      %get3A_2234 = tpu.vector_load %arg7[%get3A_2232, %get3A_2233] {strides = array<i32>} : memref<100x32xf32, #tpu.memory_space<vmem>>, vector<1x16xf32>,
      %get3A_2235 = vector.shape_cast %get3A_2234 : vector<1x16xf32> to vector<16xf32>
      %add3A_2236 = arith.addf %add3A_2224, %get3A_2235 : vector<16xf32>
      %get3A_2237 = arith.constant 78 : i32
      %get3A_2238 = arith.index_cast %get3A_2237 : i32 to index
      %get3A_2239 = arith.constant 0 : index
      %get3A_2240 = tpu.vector_load %arg7[%get3A_2238, %get3A_2239] {strides = array<i32>} : memref<100x32xf32, #tpu.memory_space<vmem>>, vector<1x16xf32>,
      %get3A_2241 = vector.shape_cast %get3A_2240 : vector<1x16xf32> to vector<16xf32>
      %add3A_2242 = arith.addf %add3A_2230, %get3A_2241 : vector<16xf32>
      %get3A_2243 = arith.constant 78 : i32
      %get3A_2244 = arith.index_cast %get3A_2243 : i32 to index
      %get3A_2245 = arith.constant 16 : index
      %get3A_2246 = tpu.vector_load %arg7[%get3A_2244, %get3A_2245] {strides = array<i32>} : memref<100x32xf32, #tpu.memory_space<vmem>>, vector<1x16xf32>,
      %get3A_2247 = vector.shape_cast %get3A_2246 : vector<1x16xf32> to vector<16xf32>
      %add3A_2248 = arith.addf %add3A_2236, %get3A_2247 : vector<16xf32>
      %get3A_2249 = arith.constant 79 : i32
      %get3A_2250 = arith.index_cast %get3A_2249 : i32 to index
      %get3A_2251 = arith.constant 0 : index
      %get3A_2252 = tpu.vector_load %arg7[%get3A_2250, %get3A_2251] {strides = array<i32>} : memref<100x32xf32, #tpu.memory_space<vmem>>, vector<1x16xf32>,
      %get3A_2253 = vector.shape_cast %get3A_2252 : vector<1x16xf32> to vector<16xf32>
      %add3A_2254 = arith.addf %add3A_2242, %get3A_2253 : vector<16xf32>
      %get3A_2255 = arith.constant 79 : i32
      %get3A_2256 = arith.index_cast %get3A_2255 : i32 to index
      %get3A_2257 = arith.constant 16 : index
      %get3A_2258 = tpu.vector_load %arg7[%get3A_2256, %get3A_2257] {strides = array<i32>} : memref<100x32xf32, #tpu.memory_space<vmem>>, vector<1x16xf32>,
      %get3A_2259 = vector.shape_cast %get3A_2258 : vector<1x16xf32> to vector<16xf32>
      %add3A_2260 = arith.addf %add3A_2248, %get3A_2259 : vector<16xf32>
      %get3A_2261 = arith.constant 80 : i32
      %get3A_2262 = arith.index_cast %get3A_2261 : i32 to index
      %get3A_2263 = arith.constant 0 : index
      %get3A_2264 = tpu.vector_load %arg7[%get3A_2262, %get3A_2263] {strides = array<i32>} : memref<100x32xf32, #tpu.memory_space<vmem>>, vector<1x16xf32>,
      %get3A_2265 = vector.shape_cast %get3A_2264 : vector<1x16xf32> to vector<16xf32>
      %add3A_2266 = arith.addf %add3A_2254, %get3A_2265 : vector<16xf32>
      %get3A_2267 = arith.constant 80 : i32
      %get3A_2268 = arith.index_cast %get3A_2267 : i32 to index
      %get3A_2269 = arith.constant 16 : index
      %get3A_2270 = tpu.vector_load %arg7[%get3A_2268, %get3A_2269] {strides = array<i32>} : memref<100x32xf32, #tpu.memory_space<vmem>>, vector<1x16xf32>,
      %get3A_2271 = vector.shape_cast %get3A_2270 : vector<1x16xf32> to vector<16xf32>
      %add3A_2272 = arith.addf %add3A_2260, %get3A_2271 : vector<16xf32>
      %get3A_2273 = arith.constant 81 : i32
      %get3A_2274 = arith.index_cast %get3A_2273 : i32 to index
      %get3A_2275 = arith.constant 0 : index
      %get3A_2276 = tpu.vector_load %arg7[%get3A_2274, %get3A_2275] {strides = array<i32>} : memref<100x32xf32, #tpu.memory_space<vmem>>, vector<1x16xf32>,
      %get3A_2277 = vector.shape_cast %get3A_2276 : vector<1x16xf32> to vector<16xf32>
      %add3A_2278 = arith.addf %add3A_2266, %get3A_2277 : vector<16xf32>
      %get3A_2279 = arith.constant 81 : i32
      %get3A_2280 = arith.index_cast %get3A_2279 : i32 to index
      %get3A_2281 = arith.constant 16 : index
      %get3A_2282 = tpu.vector_load %arg7[%get3A_2280, %get3A_2281] {strides = array<i32>} : memref<100x32xf32, #tpu.memory_space<vmem>>, vector<1x16xf32>,
      %get3A_2283 = vector.shape_cast %get3A_2282 : vector<1x16xf32> to vector<16xf32>
      %add3A_2284 = arith.addf %add3A_2272, %get3A_2283 : vector<16xf32>
      %get3A_2285 = arith.constant 82 : i32
      %get3A_2286 = arith.index_cast %get3A_2285 : i32 to index
      %get3A_2287 = arith.constant 0 : index
      %get3A_2288 = tpu.vector_load %arg7[%get3A_2286, %get3A_2287] {strides = array<i32>} : memref<100x32xf32, #tpu.memory_space<vmem>>, vector<1x16xf32>,
      %get3A_2289 = vector.shape_cast %get3A_2288 : vector<1x16xf32> to vector<16xf32>
      %add3A_2290 = arith.addf %add3A_2278, %get3A_2289 : vector<16xf32>
      %get3A_2291 = arith.constant 82 : i32
      %get3A_2292 = arith.index_cast %get3A_2291 : i32 to index
      %get3A_2293 = arith.constant 16 : index
      %get3A_2294 = tpu.vector_load %arg7[%get3A_2292, %get3A_2293] {strides = array<i32>} : memref<100x32xf32, #tpu.memory_space<vmem>>, vector<1x16xf32>,
      %get3A_2295 = vector.shape_cast %get3A_2294 : vector<1x16xf32> to vector<16xf32>
      %add3A_2296 = arith.addf %add3A_2284, %get3A_2295 : vector<16xf32>
      %get3A_2297 = arith.constant 83 : i32
      %get3A_2298 = arith.index_cast %get3A_2297 : i32 to index
      %get3A_2299 = arith.constant 0 : index
      %get3A_2300 = tpu.vector_load %arg7[%get3A_2298, %get3A_2299] {strides = array<i32>} : memref<100x32xf32, #tpu.memory_space<vmem>>, vector<1x16xf32>,
      %get3A_2301 = vector.shape_cast %get3A_2300 : vector<1x16xf32> to vector<16xf32>
      %add3A_2302 = arith.addf %add3A_2290, %get3A_2301 : vector<16xf32>
      %get3A_2303 = arith.constant 83 : i32
      %get3A_2304 = arith.index_cast %get3A_2303 : i32 to index
      %get3A_2305 = arith.constant 16 : index
      %get3A_2306 = tpu.vector_load %arg7[%get3A_2304, %get3A_2305] {strides = array<i32>} : memref<100x32xf32, #tpu.memory_space<vmem>>, vector<1x16xf32>,
      %get3A_2307 = vector.shape_cast %get3A_2306 : vector<1x16xf32> to vector<16xf32>
      %add3A_2308 = arith.addf %add3A_2296, %get3A_2307 : vector<16xf32>
      %get3A_2309 = arith.constant 84 : i32
      %get3A_2310 = arith.index_cast %get3A_2309 : i32 to index
      %get3A_2311 = arith.constant 0 : index
      %get3A_2312 = tpu.vector_load %arg7[%get3A_2310, %get3A_2311] {strides = array<i32>} : memref<100x32xf32, #tpu.memory_space<vmem>>, vector<1x16xf32>,
      %get3A_2313 = vector.shape_cast %get3A_2312 : vector<1x16xf32> to vector<16xf32>
      %add3A_2314 = arith.addf %add3A_2302, %get3A_2313 : vector<16xf32>
      %get3A_2315 = arith.constant 84 : i32
      %get3A_2316 = arith.index_cast %get3A_2315 : i32 to index
      %get3A_2317 = arith.constant 16 : index
      %get3A_2318 = tpu.vector_load %arg7[%get3A_2316, %get3A_2317] {strides = array<i32>} : memref<100x32xf32, #tpu.memory_space<vmem>>, vector<1x16xf32>,
      %get3A_2319 = vector.shape_cast %get3A_2318 : vector<1x16xf32> to vector<16xf32>
      %add3A_2320 = arith.addf %add3A_2308, %get3A_2319 : vector<16xf32>
      %get3A_2321 = arith.constant 85 : i32
      %get3A_2322 = arith.index_cast %get3A_2321 : i32 to index
      %get3A_2323 = arith.constant 0 : index
      %get3A_2324 = tpu.vector_load %arg7[%get3A_2322, %get3A_2323] {strides = array<i32>} : memref<100x32xf32, #tpu.memory_space<vmem>>, vector<1x16xf32>,
      %get3A_2325 = vector.shape_cast %get3A_2324 : vector<1x16xf32> to vector<16xf32>
      %add3A_2326 = arith.addf %add3A_2314, %get3A_2325 : vector<16xf32>
      %get3A_2327 = arith.constant 85 : i32
      %get3A_2328 = arith.index_cast %get3A_2327 : i32 to index
      %get3A_2329 = arith.constant 16 : index
      %get3A_2330 = tpu.vector_load %arg7[%get3A_2328, %get3A_2329] {strides = array<i32>} : memref<100x32xf32, #tpu.memory_space<vmem>>, vector<1x16xf32>,
      %get3A_2331 = vector.shape_cast %get3A_2330 : vector<1x16xf32> to vector<16xf32>
      %add3A_2332 = arith.addf %add3A_2320, %get3A_2331 : vector<16xf32>
      %get3A_2333 = arith.constant 86 : i32
      %get3A_2334 = arith.index_cast %get3A_2333 : i32 to index
      %get3A_2335 = arith.constant 0 : index
      %get3A_2336 = tpu.vector_load %arg7[%get3A_2334, %get3A_2335] {strides = array<i32>} : memref<100x32xf32, #tpu.memory_space<vmem>>, vector<1x16xf32>,
      %get3A_2337 = vector.shape_cast %get3A_2336 : vector<1x16xf32> to vector<16xf32>
      %add3A_2338 = arith.addf %add3A_2326, %get3A_2337 : vector<16xf32>
      %get3A_2339 = arith.constant 86 : i32
      %get3A_2340 = arith.index_cast %get3A_2339 : i32 to index
      %get3A_2341 = arith.constant 16 : index
      %get3A_2342 = tpu.vector_load %arg7[%get3A_2340, %get3A_2341] {strides = array<i32>} : memref<100x32xf32, #tpu.memory_space<vmem>>, vector<1x16xf32>,
      %get3A_2343 = vector.shape_cast %get3A_2342 : vector<1x16xf32> to vector<16xf32>
      %add3A_2344 = arith.addf %add3A_2332, %get3A_2343 : vector<16xf32>
      %get3A_2345 = arith.constant 87 : i32
      %get3A_2346 = arith.index_cast %get3A_2345 : i32 to index
      %get3A_2347 = arith.constant 0 : index
      %get3A_2348 = tpu.vector_load %arg7[%get3A_2346, %get3A_2347] {strides = array<i32>} : memref<100x32xf32, #tpu.memory_space<vmem>>, vector<1x16xf32>,
      %get3A_2349 = vector.shape_cast %get3A_2348 : vector<1x16xf32> to vector<16xf32>
      %add3A_2350 = arith.addf %add3A_2338, %get3A_2349 : vector<16xf32>
      %get3A_2351 = arith.constant 87 : i32
      %get3A_2352 = arith.index_cast %get3A_2351 : i32 to index
      %get3A_2353 = arith.constant 16 : index
      %get3A_2354 = tpu.vector_load %arg7[%get3A_2352, %get3A_2353] {strides = array<i32>} : memref<100x32xf32, #tpu.memory_space<vmem>>, vector<1x16xf32>,
      %get3A_2355 = vector.shape_cast %get3A_2354 : vector<1x16xf32> to vector<16xf32>
      %add3A_2356 = arith.addf %add3A_2344, %get3A_2355 : vector<16xf32>
      %get3A_2357 = arith.constant 88 : i32
      %get3A_2358 = arith.index_cast %get3A_2357 : i32 to index
      %get3A_2359 = arith.constant 0 : index
      %get3A_2360 = tpu.vector_load %arg7[%get3A_2358, %get3A_2359] {strides = array<i32>} : memref<100x32xf32, #tpu.memory_space<vmem>>, vector<1x16xf32>,
      %get3A_2361 = vector.shape_cast %get3A_2360 : vector<1x16xf32> to vector<16xf32>
      %add3A_2362 = arith.addf %add3A_2350, %get3A_2361 : vector<16xf32>
      %get3A_2363 = arith.constant 88 : i32
      %get3A_2364 = arith.index_cast %get3A_2363 : i32 to index
      %get3A_2365 = arith.constant 16 : index
      %get3A_2366 = tpu.vector_load %arg7[%get3A_2364, %get3A_2365] {strides = array<i32>} : memref<100x32xf32, #tpu.memory_space<vmem>>, vector<1x16xf32>,
      %get3A_2367 = vector.shape_cast %get3A_2366 : vector<1x16xf32> to vector<16xf32>
      %add3A_2368 = arith.addf %add3A_2356, %get3A_2367 : vector<16xf32>
      %get3A_2369 = arith.constant 89 : i32
      %get3A_2370 = arith.index_cast %get3A_2369 : i32 to index
      %get3A_2371 = arith.constant 0 : index
      %get3A_2372 = tpu.vector_load %arg7[%get3A_2370, %get3A_2371] {strides = array<i32>} : memref<100x32xf32, #tpu.memory_space<vmem>>, vector<1x16xf32>,
      %get3A_2373 = vector.shape_cast %get3A_2372 : vector<1x16xf32> to vector<16xf32>
      %add3A_2374 = arith.addf %add3A_2362, %get3A_2373 : vector<16xf32>
      %get3A_2375 = arith.constant 89 : i32
      %get3A_2376 = arith.index_cast %get3A_2375 : i32 to index
      %get3A_2377 = arith.constant 16 : index
      %get3A_2378 = tpu.vector_load %arg7[%get3A_2376, %get3A_2377] {strides = array<i32>} : memref<100x32xf32, #tpu.memory_space<vmem>>, vector<1x16xf32>,
      %get3A_2379 = vector.shape_cast %get3A_2378 : vector<1x16xf32> to vector<16xf32>
      %add3A_2380 = arith.addf %add3A_2368, %get3A_2379 : vector<16xf32>
      %get3A_2381 = arith.constant 90 : i32
      %get3A_2382 = arith.index_cast %get3A_2381 : i32 to index
      %get3A_2383 = arith.constant 0 : index
      %get3A_2384 = tpu.vector_load %arg7[%get3A_2382, %get3A_2383] {strides = array<i32>} : memref<100x32xf32, #tpu.memory_space<vmem>>, vector<1x16xf32>,
      %get3A_2385 = vector.shape_cast %get3A_2384 : vector<1x16xf32> to vector<16xf32>
      %add3A_2386 = arith.addf %add3A_2374, %get3A_2385 : vector<16xf32>
      %get3A_2387 = arith.constant 90 : i32
      %get3A_2388 = arith.index_cast %get3A_2387 : i32 to index
      %get3A_2389 = arith.constant 16 : index
      %get3A_2390 = tpu.vector_load %arg7[%get3A_2388, %get3A_2389] {strides = array<i32>} : memref<100x32xf32, #tpu.memory_space<vmem>>, vector<1x16xf32>,
      %get3A_2391 = vector.shape_cast %get3A_2390 : vector<1x16xf32> to vector<16xf32>
      %add3A_2392 = arith.addf %add3A_2380, %get3A_2391 : vector<16xf32>
      %get3A_2393 = arith.constant 91 : i32
      %get3A_2394 = arith.index_cast %get3A_2393 : i32 to index
      %get3A_2395 = arith.constant 0 : index
      %get3A_2396 = tpu.vector_load %arg7[%get3A_2394, %get3A_2395] {strides = array<i32>} : memref<100x32xf32, #tpu.memory_space<vmem>>, vector<1x16xf32>,
      %get3A_2397 = vector.shape_cast %get3A_2396 : vector<1x16xf32> to vector<16xf32>
      %add3A_2398 = arith.addf %add3A_2386, %get3A_2397 : vector<16xf32>
      %get3A_2399 = arith.constant 91 : i32
      %get3A_2400 = arith.index_cast %get3A_2399 : i32 to index
      %get3A_2401 = arith.constant 16 : index
      %get3A_2402 = tpu.vector_load %arg7[%get3A_2400, %get3A_2401] {strides = array<i32>} : memref<100x32xf32, #tpu.memory_space<vmem>>, vector<1x16xf32>,
      %get3A_2403 = vector.shape_cast %get3A_2402 : vector<1x16xf32> to vector<16xf32>
      %add3A_2404 = arith.addf %add3A_2392, %get3A_2403 : vector<16xf32>
      %get3A_2405 = arith.constant 92 : i32
      %get3A_2406 = arith.index_cast %get3A_2405 : i32 to index
      %get3A_2407 = arith.constant 0 : index
      %get3A_2408 = tpu.vector_load %arg7[%get3A_2406, %get3A_2407] {strides = array<i32>} : memref<100x32xf32, #tpu.memory_space<vmem>>, vector<1x16xf32>,
      %get3A_2409 = vector.shape_cast %get3A_2408 : vector<1x16xf32> to vector<16xf32>
      %add3A_2410 = arith.addf %add3A_2398, %get3A_2409 : vector<16xf32>
      %get3A_2411 = arith.constant 92 : i32
      %get3A_2412 = arith.index_cast %get3A_2411 : i32 to index
      %get3A_2413 = arith.constant 16 : index
      %get3A_2414 = tpu.vector_load %arg7[%get3A_2412, %get3A_2413] {strides = array<i32>} : memref<100x32xf32, #tpu.memory_space<vmem>>, vector<1x16xf32>,
      %get3A_2415 = vector.shape_cast %get3A_2414 : vector<1x16xf32> to vector<16xf32>
      %add3A_2416 = arith.addf %add3A_2404, %get3A_2415 : vector<16xf32>
      %get3A_2417 = arith.constant 93 : i32
      %get3A_2418 = arith.index_cast %get3A_2417 : i32 to index
      %get3A_2419 = arith.constant 0 : index
      %get3A_2420 = tpu.vector_load %arg7[%get3A_2418, %get3A_2419] {strides = array<i32>} : memref<100x32xf32, #tpu.memory_space<vmem>>, vector<1x16xf32>,
      %get3A_2421 = vector.shape_cast %get3A_2420 : vector<1x16xf32> to vector<16xf32>
      %add3A_2422 = arith.addf %add3A_2410, %get3A_2421 : vector<16xf32>
      %get3A_2423 = arith.constant 93 : i32
      %get3A_2424 = arith.index_cast %get3A_2423 : i32 to index
      %get3A_2425 = arith.constant 16 : index
      %get3A_2426 = tpu.vector_load %arg7[%get3A_2424, %get3A_2425] {strides = array<i32>} : memref<100x32xf32, #tpu.memory_space<vmem>>, vector<1x16xf32>,
      %get3A_2427 = vector.shape_cast %get3A_2426 : vector<1x16xf32> to vector<16xf32>
      %add3A_2428 = arith.addf %add3A_2416, %get3A_2427 : vector<16xf32>
      %get3A_2429 = arith.constant 94 : i32
      %get3A_2430 = arith.index_cast %get3A_2429 : i32 to index
      %get3A_2431 = arith.constant 0 : index
      %get3A_2432 = tpu.vector_load %arg7[%get3A_2430, %get3A_2431] {strides = array<i32>} : memref<100x32xf32, #tpu.memory_space<vmem>>, vector<1x16xf32>,
      %get3A_2433 = vector.shape_cast %get3A_2432 : vector<1x16xf32> to vector<16xf32>
      %add3A_2434 = arith.addf %add3A_2422, %get3A_2433 : vector<16xf32>
      %get3A_2435 = arith.constant 94 : i32
      %get3A_2436 = arith.index_cast %get3A_2435 : i32 to index
      %get3A_2437 = arith.constant 16 : index
      %get3A_2438 = tpu.vector_load %arg7[%get3A_2436, %get3A_2437] {strides = array<i32>} : memref<100x32xf32, #tpu.memory_space<vmem>>, vector<1x16xf32>,
      %get3A_2439 = vector.shape_cast %get3A_2438 : vector<1x16xf32> to vector<16xf32>
      %add3A_2440 = arith.addf %add3A_2428, %get3A_2439 : vector<16xf32>
      %get3A_2441 = arith.constant 95 : i32
      %get3A_2442 = arith.index_cast %get3A_2441 : i32 to index
      %get3A_2443 = arith.constant 0 : index
      %get3A_2444 = tpu.vector_load %arg7[%get3A_2442, %get3A_2443] {strides = array<i32>} : memref<100x32xf32, #tpu.memory_space<vmem>>, vector<1x16xf32>,
      %get3A_2445 = vector.shape_cast %get3A_2444 : vector<1x16xf32> to vector<16xf32>
      %add3A_2446 = arith.addf %add3A_2434, %get3A_2445 : vector<16xf32>
      %get3A_2447 = arith.constant 95 : i32
      %get3A_2448 = arith.index_cast %get3A_2447 : i32 to index
      %get3A_2449 = arith.constant 16 : index
      %get3A_2450 = tpu.vector_load %arg7[%get3A_2448, %get3A_2449] {strides = array<i32>} : memref<100x32xf32, #tpu.memory_space<vmem>>, vector<1x16xf32>,
      %get3A_2451 = vector.shape_cast %get3A_2450 : vector<1x16xf32> to vector<16xf32>
      %add3A_2452 = arith.addf %add3A_2440, %get3A_2451 : vector<16xf32>
      %get3A_2453 = arith.constant 96 : i32
      %get3A_2454 = arith.index_cast %get3A_2453 : i32 to index
      %get3A_2455 = arith.constant 0 : index
      %get3A_2456 = tpu.vector_load %arg7[%get3A_2454, %get3A_2455] {strides = array<i32>} : memref<100x32xf32, #tpu.memory_space<vmem>>, vector<1x16xf32>,
      %get3A_2457 = vector.shape_cast %get3A_2456 : vector<1x16xf32> to vector<16xf32>
      %add3A_2458 = arith.addf %add3A_2446, %get3A_2457 : vector<16xf32>
      %get3A_2459 = arith.constant 96 : i32
      %get3A_2460 = arith.index_cast %get3A_2459 : i32 to index
      %get3A_2461 = arith.constant 16 : index
      %get3A_2462 = tpu.vector_load %arg7[%get3A_2460, %get3A_2461] {strides = array<i32>} : memref<100x32xf32, #tpu.memory_space<vmem>>, vector<1x16xf32>,
      %get3A_2463 = vector.shape_cast %get3A_2462 : vector<1x16xf32> to vector<16xf32>
      %add3A_2464 = arith.addf %add3A_2452, %get3A_2463 : vector<16xf32>
      %get3A_2465 = arith.constant 97 : i32
      %get3A_2466 = arith.index_cast %get3A_2465 : i32 to index
      %get3A_2467 = arith.constant 0 : index
      %get3A_2468 = tpu.vector_load %arg7[%get3A_2466, %get3A_2467] {strides = array<i32>} : memref<100x32xf32, #tpu.memory_space<vmem>>, vector<1x16xf32>,
      %get3A_2469 = vector.shape_cast %get3A_2468 : vector<1x16xf32> to vector<16xf32>
      %add3A_2470 = arith.addf %add3A_2458, %get3A_2469 : vector<16xf32>
      %get3A_2471 = arith.constant 97 : i32
      %get3A_2472 = arith.index_cast %get3A_2471 : i32 to index
      %get3A_2473 = arith.constant 16 : index
      %get3A_2474 = tpu.vector_load %arg7[%get3A_2472, %get3A_2473] {strides = array<i32>} : memref<100x32xf32, #tpu.memory_space<vmem>>, vector<1x16xf32>,
      %get3A_2475 = vector.shape_cast %get3A_2474 : vector<1x16xf32> to vector<16xf32>
      %add3A_2476 = arith.addf %add3A_2464, %get3A_2475 : vector<16xf32>
      %get3A_2477 = arith.constant 98 : i32
      %get3A_2478 = arith.index_cast %get3A_2477 : i32 to index
      %get3A_2479 = arith.constant 0 : index
      %get3A_2480 = tpu.vector_load %arg7[%get3A_2478, %get3A_2479] {strides = array<i32>} : memref<100x32xf32, #tpu.memory_space<vmem>>, vector<1x16xf32>,
      %get3A_2481 = vector.shape_cast %get3A_2480 : vector<1x16xf32> to vector<16xf32>
      %add3A_2482 = arith.addf %add3A_2470, %get3A_2481 : vector<16xf32>
      %get3A_2483 = arith.constant 98 : i32
      %get3A_2484 = arith.index_cast %get3A_2483 : i32 to index
      %get3A_2485 = arith.constant 16 : index
      %get3A_2486 = tpu.vector_load %arg7[%get3A_2484, %get3A_2485] {strides = array<i32>} : memref<100x32xf32, #tpu.memory_space<vmem>>, vector<1x16xf32>,
      %get3A_2487 = vector.shape_cast %get3A_2486 : vector<1x16xf32> to vector<16xf32>
      %add3A_2488 = arith.addf %add3A_2476, %get3A_2487 : vector<16xf32>
      %get3A_2489 = arith.constant 99 : i32
      %get3A_2490 = arith.index_cast %get3A_2489 : i32 to index
      %get3A_2491 = arith.constant 0 : index
      %get3A_2492 = tpu.vector_load %arg7[%get3A_2490, %get3A_2491] {strides = array<i32>} : memref<100x32xf32, #tpu.memory_space<vmem>>, vector<1x16xf32>,
      %get3A_2493 = vector.shape_cast %get3A_2492 : vector<1x16xf32> to vector<16xf32>
      %add3A_2494 = arith.addf %add3A_2482, %get3A_2493 : vector<16xf32>
      %get3A_2495 = arith.constant 99 : i32
      %get3A_2496 = arith.index_cast %get3A_2495 : i32 to index
      %get3A_2497 = arith.constant 16 : index
      %get3A_2498 = tpu.vector_load %arg7[%get3A_2496, %get3A_2497] {strides = array<i32>} : memref<100x32xf32, #tpu.memory_space<vmem>>, vector<1x16xf32>,
      %get3A_2499 = vector.shape_cast %get3A_2498 : vector<1x16xf32> to vector<16xf32>
      %add3A_2500 = arith.addf %add3A_2488, %get3A_2499 : vector<16xf32>
      %mul3A_2501 = vector.broadcast %scan3A : f32 to vector<16xf32>
      %mul3A_2502 = arith.mulf %add3A_2494, %mul3A_2501 : vector<16xf32>
      %mul3A_2503 = arith.constant 2 : i32
      %mul3A_2504 = arith.muli %add3A_1276, %mul3A_2503 : i32
      %add3A_2505 = arith.constant 1 : i32
      %add3A_2506 = arith.addi %mul3A_2504, %add3A_2505 : i32
      %swap3A_2507 = arith.index_cast %add3A_2506 : i32 to index
      %swap3A_2508 = arith.constant 0 : index
      %swap3A_2509 = tpu.vector_load %arg8[%swap3A_2507, %swap3A_2508] {strides = array<i32>} : memref<512x32xf32, #tpu.memory_space<vmem>>, vector<1x16xf32>,
      %swap3A_2510 = vector.shape_cast %swap3A_2509 : vector<1x16xf32> to vector<16xf32>
      %swap3A_2511 = vector.shape_cast %mul3A_2502 : vector<16xf32> to vector<1x16xf32>
      tpu.vector_store %arg8[%swap3A_2507, %swap3A_2508], %swap3A_2511 {strides = array<i32>} : memref<512x32xf32, #tpu.memory_space<vmem>>, vector<1x16xf32>,
      %mul3A_2512 = vector.broadcast %scan3A : f32 to vector<16xf32>
      %mul3A_2513 = arith.mulf %add3A_2500, %mul3A_2512 : vector<16xf32>
      %mul3A_2514 = arith.constant 2 : i32
      %mul3A_2515 = arith.muli %add3A_1276, %mul3A_2514 : i32
      %add3A_2516 = arith.constant 1 : i32
      %add3A_2517 = arith.addi %mul3A_2515, %add3A_2516 : i32
      %swap3A_2518 = arith.index_cast %add3A_2517 : i32 to index
      %swap3A_2519 = arith.constant 16 : index
      %swap3A_2520 = tpu.vector_load %arg8[%swap3A_2518, %swap3A_2519] {strides = array<i32>} : memref<512x32xf32, #tpu.memory_space<vmem>>, vector<1x16xf32>,
      %swap3A_2521 = vector.shape_cast %swap3A_2520 : vector<1x16xf32> to vector<16xf32>
      %swap3A_2522 = vector.shape_cast %mul3A_2513 : vector<16xf32> to vector<1x16xf32>
      tpu.vector_store %arg8[%swap3A_2518, %swap3A_2519], %swap3A_2522 {strides = array<i32>} : memref<512x32xf32, #tpu.memory_space<vmem>>, vector<1x16xf32>,
      %add3A_2523 = arith.constant 2 : i32
      %add3A_2524 = arith.addi %add3A_1276, %add3A_2523 : i32
      %lt3A_2525 = arith.constant 256 : i32
      %lt3A_2526 = arith.cmpi slt, %add3A_2524, %lt3A_2525 : i32
      %convert_element_type3A_2527 = arith.extui %lt3A_2526 : i1 to i32
      %cond3A_2528 = arith.constant 0 : i32
      %cond3A_2529 = arith.cmpi ne, %convert_element_type3A_2527, %cond3A_2528 : i32
      scf.if %cond3A_2529 {
        %add3A_2530 = arith.constant 2 : i32
        %add3A_2531 = arith.addi %add3A_1276, %add3A_2530 : i32
        %dma_start3A_2532 = arith.constant 0 : i32
        %dma_start3A_2533 = tpu.memref_slice %arg5[%add3A_2531, %dma_start3A_2532] : memref<256x100xi32, #tpu.memory_space<vmem>> -> memref<1x100xi32, #tpu.memory_space<vmem>>
        %dma_start3A_2534 = tpu.memref_squeeze %dma_start3A_2533 : memref<1x100xi32, #tpu.memory_space<vmem>> -> memref<100xi32, #tpu.memory_space<vmem>>
        %dma_start3A_2535 = arith.constant 0 : i32
        %dma_start3A_2536 = arith.constant 0 : i32
        %dma_start3A_2537 = tpu.memref_slice %arg2[%dma_start3A_2535, %dma_start3A_2536] : memref<1000000x32xf32, #tpu.memory_space<hbm>> -> memref<1000000x32xf32, #tpu.memory_space<hbm>>
        tpu.enqueue_indirect_dma source(%dma_start3A_2537 : memref<1000000x32xf32, #tpu.memory_space<hbm>>) target(%arg7 : memref<100x32xf32, #tpu.memory_space<vmem>>) offsets(%dma_start3A_2534 : memref<100xi32, #tpu.memory_space<vmem>>) semaphore(%arg10 : memref<!tpu.dma_semaphore, #tpu.memory_space<semaphore_mem>>)
      } else {
      }
    }
    %scan3A_18 = arith.constant 128 : i32
    %mul3A_19 = arith.constant 512 : i32
    %mul3A_20 = arith.muli %add3A, %mul3A_19 : i32
    "tpu.region"() ({
      %run_scoped3A = tpu.sem_alloc : memref<!tpu.dma_semaphore, #tpu.memory_space<semaphore_mem>>
      %dma_start3A_21 = arith.constant 0 : i32
      %dma_start3A_22 = tpu.memref_slice %arg4[%mul3A_20, %dma_start3A_21] : memref<16384x32xf32, #tpu.memory_space<hbm>> -> memref<512x32xf32, #tpu.memory_space<hbm>>
      %dma_start3A_23 = arith.constant 0 : i32
      %dma_start3A_24 = tpu.memref_slice %arg4[%mul3A_20, %dma_start3A_23] : memref<16384x32xf32, #tpu.memory_space<hbm>> -> memref<512x32xf32, #tpu.memory_space<hbm>>
      tpu.enqueue_dma source(%arg8 : memref<512x32xf32, #tpu.memory_space<vmem>>) target(%dma_start3A_24 : memref<512x32xf32, #tpu.memory_space<hbm>>) target_semaphore(%run_scoped3A : memref<!tpu.dma_semaphore, #tpu.memory_space<semaphore_mem>>)
      %dma_wait3A = arith.constant 0 : i32
      %dma_wait3A_25 = tpu.memref_slice %arg4[%mul3A_20, %dma_wait3A] : memref<16384x32xf32, #tpu.memory_space<hbm>> -> memref<512x32xf32, #tpu.memory_space<hbm>>
      %dma_wait3A_26 = arith.constant 0 : i32
      %dma_wait3A_27 = tpu.memref_slice %arg4[%mul3A_20, %dma_wait3A_26] : memref<16384x32xf32, #tpu.memory_space<hbm>> -> memref<512x32xf32, #tpu.memory_space<hbm>>
      tpu.wait_dma2 semaphore(%run_scoped3A : memref<!tpu.dma_semaphore, #tpu.memory_space<semaphore_mem>>) src(%arg8 : memref<512x32xf32, #tpu.memory_space<vmem>>) dst(%dma_wait3A_27 : memref<512x32xf32, #tpu.memory_space<hbm>>)
      tpu.yield
    }) : () -> ()
    return
  }
}

</mosaic_0001>

<sc_bundles>
// kernel: kernel.3.cloned.1.call-start
scs
__scs_entry_jumppad:
0x0: {  	(pc) =	sbr.rel $0x88, $3  }
0x1: {  	(tag) =	ssettag $0x0;
	lr =	simm.s32 $0x1  }
0x2: {  	[smem:$0x3F9F] =	sst lr;
	_ =	strace $0xD0000000  }
0x3: {  	_ = 	snop  }
0x4: {  	_ = 	snop  }
0x5: {  	_ = 	snop  }
0x6: {  	_ = 	snop  }
0x7: {  	_ = 	snop  }
__scs_overlays_trampoline_lowered:
0x8: {  	[smem:$0x3FAE] =	sst s0  }
0x9: {  	[smem:$0x3FAF] =	sst s1  }
0xa: {  	[smem:$0x3FB0] =	sst s2  }
0xb: {  	[smem:$0x3FB1] =	sst s3  }
0xc: {  	[smem:$0x3FB2] =	sst s4  }
0xd: {  	[smem:$0x3FB3] =	sst s5  }
0xe: {  	[smem:$0x3FB4] =	sst s6  }
0xf: {  	[smem:$0x3FB5] =	sst s7  }
0x10: {  	[smem:$0x3FB6] =	sst s8  }
0x11: {  	[smem:$0x3FB7] =	sst s9;
	s0 =	simm.s32 @!p0 $0x0  }
0x12: {  	s1 =	sld [smem:$0x3F9D];
	s0 =	simm.s32 @p0 $0x1  }
0x13: {  	[smem:$0x3FB8] =	sst s0;
	s0 =	simm.s32 @!p1 $0x0  }
0x14: {  	s2 =	sld [smem:$0x3F9C];
	s0 =	simm.s32 @p1 $0x1  }
0x15: {  	[smem:$0x3FB9] =	sst s0;
	s0 =	simm.s32 @!p2 $0x0  }
0x16: {  	s3 =	sld [smem:$0x3FDB];
	s0 =	simm.s32 @p2 $0x1  }
0x17: {  	s4 =	simm.s32 $0x1BF5;
	[smem:$0x3FBB] =	sst s0  }
0x18: {  	s0 =	sld [smem:$0x3F9E];
	_ =	swait.ge [sflag:s4], $0x0  }
0x19: {  	s7 =	sld [smem:$0x3F9F]  }
0x1a: {  	s8 =	sadd.s32 $0xFFFFE003, lr  }
0x1b: {  	s9 =	sadd.s32 $0xFFFFFEF7, lr;
	s5 =	simm.s32 $0xFFFFFFFF;
	p2 =	slt.u32 s8, $0xFFFFF086  }
0x1c: {  	p1 =	slt.u32 s9, $0xF7A;
	s5 =	simm.s32 @!p2 $0x0  }
0x1d: {  	s5 =	simm.s32 @p1 $0x1;
	p0 =	seq.s32 s7, s2  }
0x1e: {  	s7 =	smul.u32 @!p0 $0xF7A, s2;
	p2 =	seq.s32 @!p0 s5, $0x0  }
0x1f: {  	s9 =	smul.u32 $0xF7A, s1;
	s8 =	simm.s32 @!p0 $0x1BF5;
	p2 =	por !p2, p0  }
0x20: {  	[sflag:s8] =	ssyncset.s32 @!p0 $0xFFFFF086;
	s6 =	sadd.s32 @!p0 s3, s7;
	s7 =	simm.s32 @!p0 $0x108  }
0x21: {  	s3 =	sadd.s32 s3, s9;
	s6 =	sadd.s32 @!p0 $0x88, s6;
	s7 =	simm.s32 @p2 $0x1082  }
0x22: {  	[simem:s7], [sflag:s8] =	dma.local @!p0 [hbm:s6], $0xF7A  }
0x23: {  	s9 =	sor.u32 $0xD0000000, s2;
	s6 =	simm.s32 $0x108;
	_ =	swait.ge @!p0 [sflag:s8], $0x0  }
0x24: {  	s3 =	sadd.s32 $0x88, s3;
	s6 =	simm.s32 @!p1 $0x1082;
	[sflag:s4] =	ssyncset.s32 $0xFFFFF086  }
0x25: {  	[simem:s6], [sflag:s4] =	dma.local [hbm:s3], $0xF7A  }
0x26: {  	[smem:$0x3F9F] =	sst s1;
	(tag) =	ssettag s2;
	_ =	strace s9  }
0x27: {  	s1 =	sld [smem:$0x3FAF]  }
0x28: {  	s2 =	sld [smem:$0x3FB0]  }
0x29: {  	s4 =	sld [smem:$0x3FB2]  }
0x2a: {  	p0 =	seq.s32 s5, $0x0;
	s5 =	sld [smem:$0x3FB3]  }
0x2b: {  	s6 =	sld [smem:$0x3FB4]  }
0x2c: {  	s7 =	sld [smem:$0x3FB5]  }
0x2d: {  	s3 =	simm.s32 $0x108;
	s8 =	sld [smem:$0x3FB6]  }
0x2e: {  	s3 =	simm.s32 @!p0 $0x1082;
	s9 =	sld [smem:$0x3FB7]  }
0x2f: {  	lr =	sadd.s32 s0, s3;
	s0 =	sld [smem:$0x3FAE]  }
0x30: {  	s3 =	sld [smem:$0x3FB1]  }
0x31: {  	[smem:$0x3FBA] =	sst s10  }
0x32: {  	s10 =	sld [smem:$0x3FB8];
	_ =	sdelay $0x3  }
0x33: {  	p0 =	seq.s32 s10, $0x1;
	s10 =	sld [smem:$0x3FBA];
	_ =	sdelay $0x3  }
0x34: {  	[smem:$0x3FBA] =	sst s10  }
0x35: {  	s10 =	sld [smem:$0x3FB9];
	_ =	sdelay $0x3  }
0x36: {  	p1 =	seq.s32 s10, $0x1;
	s10 =	sld [smem:$0x3FBA];
	_ =	sdelay $0x3  }
0x37: {  	[smem:$0x3FBA] =	sst s10  }
0x38: {  	s10 =	sld [smem:$0x3FBB]  }
0x39: {  	_ = 	snop;
	(pc) =	sbr.ind lr, $3  }
0x3a: {  	_ = 	snop  }
0x3b: {  	_ = 	snop  }
0x3c: {  	p2 =	seq.s32 s10, $0x1;
	s10 =	sld [smem:$0x3FBA]  }
0x3d: {  	_ =	shalt  }
0x3e: {  	_ =	shalt  }
0x3f: {  	_ =	shalt  }
0x40: {  	_ =	shalt  }
0x41: {  	_ =	shalt  }
0x42: {  	_ =	shalt  }
0x43: {  	_ =	shalt  }
0x44: {  	_ =	shalt  }
0x45: {  	_ =	shalt  }
0x46: {  	_ =	shalt  }
0x47: {  	_ =	shalt  }
0x48: {  	_ =	shalt  }
0x49: {  	_ =	shalt  }
0x4a: {  	_ =	shalt  }
0x4b: {  	_ =	shalt  }
0x4c: {  	_ =	shalt  }
0x4d: {  	_ =	shalt  }
0x4e: {  	_ =	shalt  }
0x4f: {  	_ =	shalt  }
0x50: {  	_ =	shalt  }
0x51: {  	_ =	shalt  }
0x52: {  	_ =	shalt  }
0x53: {  	_ =	shalt  }
0x54: {  	_ =	shalt  }
0x55: {  	_ =	shalt  }
0x56: {  	_ =	shalt  }
0x57: {  	_ =	shalt  }
0x58: {  	_ =	shalt  }
0x59: {  	_ =	shalt  }
0x5a: {  	_ =	shalt  }
0x5b: {  	_ =	shalt  }
0x5c: {  	_ =	shalt  }
0x5d: {  	_ =	shalt  }
0x5e: {  	_ =	shalt  }
0x5f: {  	_ =	shalt  }
0x60: {  	_ =	shalt  }
0x61: {  	_ =	shalt  }
0x62: {  	_ =	shalt  }
0x63: {  	_ =	shalt  }
0x64: {  	_ =	shalt  }
0x65: {  	_ =	shalt  }
0x66: {  	_ =	shalt  }
0x67: {  	_ =	shalt  }
0x68: {  	_ =	shalt  }
0x69: {  	_ =	shalt  }
0x6a: {  	_ =	shalt  }
0x6b: {  	_ =	shalt  }
0x6c: {  	_ =	shalt  }
0x6d: {  	_ =	shalt  }
0x6e: {  	_ =	shalt  }
0x6f: {  	_ =	shalt  }
0x70: {  	_ =	shalt  }
0x71: {  	_ =	shalt  }
0x72: {  	_ =	shalt  }
0x73: {  	_ =	shalt  }
0x74: {  	_ =	shalt  }
0x75: {  	_ =	shalt  }
0x76: {  	_ =	shalt  }
0x77: {  	_ =	shalt  }
0x78: {  	_ =	shalt  }
0x79: {  	_ =	shalt  }
0x7a: {  	_ =	shalt  }
0x7b: {  	_ =	shalt  }
0x7c: {  	_ =	shalt  }
0x7d: {  	_ =	shalt  }
0x7e: {  	_ =	shalt  }
0x7f: {  	_ =	shalt  }
0x80: {  	_ =	shalt  }
0x81: {  	_ =	shalt  }
0x82: {  	_ =	shalt  }
0x83: {  	_ =	shalt  }
0x84: {  	_ =	shalt  }
0x85: {  	_ =	shalt  }
0x86: {  	_ =	shalt  }
0x87: {  	_ =	shalt  }
.Lfunc_end0:
.L_simem_size_0:
called_computation_lowered:
.L_overlay_start_0:
0x88: {  	s2 =	sld [smem:$0x3FD9]  }
0x89: {  	s3 =	sld [smem:$0x3FFE];
	_ =	sdelay $0x1  }
0x8a: {  	s1 =	srdreg.scid  }
0x8b: {  	s0 =	sand.u32 $0x1, s1  }
0x8c: {  	s17 =	sshll.u32 s0, $0xA;
	s2 =	sadd.s32 s3, s2  }
0x8d: {  	s2 =	sadd.s32 s2, s17  }
0x8e: {  	[smem:$0x3FC6] =	sst s2  }
0x8f: {  	_ = 	snop  }
0x90: {  	s2 =	sld [smem:$0x3FD0];
	(tm) =	ssettm $0x1  }
0x91: {  	s18 =	sld [smem:$0x3FFB];
	_ =	sdelay $0x3  }
0x92: {  	_ =	strace s18  }
0x93: {  	s3 =	sld [smem:$0x3FFC];
	_ =	sdelay $0x3  }
0x94: {  	_ =	strace s3  }
0x95: {  	s3 =	sld [smem:$0x3FFD];
	_ =	sdelay $0x3  }
0x96: {  	_ =	strace s3  }
0x97: {  	_ =	strace $0x8FFFFFFF  }
0x98: {  	s19 =	sld [smem:$0x3FDB];
	_ =	sdelay $0x1  }
0x99: {  	s4 =	simm.s32 $_scs_section_size  }
0x9a: {  	s5 =	simm.s32 $_size__tile_overlayer_lowered;
	s6 =	simm.s32 $_tile_overlayer_lowered  }
0x9b: {  	s22 =	simm.s32 $0x1BFF;
	s21 =	sshll.u32 s6, $0x1;
	s3 =	sadd.s32 s4, s19  }
0x9c: {  	s7 =	simm.s32 $0x0;
	s20 =	sshll.u32 s5, $0x1;
	s5 =	sadd.s32 s21, s3  }
0x9d: {  	[timem:s7], [sflag:s22] =	dma.local [hbm:s5], s20  }
0x9e: {  	_ =	swait.ge [sflag:s22], s20  }
0x9f: {  	s4 =	ssub.s32 $0x0, s20;
	[sflag:s22] =	ssyncset.done $0x0  }
0xa0: {  	[sflag:s22] =	ssyncadd.s32 s4;
	_ =	sdelay $0x1  }
0xa1: {  	s23 =	simm.s32 $0x1B8B  }
0xa2: {  	_ =	swait.ge [sflag:s23], $0x1  }
0xa3: {  	[sflag:s23] =	ssyncset.done $0x0  }
0xa4: {  	s25 =	simm.s32 $0x1B8E;
	s24 =	sld [smem:$0x3FFE];
	[sflag:s23] =	ssyncadd.s32 $0xFFFFFFFF  }
0xa5: {  	s26 =	simm.s32 $execute0_lowered;
	[smem:$0x3FD2] =	sst s25  }
0xa6: {  	s5 =	sshll.u32 s26, $0x1;
	_ =	strace $0x80000046;
	[dreg:$0x1] =	wrdreg $0xFFFFFFFF  }
0xa7: {  	s28 =	simm.s32 $_size_execute0_lowered;
	s3 =	sadd.s32 s3, s5;
	[dreg:$0x0] =	wrdreg $0x0  }
0xa8: {  	s5 =	sshll.u32 s28, $0x1;
	[dreg:$0x2] =	wrdreg s3  }
0xa9: {  	[dreg:$0x3] =	wrdreg s5  }
0xaa: {  	[dreg:$0x4] =	wrdreg $0xC0  }
0xab: {  	_ =	task [dreg:s7], $0x5FFFF  }
0xac: {  	[dreg:$0x1] =	wrdreg $0xFFFFFFFF  }
0xad: {  	[dreg:$0x0] =	wrdreg $0x60  }
0xae: {  	[dreg:$0x2] =	wrdreg s24  }
0xaf: {  	[dreg:$0x3] =	wrdreg s2  }
0xb0: {  	[dreg:$0x4] =	wrdreg $0x9  }
0xb1: {  	_ =	task.clear_ibuf [dreg:s7], $0x5FFFF;
	_ =	strace $0x90000046  }
0xb2: {  	s29 =	simm.s32 $0x9;
	_ =	strace $0x80000048  }
0xb3: {  	_ =	swait.ge [sflag:s29], $0x1  }
0xb4: {  	[sflag:s29] =	ssyncadd.s32 $0xFFFFFFFF  }
0xb5: {  	_ =	strace $0x90000048  }
0xb6: {  	_ =	sfence  }
0xb7: {  	s30 =	sld [smem:$0x0];
	_ =	sdelay $0x2  }
0xb8: {  	s31 =	sshll.u32 s1, $0xD;
	s1 =	sshrl.u32 s1, $0x2  }
0xb9: {  	s3 =	sand.u32 $0x4000, s31;
	s1 =	sadd.s32 s1, s30  }
0xba: {  	s0 =	sor.u32 s3, s0;
	s1 =	sshll.u32 s1, $0x11  }
0xbb: {  	s0 =	sor.u32 s1, s0  }
0xbc: {  	s0 =	sadd.s32 $0x8F2B, s0  }
0xbd: {  	[sflag:s0] =	ssyncadd.remote.s32 $0x1  }
0xbe: {  	_ =	sfence.sel $0xFFFF  }
0xbf: {  	[dreg:$0x0] =	wrdreg $0xFFFFFFFF;
	(pc) =	sbr.abs _section_cstart, $3  }
0xc0: {  	[dreg:$0x1] =	wrdreg $0xFFFFFFFF  }
0xc1: {  	_ =	task.clear_ibuf [dreg:s7], $0x2FFFF;
	_ =	strace $0x9FFFFFFF  }
0xc2: {  	(tm) =	ssettm $0x7FFFFFFF  }
0xc3: {  	_ =	shalt  }
tec
execute0_lowered:
.L_overlay_start_1:
0x0: {  	(tag) =	ssettag $0x1  }
0x1: {  	s4 =	rddreg [dreg:$0x0];
	s1 =	srdreg.scid  }
0x2: {  	s0 =	stileid.u32;
	s5 =	rddreg [dreg:$0x1]  }
0x3: {  	s2 =	simm.s32 $0x0;
	s10 =	simm.s32 $0x68;
	s11 =	simm.s32 $0x7480  }
0x4: {  	s12 =	simm.s32 $0x1;
	s13 =	simm.s32 $0x2;
	s14 =	simm.s32 $0x8100  }
0x5: {  	s3 =	sand.u32 $0x1, s1;
	s6 =	sshll.u32 s0, $0x1;
	s1 =	rddreg [dreg:$0x2]  }
0x6: {  	s15 =	simm.s32 $0x0;
	[smem:$0x7FF] =	sst s2;
	s6 =	sor.u32 s3, s6  }
.Ltmp0:
0x7: {  	s8 =	ssub.s32 $0x2, s3;
	_ =	strace $0x80000047;
	(pc) =	sbr.rel .LBB2_1-.Ltmp0, $4  }
0x8: {  	s7 =	smul.u32 $0xD00, s6;
	s9 =	sshrl.u32 s8, $0x1;
	s6 =	sshll.u32 s6, $0xB  }
0x9: {  	s3 =	sadd.s32 $0xF42A00, s4;
	s31 =	ssub.s32 s8, s9;
	s5 =	sadd.s32 s5, s6  }
0xa: {  	s8 =	simm.s32 $0x64;
	s9 =	simm.s32 $0x6800;
	s4 =	sadd.s32 s7, s4  }
0xb: {  	s6 =	smax.u32 s31, $0x1;
	s7 =	simm.s32 $0x3;
	s4 =	sadd.s32 $0x600, s4  }
.LBB2_4:
0xc: {  	s15 =	sadd.s32 $0x1, s15  }
0xd: {  	p0 =	sne.s32 s15, s6  }
.Ltmp1:
0xe: {  	_ = 	snop;
	(pc) =	sbr.rel @!p0 .LBB2_5-.Ltmp1, $4  }
0xf: {  	[hbm4b:s5+s2] =	stream.linear.scatter [tilespmem:s14], [sflag:$0x3], $0x4000, $0x38;
	[tilespmem:$0xC100] =	vst v63  }
0x10: {  	_ =	swait.ge [sflag:s7], $0x4000  }
0x11: {  	[sflag:s7] =	ssyncset.done $0x0  }
0x12: {  	[sflag:s7] =	ssyncadd.s32 $0xFFFFC000  }
.LBB2_1:
0x13: {  	[tilespmem:s2], [sflag:$0x3] =	stream.linear.gather [hbm4b:s4+s2], $0x6800, $0x38;
	[tilespmem:$0xC100] =	vst v63  }
0x14: {  	_ =	swait.ge [sflag:s7], $0x6800  }
0x15: {  	[sflag:s7] =	ssyncset.done $0x0  }
0x16: {  	[sflag:s7] =	ssyncadd.s32 $0xFFFF9800  }
0x17: {  	[tilespmem:s9], [sflag:$0x1] =	stream.indirect.gather [hbm4b:s3+s8], $0x20, s2, s8, $0xb8;
	[tilespmem:$0xC100] =	vst v63  }
0x18: {  	s16 =	simm.s32 $0xFFFE6340;
	s17 =	simm.s32 $0x8140  }
0x19: {  	[tilespmem:s11], [sflag:$0x2] =	stream.indirect.gather [hbm4b:s3+s8], $0x20, s10, s8, $0xb8;
	[tilespmem:$0xC100] =	vst v63  }
.LBB2_2:
0x1a: {  	_ =	swait.ge [sflag:s12], $0xC80  }
0x1b: {  	[sflag:s12] =	ssyncset.done $0x0  }
0x1c: {  	[sflag:s12] =	ssyncadd.s32 $0xFFFFF380  }
0x1d: {  	v0 =	vld [tilespmem:$0x6800]  }
0x1e: {  	v1 =	vld [tilespmem:$0x6810]  }
0x1f: {  	v2 =	vld [tilespmem:$0x6820]  }
0x20: {  	v3 =	vld [tilespmem:$0x6830]  }
0x21: {  	v4 =	vld [tilespmem:$0x6840]  }
0x22: {  	v5 =	vld [tilespmem:$0x6850]  }
0x23: {  	v6 =	vld [tilespmem:$0x6860]  }
0x24: {  	v60 =	vld [tilespmem:$0x6870];
	v0 =	vadd.f32 v2, v0  }
0x25: {  	v61 =	vld [tilespmem:$0x6880];
	v1 =	vadd.f32 v3, v1  }
0x26: {  	v62 =	vld [tilespmem:$0x6890];
	v0 =	vadd.f32 v4, v0  }
0x27: {  	v63 =	vld [tilespmem:$0x68A0];
	v1 =	vadd.f32 v5, v1  }
0x28: {  	v9 =	vld [tilespmem:$0x68B0];
	v0 =	vadd.f32 v6, v0  }
0x29: {  	v10 =	vld [tilespmem:$0x68C0];
	v1 =	vadd.f32 v60, v1  }
0x2a: {  	v11 =	vld [tilespmem:$0x68D0];
	v0 =	vadd.f32 v61, v0  }
0x2b: {  	v12 =	vld [tilespmem:$0x68E0];
	v1 =	vadd.f32 v62, v1  }
0x2c: {  	v13 =	vld [tilespmem:$0x68F0];
	v0 =	vadd.f32 v63, v0  }
0x2d: {  	v14 =	vld [tilespmem:$0x6900];
	v1 =	vadd.f32 v9, v1  }
0x2e: {  	v15 =	vld [tilespmem:$0x6910];
	v0 =	vadd.f32 v10, v0  }
0x2f: {  	v16 =	vld [tilespmem:$0x6920];
	v1 =	vadd.f32 v11, v1  }
0x30: {  	v17 =	vld [tilespmem:$0x6930];
	v0 =	vadd.f32 v12, v0  }
0x31: {  	v18 =	vld [tilespmem:$0x6940];
	v1 =	vadd.f32 v13, v1  }
0x32: {  	v19 =	vld [tilespmem:$0x6950];
	v0 =	vadd.f32 v14, v0  }
0x33: {  	v20 =	vld [tilespmem:$0x6960];
	v1 =	vadd.f32 v15, v1  }
0x34: {  	v21 =	vld [tilespmem:$0x6970];
	v0 =	vadd.f32 v16, v0  }
0x35: {  	v22 =	vld [tilespmem:$0x6980];
	v1 =	vadd.f32 v17, v1  }
0x36: {  	v23 =	vld [tilespmem:$0x6990];
	v0 =	vadd.f32 v18, v0  }
0x37: {  	v24 =	vld [tilespmem:$0x69A0];
	v1 =	vadd.f32 v19, v1  }
0x38: {  	v25 =	vld [tilespmem:$0x69B0];
	v0 =	vadd.f32 v20, v0  }
0x39: {  	v26 =	vld [tilespmem:$0x69C0];
	v1 =	vadd.f32 v21, v1  }
0x3a: {  	v27 =	vld [tilespmem:$0x69D0];
	v0 =	vadd.f32 v22, v0  }
0x3b: {  	v28 =	vld [tilespmem:$0x69E0];
	v1 =	vadd.f32 v23, v1  }
0x3c: {  	v29 =	vld [tilespmem:$0x69F0];
	v0 =	vadd.f32 v24, v0  }
0x3d: {  	v30 =	vld [tilespmem:$0x6A00];
	v1 =	vadd.f32 v25, v1  }
0x3e: {  	v31 =	vld [tilespmem:$0x6A10];
	v0 =	vadd.f32 v26, v0  }
0x3f: {  	v32 =	vld [tilespmem:$0x6A20];
	v1 =	vadd.f32 v27, v1  }
0x40: {  	v33 =	vld [tilespmem:$0x6A30];
	v0 =	vadd.f32 v28, v0  }
0x41: {  	v34 =	vld [tilespmem:$0x6A40];
	v1 =	vadd.f32 v29, v1  }
0x42: {  	v35 =	vld [tilespmem:$0x6A50];
	v0 =	vadd.f32 v30, v0  }
0x43: {  	v36 =	vld [tilespmem:$0x6A60];
	v1 =	vadd.f32 v31, v1  }
0x44: {  	v37 =	vld [tilespmem:$0x6A70];
	v0 =	vadd.f32 v32, v0  }
0x45: {  	v38 =	vld [tilespmem:$0x6A80];
	v1 =	vadd.f32 v33, v1  }
0x46: {  	v39 =	vld [tilespmem:$0x6A90];
	v0 =	vadd.f32 v34, v0  }
0x47: {  	v40 =	vld [tilespmem:$0x6AA0];
	v1 =	vadd.f32 v35, v1  }
0x48: {  	v41 =	vld [tilespmem:$0x6AB0];
	v0 =	vadd.f32 v36, v0  }
0x49: {  	v42 =	vld [tilespmem:$0x6AC0];
	v1 =	vadd.f32 v37, v1  }
0x4a: {  	v43 =	vld [tilespmem:$0x6AD0];
	v0 =	vadd.f32 v38, v0  }
0x4b: {  	v44 =	vld [tilespmem:$0x6AE0];
	v1 =	vadd.f32 v39, v1  }
0x4c: {  	v45 =	vld [tilespmem:$0x6AF0];
	v0 =	vadd.f32 v40, v0  }
0x4d: {  	v46 =	vld [tilespmem:$0x6B00];
	v1 =	vadd.f32 v41, v1  }
0x4e: {  	v47 =	vld [tilespmem:$0x6B10];
	v0 =	vadd.f32 v42, v0  }
0x4f: {  	v48 =	vld [tilespmem:$0x6B20];
	v1 =	vadd.f32 v43, v1  }
0x50: {  	v49 =	vld [tilespmem:$0x6B30];
	v0 =	vadd.f32 v44, v0  }
0x51: {  	v50 =	vld [tilespmem:$0x6B40];
	v1 =	vadd.f32 v45, v1  }
0x52: {  	v51 =	vld [tilespmem:$0x6B50];
	v0 =	vadd.f32 v46, v0  }
0x53: {  	v52 =	vld [tilespmem:$0x6B60];
	v1 =	vadd.f32 v47, v1  }
0x54: {  	v53 =	vld [tilespmem:$0x6B70];
	v0 =	vadd.f32 v48, v0  }
0x55: {  	v54 =	vld [tilespmem:$0x6B80];
	v1 =	vadd.f32 v49, v1  }
0x56: {  	v55 =	vld [tilespmem:$0x6B90];
	v0 =	vadd.f32 v50, v0  }
0x57: {  	v56 =	vld [tilespmem:$0x6BA0];
	v1 =	vadd.f32 v51, v1  }
0x58: {  	v57 =	vld [tilespmem:$0x6BB0];
	v0 =	vadd.f32 v52, v0  }
0x59: {  	v58 =	vld [tilespmem:$0x6BC0];
	v1 =	vadd.f32 v53, v1  }
0x5a: {  	v59 =	vld [tilespmem:$0x6BD0];
	v0 =	vadd.f32 v54, v0  }
0x5b: {  	v60 =	vld [tilespmem:$0x6BE0];
	v1 =	vadd.f32 v55, v1  }
0x5c: {  	v61 =	vld [tilespmem:$0x6BF0];
	v0 =	vadd.f32 v56, v0  }
0x5d: {  	v62 =	vld [tilespmem:$0x6C00];
	v1 =	vadd.f32 v57, v1  }
0x5e: {  	v63 =	vld [tilespmem:$0x6C10];
	v0 =	vadd.f32 v58, v0  }
0x5f: {  	v9 =	vld [tilespmem:$0x6C20];
	v1 =	vadd.f32 v59, v1  }
0x60: {  	v10 =	vld [tilespmem:$0x6C30];
	v0 =	vadd.f32 v60, v0  }
0x61: {  	v11 =	vld [tilespmem:$0x6C40];
	v1 =	vadd.f32 v61, v1  }
0x62: {  	v12 =	vld [tilespmem:$0x6C50];
	v0 =	vadd.f32 v62, v0  }
0x63: {  	v13 =	vld [tilespmem:$0x6C60];
	v1 =	vadd.f32 v63, v1  }
0x64: {  	v14 =	vld [tilespmem:$0x6C70];
	v0 =	vadd.f32 v9, v0  }
0x65: {  	v15 =	vld [tilespmem:$0x6C80];
	v1 =	vadd.f32 v10, v1  }
0x66: {  	v16 =	vld [tilespmem:$0x6C90];
	v0 =	vadd.f32 v11, v0  }
0x67: {  	v17 =	vld [tilespmem:$0x6CA0];
	v1 =	vadd.f32 v12, v1  }
0x68: {  	v18 =	vld [tilespmem:$0x6CB0];
	v0 =	vadd.f32 v13, v0  }
0x69: {  	v19 =	vld [tilespmem:$0x6CC0];
	v1 =	vadd.f32 v14, v1  }
0x6a: {  	v20 =	vld [tilespmem:$0x6CD0];
	v0 =	vadd.f32 v15, v0  }
0x6b: {  	v21 =	vld [tilespmem:$0x6CE0];
	v1 =	vadd.f32 v16, v1  }
0x6c: {  	v22 =	vld [tilespmem:$0x6CF0];
	v0 =	vadd.f32 v17, v0  }
0x6d: {  	v23 =	vld [tilespmem:$0x6D00];
	v1 =	vadd.f32 v18, v1  }
0x6e: {  	v24 =	vld [tilespmem:$0x6D10];
	v0 =	vadd.f32 v19, v0  }
0x6f: {  	v25 =	vld [tilespmem:$0x6D20];
	v1 =	vadd.f32 v20, v1  }
0x70: {  	v26 =	vld [tilespmem:$0x6D30];
	v0 =	vadd.f32 v21, v0  }
0x71: {  	v27 =	vld [tilespmem:$0x6D40];
	v1 =	vadd.f32 v22, v1  }
0x72: {  	v28 =	vld [tilespmem:$0x6D50];
	v0 =	vadd.f32 v23, v0  }
0x73: {  	v29 =	vld [tilespmem:$0x6D60];
	v1 =	vadd.f32 v24, v1  }
0x74: {  	v30 =	vld [tilespmem:$0x6D70];
	v0 =	vadd.f32 v25, v0  }
0x75: {  	v31 =	vld [tilespmem:$0x6D80];
	v1 =	vadd.f32 v26, v1  }
0x76: {  	v32 =	vld [tilespmem:$0x6D90];
	v0 =	vadd.f32 v27, v0  }
0x77: {  	v33 =	vld [tilespmem:$0x6DA0];
	v1 =	vadd.f32 v28, v1  }
0x78: {  	v34 =	vld [tilespmem:$0x6DB0];
	v0 =	vadd.f32 v29, v0  }
0x79: {  	v35 =	vld [tilespmem:$0x6DC0];
	v1 =	vadd.f32 v30, v1  }
0x7a: {  	v36 =	vld [tilespmem:$0x6DD0];
	v0 =	vadd.f32 v31, v0  }
0x7b: {  	v37 =	vld [tilespmem:$0x6DE0];
	v1 =	vadd.f32 v32, v1  }
0x7c: {  	v38 =	vld [tilespmem:$0x6DF0];
	v0 =	vadd.f32 v33, v0  }
0x7d: {  	v39 =	vld [tilespmem:$0x6E00];
	v1 =	vadd.f32 v34, v1  }
0x7e: {  	v40 =	vld [tilespmem:$0x6E10];
	v0 =	vadd.f32 v35, v0  }
0x7f: {  	v41 =	vld [tilespmem:$0x6E20];
	v1 =	vadd.f32 v36, v1  }
0x80: {  	v42 =	vld [tilespmem:$0x6E30];
	v0 =	vadd.f32 v37, v0  }
0x81: {  	v1 =	vadd.f32 v38, v1  }
0x82: {  	v0 =	vadd.f32 v39, v0  }
0x83: {  	v1 =	vadd.f32 v40, v1  }
0x84: {  	v0 =	vadd.f32 v41, v0  }
0x85: {  	v1 =	vadd.f32 v42, v1  }
0x86: {  	v0 =	vmul.f32 $1.999999960e-02, v0  }
0x87: {  	v1 =	vmul.f32 $1.999999960e-02, v1  }
0x88: {  	[tilespmem:s17+$0xFFFFFFC0] =	vst v0  }
0x89: {  	[tilespmem:s17+$0xFFFFFFD0] =	vst v1  }
0x8a: {  	v0 =	vld [tilespmem:$0x6E40]  }
0x8b: {  	v1 =	vld [tilespmem:$0x6E50]  }
0x8c: {  	v43 =	vld [tilespmem:$0x6E60]  }
0x8d: {  	v44 =	vld [tilespmem:$0x6E70]  }
0x8e: {  	v45 =	vld [tilespmem:$0x6E80]  }
0x8f: {  	v46 =	vld [tilespmem:$0x6E90]  }
0x90: {  	v47 =	vld [tilespmem:$0x6EA0]  }
0x91: {  	v48 =	vld [tilespmem:$0x6EB0];
	v0 =	vadd.f32 v43, v0  }
0x92: {  	v49 =	vld [tilespmem:$0x6EC0];
	v1 =	vadd.f32 v44, v1  }
0x93: {  	v50 =	vld [tilespmem:$0x6ED0];
	v0 =	vadd.f32 v45, v0  }
0x94: {  	v51 =	vld [tilespmem:$0x6EE0];
	v1 =	vadd.f32 v46, v1  }
0x95: {  	v52 =	vld [tilespmem:$0x6EF0];
	v0 =	vadd.f32 v47, v0  }
0x96: {  	v53 =	vld [tilespmem:$0x6F00];
	v1 =	vadd.f32 v48, v1  }
0x97: {  	v54 =	vld [tilespmem:$0x6F10];
	v0 =	vadd.f32 v49, v0  }
0x98: {  	v55 =	vld [tilespmem:$0x6F20];
	v1 =	vadd.f32 v50, v1  }
0x99: {  	v56 =	vld [tilespmem:$0x6F30];
	v0 =	vadd.f32 v51, v0  }
0x9a: {  	v57 =	vld [tilespmem:$0x6F40];
	v1 =	vadd.f32 v52, v1  }
0x9b: {  	v58 =	vld [tilespmem:$0x6F50];
	v0 =	vadd.f32 v53, v0  }
0x9c: {  	v59 =	vld [tilespmem:$0x6F60];
	v1 =	vadd.f32 v54, v1  }
0x9d: {  	v60 =	vld [tilespmem:$0x6F70];
	v0 =	vadd.f32 v55, v0  }
0x9e: {  	v61 =	vld [tilespmem:$0x6F80];
	v1 =	vadd.f32 v56, v1  }
0x9f: {  	v62 =	vld [tilespmem:$0x6F90];
	v0 =	vadd.f32 v57, v0  }
0xa0: {  	v63 =	vld [tilespmem:$0x6FA0];
	v1 =	vadd.f32 v58, v1  }
0xa1: {  	v9 =	vld [tilespmem:$0x6FB0];
	v0 =	vadd.f32 v59, v0  }
0xa2: {  	v10 =	vld [tilespmem:$0x6FC0];
	v1 =	vadd.f32 v60, v1  }
0xa3: {  	v11 =	vld [tilespmem:$0x6FD0];
	v0 =	vadd.f32 v61, v0  }
0xa4: {  	v12 =	vld [tilespmem:$0x6FE0];
	v1 =	vadd.f32 v62, v1  }
0xa5: {  	v13 =	vld [tilespmem:$0x6FF0];
	v0 =	vadd.f32 v63, v0  }
0xa6: {  	v14 =	vld [tilespmem:$0x7000];
	v1 =	vadd.f32 v9, v1  }
0xa7: {  	v15 =	vld [tilespmem:$0x7010];
	v0 =	vadd.f32 v10, v0  }
0xa8: {  	v16 =	vld [tilespmem:$0x7020];
	v1 =	vadd.f32 v11, v1  }
0xa9: {  	v17 =	vld [tilespmem:$0x7030];
	v0 =	vadd.f32 v12, v0  }
0xaa: {  	v18 =	vld [tilespmem:$0x7040];
	v1 =	vadd.f32 v13, v1  }
0xab: {  	v19 =	vld [tilespmem:$0x7050];
	v0 =	vadd.f32 v14, v0  }
0xac: {  	v20 =	vld [tilespmem:$0x7060];
	v1 =	vadd.f32 v15, v1  }
0xad: {  	v21 =	vld [tilespmem:$0x7070];
	v0 =	vadd.f32 v16, v0  }
0xae: {  	v22 =	vld [tilespmem:$0x7080];
	v1 =	vadd.f32 v17, v1  }
0xaf: {  	v23 =	vld [tilespmem:$0x7090];
	v0 =	vadd.f32 v18, v0  }
0xb0: {  	v24 =	vld [tilespmem:$0x70A0];
	v1 =	vadd.f32 v19, v1  }
0xb1: {  	v25 =	vld [tilespmem:$0x70B0];
	v0 =	vadd.f32 v20, v0  }
0xb2: {  	v26 =	vld [tilespmem:$0x70C0];
	v1 =	vadd.f32 v21, v1  }
0xb3: {  	v27 =	vld [tilespmem:$0x70D0];
	v0 =	vadd.f32 v22, v0  }
0xb4: {  	v28 =	vld [tilespmem:$0x70E0];
	v1 =	vadd.f32 v23, v1  }
0xb5: {  	v29 =	vld [tilespmem:$0x70F0];
	v0 =	vadd.f32 v24, v0  }
0xb6: {  	v30 =	vld [tilespmem:$0x7100];
	v1 =	vadd.f32 v25, v1  }
0xb7: {  	v31 =	vld [tilespmem:$0x7110];
	v0 =	vadd.f32 v26, v0  }
0xb8: {  	v32 =	vld [tilespmem:$0x7120];
	v1 =	vadd.f32 v27, v1  }
0xb9: {  	v33 =	vld [tilespmem:$0x7130];
	v0 =	vadd.f32 v28, v0  }
0xba: {  	v34 =	vld [tilespmem:$0x7140];
	v1 =	vadd.f32 v29, v1  }
0xbb: {  	v35 =	vld [tilespmem:$0x7150];
	v0 =	vadd.f32 v30, v0  }
0xbc: {  	v36 =	vld [tilespmem:$0x7160];
	v1 =	vadd.f32 v31, v1  }
0xbd: {  	v37 =	vld [tilespmem:$0x7170];
	v0 =	vadd.f32 v32, v0  }
0xbe: {  	v38 =	vld [tilespmem:$0x7180];
	v1 =	vadd.f32 v33, v1  }
0xbf: {  	v39 =	vld [tilespmem:$0x7190];
	v0 =	vadd.f32 v34, v0  }
0xc0: {  	v40 =	vld [tilespmem:$0x71A0];
	v1 =	vadd.f32 v35, v1  }
0xc1: {  	v41 =	vld [tilespmem:$0x71B0];
	v0 =	vadd.f32 v36, v0  }
0xc2: {  	v42 =	vld [tilespmem:$0x71C0];
	v1 =	vadd.f32 v37, v1  }
0xc3: {  	v43 =	vld [tilespmem:$0x71D0];
	v0 =	vadd.f32 v38, v0  }
0xc4: {  	v44 =	vld [tilespmem:$0x71E0];
	v1 =	vadd.f32 v39, v1  }
0xc5: {  	v45 =	vld [tilespmem:$0x71F0];
	v0 =	vadd.f32 v40, v0  }
0xc6: {  	v46 =	vld [tilespmem:$0x7200];
	v1 =	vadd.f32 v41, v1  }
0xc7: {  	v47 =	vld [tilespmem:$0x7210];
	v0 =	vadd.f32 v42, v0  }
0xc8: {  	v48 =	vld [tilespmem:$0x7220];
	v1 =	vadd.f32 v43, v1  }
0xc9: {  	v49 =	vld [tilespmem:$0x7230];
	v0 =	vadd.f32 v44, v0  }
0xca: {  	v50 =	vld [tilespmem:$0x7240];
	v1 =	vadd.f32 v45, v1  }
0xcb: {  	v51 =	vld [tilespmem:$0x7250];
	v0 =	vadd.f32 v46, v0  }
0xcc: {  	v52 =	vld [tilespmem:$0x7260];
	v1 =	vadd.f32 v47, v1  }
0xcd: {  	v53 =	vld [tilespmem:$0x7270];
	v0 =	vadd.f32 v48, v0  }
0xce: {  	v54 =	vld [tilespmem:$0x7280];
	v1 =	vadd.f32 v49, v1  }
0xcf: {  	v55 =	vld [tilespmem:$0x7290];
	v0 =	vadd.f32 v50, v0  }
0xd0: {  	v56 =	vld [tilespmem:$0x72A0];
	v1 =	vadd.f32 v51, v1  }
0xd1: {  	v57 =	vld [tilespmem:$0x72B0];
	v0 =	vadd.f32 v52, v0  }
0xd2: {  	v58 =	vld [tilespmem:$0x72C0];
	v1 =	vadd.f32 v53, v1  }
0xd3: {  	v59 =	vld [tilespmem:$0x72D0];
	v0 =	vadd.f32 v54, v0  }
0xd4: {  	v60 =	vld [tilespmem:$0x72E0];
	v1 =	vadd.f32 v55, v1  }
0xd5: {  	v61 =	vld [tilespmem:$0x72F0];
	v0 =	vadd.f32 v56, v0  }
0xd6: {  	v62 =	vld [tilespmem:$0x7300];
	v1 =	vadd.f32 v57, v1  }
0xd7: {  	v63 =	vld [tilespmem:$0x7310];
	v0 =	vadd.f32 v58, v0  }
0xd8: {  	v9 =	vld [tilespmem:$0x7320];
	v1 =	vadd.f32 v59, v1  }
0xd9: {  	v10 =	vld [tilespmem:$0x7330];
	v0 =	vadd.f32 v60, v0  }
0xda: {  	v11 =	vld [tilespmem:$0x7340];
	v1 =	vadd.f32 v61, v1  }
0xdb: {  	v12 =	vld [tilespmem:$0x7350];
	v0 =	vadd.f32 v62, v0  }
0xdc: {  	v13 =	vld [tilespmem:$0x7360];
	v1 =	vadd.f32 v63, v1  }
0xdd: {  	v14 =	vld [tilespmem:$0x7370];
	v0 =	vadd.f32 v9, v0  }
0xde: {  	v15 =	vld [tilespmem:$0x7380];
	v1 =	vadd.f32 v10, v1  }
0xdf: {  	v16 =	vld [tilespmem:$0x7390];
	v0 =	vadd.f32 v11, v0  }
0xe0: {  	v17 =	vld [tilespmem:$0x73A0];
	v1 =	vadd.f32 v12, v1  }
0xe1: {  	v18 =	vld [tilespmem:$0x73B0];
	v0 =	vadd.f32 v13, v0  }
0xe2: {  	v19 =	vld [tilespmem:$0x73C0];
	v1 =	vadd.f32 v14, v1  }
0xe3: {  	v20 =	vld [tilespmem:$0x73D0];
	v0 =	vadd.f32 v15, v0  }
0xe4: {  	v21 =	vld [tilespmem:$0x73E0];
	v1 =	vadd.f32 v16, v1  }
0xe5: {  	v22 =	vld [tilespmem:$0x73F0];
	v0 =	vadd.f32 v17, v0  }
0xe6: {  	v23 =	vld [tilespmem:$0x7400];
	v1 =	vadd.f32 v18, v1  }
0xe7: {  	v24 =	vld [tilespmem:$0x7410];
	v0 =	vadd.f32 v19, v0  }
0xe8: {  	v25 =	vld [tilespmem:$0x7420];
	v1 =	vadd.f32 v20, v1  }
0xe9: {  	v26 =	vld [tilespmem:$0x7430];
	v0 =	vadd.f32 v21, v0  }
0xea: {  	v27 =	vld [tilespmem:$0x7440];
	v1 =	vadd.f32 v22, v1  }
0xeb: {  	v28 =	vld [tilespmem:$0x7450];
	v0 =	vadd.f32 v23, v0  }
0xec: {  	v29 =	vld [tilespmem:$0x7460];
	v1 =	vadd.f32 v24, v1  }
0xed: {  	v30 =	vld [tilespmem:$0x7470];
	v0 =	vadd.f32 v25, v0  }
0xee: {  	v1 =	vadd.f32 v26, v1  }
0xef: {  	v0 =	vadd.f32 v27, v0  }
0xf0: {  	v1 =	vadd.f32 v28, v1  }
0xf1: {  	v0 =	vadd.f32 v29, v0  }
0xf2: {  	v1 =	vadd.f32 v30, v1  }
0xf3: {  	v0 =	vmul.f32 $1.999999960e-02, v0  }
0xf4: {  	p0 =	seq.s32 s16, $0x0;
	v1 =	vmul.f32 $1.999999960e-02, v1  }
0xf5: {  	s18 =	sshra.s32 @!p0 s16, $0x2;
	[tilespmem:s17+$0xFFFFFFE0] =	vst v0  }
0xf6: {  	s19 =	simm.s32 @!p0 $0x64;
	s20 =	simm.s32 @!p0 $0x6800;
	s18 =	sadd.s32 @!p0 $0x6800, s18;
	[tilespmem:s17+$0xFFFFFFF0] =	vst v1  }
0xf7: {  	[tilespmem:s20], [sflag:$0x1] =	stream.indirect.gather @!p0 [hbm4b:s3+s19], $0x20, s18, s19, $0xb8;
	[tilespmem:$0xC100] =	vst v63  }
0xf8: {  	_ =	swait.ge [sflag:s13], $0xC80  }
0xf9: {  	[sflag:s13] =	ssyncset.done $0x0  }
0xfa: {  	[sflag:s13] =	ssyncadd.s32 $0xFFFFF380  }
0xfb: {  	v31 =	vld [tilespmem:$0x7480]  }
0xfc: {  	v32 =	vld [tilespmem:$0x7490]  }
0xfd: {  	v33 =	vld [tilespmem:$0x74A0]  }
0xfe: {  	v34 =	vld [tilespmem:$0x74B0]  }
0xff: {  	v35 =	vld [tilespmem:$0x74C0]  }
0x100: {  	v36 =	vld [tilespmem:$0x74D0]  }
0x101: {  	v37 =	vld [tilespmem:$0x74E0]  }
0x102: {  	v38 =	vld [tilespmem:$0x74F0];
	v0 =	vadd.f32 v33, v31  }
0x103: {  	v39 =	vld [tilespmem:$0x7500];
	v1 =	vadd.f32 v34, v32  }
0x104: {  	v40 =	vld [tilespmem:$0x7510];
	v0 =	vadd.f32 v35, v0  }
0x105: {  	v41 =	vld [tilespmem:$0x7520];
	v1 =	vadd.f32 v36, v1  }
0x106: {  	v42 =	vld [tilespmem:$0x7530];
	v0 =	vadd.f32 v37, v0  }
0x107: {  	v43 =	vld [tilespmem:$0x7540];
	v1 =	vadd.f32 v38, v1  }
0x108: {  	v44 =	vld [tilespmem:$0x7550];
	v0 =	vadd.f32 v39, v0  }
0x109: {  	v45 =	vld [tilespmem:$0x7560];
	v1 =	vadd.f32 v40, v1  }
0x10a: {  	v46 =	vld [tilespmem:$0x7570];
	v0 =	vadd.f32 v41, v0  }
0x10b: {  	v47 =	vld [tilespmem:$0x7580];
	v1 =	vadd.f32 v42, v1  }
0x10c: {  	v48 =	vld [tilespmem:$0x7590];
	v0 =	vadd.f32 v43, v0  }
0x10d: {  	v49 =	vld [tilespmem:$0x75A0];
	v1 =	vadd.f32 v44, v1  }
0x10e: {  	v50 =	vld [tilespmem:$0x75B0];
	v0 =	vadd.f32 v45, v0  }
0x10f: {  	v51 =	vld [tilespmem:$0x75C0];
	v1 =	vadd.f32 v46, v1  }
0x110: {  	v52 =	vld [tilespmem:$0x75D0];
	v0 =	vadd.f32 v47, v0  }
0x111: {  	v53 =	vld [tilespmem:$0x75E0];
	v1 =	vadd.f32 v48, v1  }
0x112: {  	v54 =	vld [tilespmem:$0x75F0];
	v0 =	vadd.f32 v49, v0  }
0x113: {  	v55 =	vld [tilespmem:$0x7600];
	v1 =	vadd.f32 v50, v1  }
0x114: {  	v56 =	vld [tilespmem:$0x7610];
	v0 =	vadd.f32 v51, v0  }
0x115: {  	v57 =	vld [tilespmem:$0x7620];
	v1 =	vadd.f32 v52, v1  }
0x116: {  	v58 =	vld [tilespmem:$0x7630];
	v0 =	vadd.f32 v53, v0  }
0x117: {  	v59 =	vld [tilespmem:$0x7640];
	v1 =	vadd.f32 v54, v1  }
0x118: {  	v60 =	vld [tilespmem:$0x7650];
	v0 =	vadd.f32 v55, v0  }
0x119: {  	v61 =	vld [tilespmem:$0x7660];
	v1 =	vadd.f32 v56, v1  }
0x11a: {  	v62 =	vld [tilespmem:$0x7670];
	v0 =	vadd.f32 v57, v0  }
0x11b: {  	v63 =	vld [tilespmem:$0x7680];
	v1 =	vadd.f32 v58, v1  }
0x11c: {  	v9 =	vld [tilespmem:$0x7690];
	v0 =	vadd.f32 v59, v0  }
0x11d: {  	v10 =	vld [tilespmem:$0x76A0];
	v1 =	vadd.f32 v60, v1  }
0x11e: {  	v11 =	vld [tilespmem:$0x76B0];
	v0 =	vadd.f32 v61, v0  }
0x11f: {  	v12 =	vld [tilespmem:$0x76C0];
	v1 =	vadd.f32 v62, v1  }
0x120: {  	v13 =	vld [tilespmem:$0x76D0];
	v0 =	vadd.f32 v63, v0  }
0x121: {  	v14 =	vld [tilespmem:$0x76E0];
	v1 =	vadd.f32 v9, v1  }
0x122: {  	v15 =	vld [tilespmem:$0x76F0];
	v0 =	vadd.f32 v10, v0  }
0x123: {  	v16 =	vld [tilespmem:$0x7700];
	v1 =	vadd.f32 v11, v1  }
0x124: {  	v17 =	vld [tilespmem:$0x7710];
	v0 =	vadd.f32 v12, v0  }
0x125: {  	v18 =	vld [tilespmem:$0x7720];
	v1 =	vadd.f32 v13, v1  }
0x126: {  	v19 =	vld [tilespmem:$0x7730];
	v0 =	vadd.f32 v14, v0  }
0x127: {  	v20 =	vld [tilespmem:$0x7740];
	v1 =	vadd.f32 v15, v1  }
0x128: {  	v21 =	vld [tilespmem:$0x7750];
	v0 =	vadd.f32 v16, v0  }
0x129: {  	v22 =	vld [tilespmem:$0x7760];
	v1 =	vadd.f32 v17, v1  }
0x12a: {  	v23 =	vld [tilespmem:$0x7770];
	v0 =	vadd.f32 v18, v0  }
0x12b: {  	v24 =	vld [tilespmem:$0x7780];
	v1 =	vadd.f32 v19, v1  }
0x12c: {  	v25 =	vld [tilespmem:$0x7790];
	v0 =	vadd.f32 v20, v0  }
0x12d: {  	v26 =	vld [tilespmem:$0x77A0];
	v1 =	vadd.f32 v21, v1  }
0x12e: {  	v27 =	vld [tilespmem:$0x77B0];
	v0 =	vadd.f32 v22, v0  }
0x12f: {  	v28 =	vld [tilespmem:$0x77C0];
	v1 =	vadd.f32 v23, v1  }
0x130: {  	v29 =	vld [tilespmem:$0x77D0];
	v0 =	vadd.f32 v24, v0  }
0x131: {  	v30 =	vld [tilespmem:$0x77E0];
	v1 =	vadd.f32 v25, v1  }
0x132: {  	v31 =	vld [tilespmem:$0x77F0];
	v0 =	vadd.f32 v26, v0  }
0x133: {  	v32 =	vld [tilespmem:$0x7800];
	v1 =	vadd.f32 v27, v1  }
0x134: {  	v33 =	vld [tilespmem:$0x7810];
	v0 =	vadd.f32 v28, v0  }
0x135: {  	v34 =	vld [tilespmem:$0x7820];
	v1 =	vadd.f32 v29, v1  }
0x136: {  	v35 =	vld [tilespmem:$0x7830];
	v0 =	vadd.f32 v30, v0  }
0x137: {  	v36 =	vld [tilespmem:$0x7840];
	v1 =	vadd.f32 v31, v1  }
0x138: {  	v37 =	vld [tilespmem:$0x7850];
	v0 =	vadd.f32 v32, v0  }
0x139: {  	v38 =	vld [tilespmem:$0x7860];
	v1 =	vadd.f32 v33, v1  }
0x13a: {  	v39 =	vld [tilespmem:$0x7870];
	v0 =	vadd.f32 v34, v0  }
0x13b: {  	v40 =	vld [tilespmem:$0x7880];
	v1 =	vadd.f32 v35, v1  }
0x13c: {  	v41 =	vld [tilespmem:$0x7890];
	v0 =	vadd.f32 v36, v0  }
0x13d: {  	v42 =	vld [tilespmem:$0x78A0];
	v1 =	vadd.f32 v37, v1  }
0x13e: {  	v43 =	vld [tilespmem:$0x78B0];
	v0 =	vadd.f32 v38, v0  }
0x13f: {  	v44 =	vld [tilespmem:$0x78C0];
	v1 =	vadd.f32 v39, v1  }
0x140: {  	v45 =	vld [tilespmem:$0x78D0];
	v0 =	vadd.f32 v40, v0  }
0x141: {  	v46 =	vld [tilespmem:$0x78E0];
	v1 =	vadd.f32 v41, v1  }
0x142: {  	v47 =	vld [tilespmem:$0x78F0];
	v0 =	vadd.f32 v42, v0  }
0x143: {  	v48 =	vld [tilespmem:$0x7900];
	v1 =	vadd.f32 v43, v1  }
0x144: {  	v49 =	vld [tilespmem:$0x7910];
	v0 =	vadd.f32 v44, v0  }
0x145: {  	v50 =	vld [tilespmem:$0x7920];
	v1 =	vadd.f32 v45, v1  }
0x146: {  	v51 =	vld [tilespmem:$0x7930];
	v0 =	vadd.f32 v46, v0  }
0x147: {  	v52 =	vld [tilespmem:$0x7940];
	v1 =	vadd.f32 v47, v1  }
0x148: {  	v53 =	vld [tilespmem:$0x7950];
	v0 =	vadd.f32 v48, v0  }
0x149: {  	v54 =	vld [tilespmem:$0x7960];
	v1 =	vadd.f32 v49, v1  }
0x14a: {  	v55 =	vld [tilespmem:$0x7970];
	v0 =	vadd.f32 v50, v0  }
0x14b: {  	v56 =	vld [tilespmem:$0x7980];
	v1 =	vadd.f32 v51, v1  }
0x14c: {  	v57 =	vld [tilespmem:$0x7990];
	v0 =	vadd.f32 v52, v0  }
0x14d: {  	v58 =	vld [tilespmem:$0x79A0];
	v1 =	vadd.f32 v53, v1  }
0x14e: {  	v59 =	vld [tilespmem:$0x79B0];
	v0 =	vadd.f32 v54, v0  }
0x14f: {  	v60 =	vld [tilespmem:$0x79C0];
	v1 =	vadd.f32 v55, v1  }
0x150: {  	v61 =	vld [tilespmem:$0x79D0];
	v0 =	vadd.f32 v56, v0  }
0x151: {  	v62 =	vld [tilespmem:$0x79E0];
	v1 =	vadd.f32 v57, v1  }
0x152: {  	v63 =	vld [tilespmem:$0x79F0];
	v0 =	vadd.f32 v58, v0  }
0x153: {  	v9 =	vld [tilespmem:$0x7A00];
	v1 =	vadd.f32 v59, v1  }
0x154: {  	v10 =	vld [tilespmem:$0x7A10];
	v0 =	vadd.f32 v60, v0  }
0x155: {  	v11 =	vld [tilespmem:$0x7A20];
	v1 =	vadd.f32 v61, v1  }
0x156: {  	v12 =	vld [tilespmem:$0x7A30];
	v0 =	vadd.f32 v62, v0  }
0x157: {  	v13 =	vld [tilespmem:$0x7A40];
	v1 =	vadd.f32 v63, v1  }
0x158: {  	v14 =	vld [tilespmem:$0x7A50];
	v0 =	vadd.f32 v9, v0  }
0x159: {  	v15 =	vld [tilespmem:$0x7A60];
	v1 =	vadd.f32 v10, v1  }
0x15a: {  	v16 =	vld [tilespmem:$0x7A70];
	v0 =	vadd.f32 v11, v0  }
0x15b: {  	v17 =	vld [tilespmem:$0x7A80];
	v1 =	vadd.f32 v12, v1  }
0x15c: {  	v18 =	vld [tilespmem:$0x7A90];
	v0 =	vadd.f32 v13, v0  }
0x15d: {  	v19 =	vld [tilespmem:$0x7AA0];
	v1 =	vadd.f32 v14, v1  }
0x15e: {  	v20 =	vld [tilespmem:$0x7AB0];
	v0 =	vadd.f32 v15, v0  }
0x15f: {  	v1 =	vadd.f32 v16, v1  }
0x160: {  	v0 =	vadd.f32 v17, v0  }
0x161: {  	v1 =	vadd.f32 v18, v1  }
0x162: {  	v0 =	vadd.f32 v19, v0  }
0x163: {  	v1 =	vadd.f32 v20, v1  }
0x164: {  	v0 =	vmul.f32 $1.999999960e-02, v0  }
0x165: {  	v1 =	vmul.f32 $1.999999960e-02, v1  }
0x166: {  	[tilespmem:s17+$0x0] =	vst v0  }
0x167: {  	[tilespmem:s17+$0x10] =	vst v1  }
0x168: {  	v0 =	vld [tilespmem:$0x7AC0]  }
0x169: {  	v1 =	vld [tilespmem:$0x7AD0]  }
0x16a: {  	v21 =	vld [tilespmem:$0x7AE0]  }
0x16b: {  	v22 =	vld [tilespmem:$0x7AF0]  }
0x16c: {  	v23 =	vld [tilespmem:$0x7B00]  }
0x16d: {  	v24 =	vld [tilespmem:$0x7B10]  }
0x16e: {  	v25 =	vld [tilespmem:$0x7B20]  }
0x16f: {  	v26 =	vld [tilespmem:$0x7B30];
	v0 =	vadd.f32 v21, v0  }
0x170: {  	v27 =	vld [tilespmem:$0x7B40];
	v1 =	vadd.f32 v22, v1  }
0x171: {  	v28 =	vld [tilespmem:$0x7B50];
	v0 =	vadd.f32 v23, v0  }
0x172: {  	v29 =	vld [tilespmem:$0x7B60];
	v1 =	vadd.f32 v24, v1  }
0x173: {  	v30 =	vld [tilespmem:$0x7B70];
	v0 =	vadd.f32 v25, v0  }
0x174: {  	v31 =	vld [tilespmem:$0x7B80];
	v1 =	vadd.f32 v26, v1  }
0x175: {  	v32 =	vld [tilespmem:$0x7B90];
	v0 =	vadd.f32 v27, v0  }
0x176: {  	v33 =	vld [tilespmem:$0x7BA0];
	v1 =	vadd.f32 v28, v1  }
0x177: {  	v34 =	vld [tilespmem:$0x7BB0];
	v0 =	vadd.f32 v29, v0  }
0x178: {  	v35 =	vld [tilespmem:$0x7BC0];
	v1 =	vadd.f32 v30, v1  }
0x179: {  	v36 =	vld [tilespmem:$0x7BD0];
	v0 =	vadd.f32 v31, v0  }
0x17a: {  	v37 =	vld [tilespmem:$0x7BE0];
	v1 =	vadd.f32 v32, v1  }
0x17b: {  	v38 =	vld [tilespmem:$0x7BF0];
	v0 =	vadd.f32 v33, v0  }
0x17c: {  	v39 =	vld [tilespmem:$0x7C00];
	v1 =	vadd.f32 v34, v1  }
0x17d: {  	v40 =	vld [tilespmem:$0x7C10];
	v0 =	vadd.f32 v35, v0  }
0x17e: {  	v41 =	vld [tilespmem:$0x7C20];
	v1 =	vadd.f32 v36, v1  }
0x17f: {  	v42 =	vld [tilespmem:$0x7C30];
	v0 =	vadd.f32 v37, v0  }
0x180: {  	v43 =	vld [tilespmem:$0x7C40];
	v1 =	vadd.f32 v38, v1  }
0x181: {  	v44 =	vld [tilespmem:$0x7C50];
	v0 =	vadd.f32 v39, v0  }
0x182: {  	v45 =	vld [tilespmem:$0x7C60];
	v1 =	vadd.f32 v40, v1  }
0x183: {  	v46 =	vld [tilespmem:$0x7C70];
	v0 =	vadd.f32 v41, v0  }
0x184: {  	v47 =	vld [tilespmem:$0x7C80];
	v1 =	vadd.f32 v42, v1  }
0x185: {  	v48 =	vld [tilespmem:$0x7C90];
	v0 =	vadd.f32 v43, v0  }
0x186: {  	v49 =	vld [tilespmem:$0x7CA0];
	v1 =	vadd.f32 v44, v1  }
0x187: {  	v50 =	vld [tilespmem:$0x7CB0];
	v0 =	vadd.f32 v45, v0  }
0x188: {  	v51 =	vld [tilespmem:$0x7CC0];
	v1 =	vadd.f32 v46, v1  }
0x189: {  	v52 =	vld [tilespmem:$0x7CD0];
	v0 =	vadd.f32 v47, v0  }
0x18a: {  	v53 =	vld [tilespmem:$0x7CE0];
	v1 =	vadd.f32 v48, v1  }
0x18b: {  	v54 =	vld [tilespmem:$0x7CF0];
	v0 =	vadd.f32 v49, v0  }
0x18c: {  	v55 =	vld [tilespmem:$0x7D00];
	v1 =	vadd.f32 v50, v1  }
0x18d: {  	v56 =	vld [tilespmem:$0x7D10];
	v0 =	vadd.f32 v51, v0  }
0x18e: {  	v57 =	vld [tilespmem:$0x7D20];
	v1 =	vadd.f32 v52, v1  }
0x18f: {  	v58 =	vld [tilespmem:$0x7D30];
	v0 =	vadd.f32 v53, v0  }
0x190: {  	v59 =	vld [tilespmem:$0x7D40];
	v1 =	vadd.f32 v54, v1  }
0x191: {  	v60 =	vld [tilespmem:$0x7D50];
	v0 =	vadd.f32 v55, v0  }
0x192: {  	v61 =	vld [tilespmem:$0x7D60];
	v1 =	vadd.f32 v56, v1  }
0x193: {  	v62 =	vld [tilespmem:$0x7D70];
	v0 =	vadd.f32 v57, v0  }
0x194: {  	v63 =	vld [tilespmem:$0x7D80];
	v1 =	vadd.f32 v58, v1  }
0x195: {  	v9 =	vld [tilespmem:$0x7D90];
	v0 =	vadd.f32 v59, v0  }
0x196: {  	v10 =	vld [tilespmem:$0x7DA0];
	v1 =	vadd.f32 v60, v1  }
0x197: {  	v11 =	vld [tilespmem:$0x7DB0];
	v0 =	vadd.f32 v61, v0  }
0x198: {  	v12 =	vld [tilespmem:$0x7DC0];
	v1 =	vadd.f32 v62, v1  }
0x199: {  	v13 =	vld [tilespmem:$0x7DD0];
	v0 =	vadd.f32 v63, v0  }
0x19a: {  	v14 =	vld [tilespmem:$0x7DE0];
	v1 =	vadd.f32 v9, v1  }
0x19b: {  	v15 =	vld [tilespmem:$0x7DF0];
	v0 =	vadd.f32 v10, v0  }
0x19c: {  	v16 =	vld [tilespmem:$0x7E00];
	v1 =	vadd.f32 v11, v1  }
0x19d: {  	v17 =	vld [tilespmem:$0x7E10];
	v0 =	vadd.f32 v12, v0  }
0x19e: {  	v18 =	vld [tilespmem:$0x7E20];
	v1 =	vadd.f32 v13, v1  }
0x19f: {  	v19 =	vld [tilespmem:$0x7E30];
	v0 =	vadd.f32 v14, v0  }
0x1a0: {  	v20 =	vld [tilespmem:$0x7E40];
	v1 =	vadd.f32 v15, v1  }
0x1a1: {  	v21 =	vld [tilespmem:$0x7E50];
	v0 =	vadd.f32 v16, v0  }
0x1a2: {  	v22 =	vld [tilespmem:$0x7E60];
	v1 =	vadd.f32 v17, v1  }
0x1a3: {  	v23 =	vld [tilespmem:$0x7E70];
	v0 =	vadd.f32 v18, v0  }
0x1a4: {  	v24 =	vld [tilespmem:$0x7E80];
	v1 =	vadd.f32 v19, v1  }
0x1a5: {  	v25 =	vld [tilespmem:$0x7E90];
	v0 =	vadd.f32 v20, v0  }
0x1a6: {  	v26 =	vld [tilespmem:$0x7EA0];
	v1 =	vadd.f32 v21, v1  }
0x1a7: {  	v27 =	vld [tilespmem:$0x7EB0];
	v0 =	vadd.f32 v22, v0  }
0x1a8: {  	v28 =	vld [tilespmem:$0x7EC0];
	v1 =	vadd.f32 v23, v1  }
0x1a9: {  	v29 =	vld [tilespmem:$0x7ED0];
	v0 =	vadd.f32 v24, v0  }
0x1aa: {  	v30 =	vld [tilespmem:$0x7EE0];
	v1 =	vadd.f32 v25, v1  }
0x1ab: {  	v31 =	vld [tilespmem:$0x7EF0];
	v0 =	vadd.f32 v26, v0  }
0x1ac: {  	v32 =	vld [tilespmem:$0x7F00];
	v1 =	vadd.f32 v27, v1  }
0x1ad: {  	v33 =	vld [tilespmem:$0x7F10];
	v0 =	vadd.f32 v28, v0  }
0x1ae: {  	v34 =	vld [tilespmem:$0x7F20];
	v1 =	vadd.f32 v29, v1  }
0x1af: {  	v35 =	vld [tilespmem:$0x7F30];
	v0 =	vadd.f32 v30, v0  }
0x1b0: {  	v36 =	vld [tilespmem:$0x7F40];
	v1 =	vadd.f32 v31, v1  }
0x1b1: {  	v37 =	vld [tilespmem:$0x7F50];
	v0 =	vadd.f32 v32, v0  }
0x1b2: {  	v38 =	vld [tilespmem:$0x7F60];
	v1 =	vadd.f32 v33, v1  }
0x1b3: {  	v39 =	vld [tilespmem:$0x7F70];
	v0 =	vadd.f32 v34, v0  }
0x1b4: {  	v40 =	vld [tilespmem:$0x7F80];
	v1 =	vadd.f32 v35, v1  }
0x1b5: {  	v41 =	vld [tilespmem:$0x7F90];
	v0 =	vadd.f32 v36, v0  }
0x1b6: {  	v42 =	vld [tilespmem:$0x7FA0];
	v1 =	vadd.f32 v37, v1  }
0x1b7: {  	v43 =	vld [tilespmem:$0x7FB0];
	v0 =	vadd.f32 v38, v0  }
0x1b8: {  	v44 =	vld [tilespmem:$0x7FC0];
	v1 =	vadd.f32 v39, v1  }
0x1b9: {  	v45 =	vld [tilespmem:$0x7FD0];
	v0 =	vadd.f32 v40, v0  }
0x1ba: {  	v46 =	vld [tilespmem:$0x7FE0];
	v1 =	vadd.f32 v41, v1  }
0x1bb: {  	v47 =	vld [tilespmem:$0x7FF0];
	v0 =	vadd.f32 v42, v0  }
0x1bc: {  	v48 =	vld [tilespmem:$0x8000];
	v1 =	vadd.f32 v43, v1  }
0x1bd: {  	v49 =	vld [tilespmem:$0x8010];
	v0 =	vadd.f32 v44, v0  }
0x1be: {  	v50 =	vld [tilespmem:$0x8020];
	v1 =	vadd.f32 v45, v1  }
0x1bf: {  	v51 =	vld [tilespmem:$0x8030];
	v0 =	vadd.f32 v46, v0  }
0x1c0: {  	v52 =	vld [tilespmem:$0x8040];
	v1 =	vadd.f32 v47, v1  }
0x1c1: {  	v53 =	vld [tilespmem:$0x8050];
	v0 =	vadd.f32 v48, v0  }
0x1c2: {  	v54 =	vld [tilespmem:$0x8060];
	v1 =	vadd.f32 v49, v1  }
0x1c3: {  	v55 =	vld [tilespmem:$0x8070];
	v0 =	vadd.f32 v50, v0  }
0x1c4: {  	v56 =	vld [tilespmem:$0x8080];
	v1 =	vadd.f32 v51, v1  }
0x1c5: {  	v57 =	vld [tilespmem:$0x8090];
	v0 =	vadd.f32 v52, v0  }
0x1c6: {  	v58 =	vld [tilespmem:$0x80A0];
	v1 =	vadd.f32 v53, v1  }
0x1c7: {  	v59 =	vld [tilespmem:$0x80B0];
	v0 =	vadd.f32 v54, v0  }
0x1c8: {  	v60 =	vld [tilespmem:$0x80C0];
	v1 =	vadd.f32 v55, v1  }
0x1c9: {  	v61 =	vld [tilespmem:$0x80D0];
	v0 =	vadd.f32 v56, v0  }
0x1ca: {  	v62 =	vld [tilespmem:$0x80E0];
	v1 =	vadd.f32 v57, v1  }
0x1cb: {  	v63 =	vld [tilespmem:$0x80F0];
	v0 =	vadd.f32 v58, v0  }
0x1cc: {  	v1 =	vadd.f32 v59, v1  }
0x1cd: {  	v0 =	vadd.f32 v60, v0  }
0x1ce: {  	v1 =	vadd.f32 v61, v1  }
0x1cf: {  	v0 =	vadd.f32 v62, v0  }
.Ltmp2:
0x1d0: {  	v1 =	vadd.f32 v63, v1;
	(pc) =	sbr.rel @p0 .LBB2_4-.Ltmp2, $4  }
0x1d1: {  	v0 =	vmul.f32 $1.999999960e-02, v0  }
0x1d2: {  	v1 =	vmul.f32 $1.999999960e-02, v1  }
0x1d3: {  	[tilespmem:s17+$0x20] =	vst v0  }
0x1d4: {  	[tilespmem:s17+$0x30] =	vst v1  }
.Ltmp3:
0x1d5: {  	(pc) =	sbr.rel .LBB2_2-.Ltmp3, $4  }
0x1d6: {  	_ = 	snop  }
0x1d7: {  	s18 =	sshra.s32 s16, $0x2  }
0x1d8: {  	s16 =	sadd.s32 $0x340, s16;
	s17 =	sadd.s32 $0x80, s17;
	s18 =	sadd.s32 $0x6868, s18  }
0x1d9: {  	[tilespmem:s11], [sflag:$0x2] =	stream.indirect.gather [hbm4b:s3+s8], $0x20, s18, s8, $0xb8;
	[tilespmem:$0xC100] =	vst v63  }
.LBB2_5:
0x1da: {  	_ =	sfence.sel $0x180000  }
0x1db: {  	[bflag:$0x0] =	sbarrier.arrive $0xFFFF  }
0x1dc: {  	p0 =	sne.s32 s0, $0x0;
	_ =	strace $0x90000047  }
0x1dd: {  	s0 =	sadd.s32 @!p0 $0x100000, s1;
	[bflag:$0x2] =	sbarrier.arrive $0xFFFF  }
0x1de: {  	[sflag:s0] =	ssyncadd.tile.s32 @!p0 $0x1;
	_ =	shalt  }
.Lfunc_end2:
_tile_overlayer_lowered:
.L_overlay_start_2:
0x1df: {  	(tag) =	ssettag $0x2  }
0x1e0: {  	s0 =	rddreg [dreg:$0x0];
	s2 =	stileid.u32  }
0x1e1: {  	s1 =	rddreg [dreg:$0x1];
	p0 =	sne.s32 s2, $0x0  }
0x1e2: {  	s3 =	rddreg [dreg:$0x2];
	[bflag:$0x3] =	sbarrier.arrive $0xFFFF;
	s2 =	simm.s32 @!p0 $0x1C03  }
0x1e3: {  	[timem:s3], [sflag:s2] =	dma.local @!p0 [hbm:s0], s1  }
0x1e4: {  	s0 =	simm.s32 @!p0 $0x3  }
0x1e5: {  	_ =	swait.ge @!p0 [sflag:s0], s1  }
0x1e6: {  	s1 =	ssub.s32 @!p0 $0x0, s1;
	[sflag:s0] =	ssyncset.done @!p0 $0x0  }
0x1e7: {  	[sflag:s0] =	ssyncadd.s32 @!p0 s1  }
0x1e8: {  	[bflag:$0x3] =	sbarrier.arrive $0xFFFF  }
0x1e9: {  	_ =	shalt  }

</sc_bundles>
